<compile_context>
chip_gen: v7x
topology: tpu7x:2x2x1
jax: 0.10.2.dev20260603
libtpu: 0.0.44.dev20260713+nightly
codegen_flags: <defaults>
</compile_context>

<pallas_src>
import functools

import jax
import jax.numpy as jnp
from jax import lax
from jax.experimental import pallas as pl
from jax.experimental.pallas import tpu as pltpu
from jax.experimental.pallas import tpu_sc as plsc

N_CLASSES = 1000000
M_DIM = 32
BATCH = 16384

NUM_CORES = 2
NUM_SUBCORES = 16
LANES = 16
NUM_WORKERS = NUM_CORES * NUM_SUBCORES
B_SC = 12288
B_TC = BATCH - B_SC
B_PER_W = B_SC // NUM_WORKERS
CHUNK = 8
N_PAIRS = B_PER_W // LANES
TCH = 512
TC_STEPS = B_TC // TCH


def _rsqrt_newton(s):
  i = lax.bitcast_convert_type(s, jnp.int32)
  i = jnp.int32(0x5F3759DF) - lax.shift_right_logical(i, 1)
  y = lax.bitcast_convert_type(i, jnp.float32)
  half = s * 0.5
  for _ in range(3):
    y = y * (1.5 - half * y * y)
  return y


@jax.jit
def _embed_norm_t(idx, table_t):
  mesh = plsc.VectorSubcoreMesh(core_axis_name="c", subcore_axis_name="s")

  @functools.partial(
      pl.kernel,
      out_type=jax.ShapeDtypeStruct((M_DIM, B_SC), jnp.float32),
      mesh=mesh,
      scratch_types=[
          pltpu.VMEM((B_PER_W,), jnp.int32),
          pltpu.VMEM((CHUNK, M_DIM, 128), jnp.float32),
          pltpu.VMEM((CHUNK, M_DIM, 128), jnp.float32),
          pltpu.VMEM((M_DIM, B_PER_W), jnp.float32),
          pltpu.SemaphoreType.DMA,
          pltpu.SemaphoreType.DMA,
      ],
      compiler_params=pltpu.CompilerParams(
          needs_layout_passes=False, use_tc_tiling_on_sc=True
      ),
  )
  def k(idx_hbm, table_hbm, out_hbm, idx_v, blk_a, blk_b, out_v, sem_a, sem_b):
    wid = lax.axis_index("s") * NUM_CORES + lax.axis_index("c")
    base = wid * B_PER_W
    pltpu.sync_copy(idx_hbm.at[pl.ds(base, B_PER_W)], idx_v)
    lane_ids = lax.iota(jnp.int32, LANES)

    def issue(buf, sem, p, h):
      iv = idx_v[pl.ds(p * LANES, LANES)]
      for l in range(CHUNK):
        off = pl.multiple_of(
            lax.shift_right_logical(iv[h * CHUNK + l], 7) * 128, 128
        )
        pltpu.async_copy(table_hbm.at[:, pl.ds(off, 128)], buf.at[l], sem)

    def drain(buf, sem):
      for l in range(CHUNK):
        pltpu.make_async_copy(
            table_hbm.at[:, pl.ds(0, 128)], buf.at[l], sem
        ).wait()

    def compute(buf, p, h):
      iv = idx_v[pl.ds(p * LANES, LANES)]
      sub = iv & 127
      for l in range(CHUNK):
        j = jnp.broadcast_to(sub[h * CHUNK + l], (LANES,))
        rsel = jnp.broadcast_to(jnp.int32(l), (LANES,))
        v0 = plsc.load_gather(buf, [rsel, lane_ids, j])
        v1 = plsc.load_gather(buf, [rsel, lane_ids + LANES, j])
        ss = v0 * v0 + v1 * v1
        tot = jnp.broadcast_to(jnp.sum(ss), (LANES,))
        y = _rsqrt_newton(tot)
        col = jnp.broadcast_to(p * LANES + h * CHUNK + l, (LANES,))
        plsc.store_scatter(out_v, [lane_ids, col], v0 * y)
        plsc.store_scatter(out_v, [lane_ids + LANES, col], v1 * y)

    issue(blk_a, sem_a, 0, 0)

    @pl.loop(0, N_PAIRS)
    def _(i):
      issue(blk_b, sem_b, i, 1)
      drain(blk_a, sem_a)
      compute(blk_a, i, 0)

      @pl.when(i < N_PAIRS - 1)
      def _():
        issue(blk_a, sem_a, i + 1, 0)

      drain(blk_b, sem_b)
      compute(blk_b, i, 1)

    pltpu.sync_copy(out_v, out_hbm.at[:, pl.ds(base, B_PER_W)])

  return k(idx, table_t)


def _tc_body(idx_s, tab_ref, oh_ref, out_ref, blk, sems):
  g = pl.program_id(0)

  def issue(buf_i, step):
    def one(i, carry):
      ival = idx_s[step * TCH + i]
      off = pl.multiple_of(lax.shift_right_logical(ival, 7) * 128, 128)
      pltpu.make_async_copy(
          tab_ref.at[:, pl.ds(off, 128)], blk.at[buf_i, i], sems.at[buf_i]
      ).start()
      return carry

    lax.fori_loop(0, TCH, one, 0)

  @pl.when(g == 0)
  def _():
    issue(0, 0)

  @pl.when(g + 1 < TC_STEPS)
  def _():
    issue((g + 1) % 2, g + 1)

  b = g % 2

  def wait_one(i, carry):
    pltpu.make_async_copy(
        tab_ref.at[:, pl.ds(0, 128)], blk.at[b, i], sems.at[b]
    ).wait()
    return carry

  lax.fori_loop(0, TCH, wait_one, 0)

  data = blk[b]
  oh = oh_ref[...]
  sel = jnp.sum(data * oh[:, None, :], axis=2)
  ss = jnp.sum(sel * sel, axis=1, keepdims=True)
  out_ref[...] = sel * lax.rsqrt(ss)


def _embed_norm_tc(idx, table_t, onehot):
  grid_spec = pltpu.PrefetchScalarGridSpec(
      num_scalar_prefetch=1,
      grid=(TC_STEPS,),
      in_specs=[
          pl.BlockSpec(memory_space=pltpu.MemorySpace.HBM),
          pl.BlockSpec((TCH, 128), lambda g, idx_ref: (g, 0)),
      ],
      out_specs=pl.BlockSpec((TCH, M_DIM), lambda g, idx_ref: (g, 0)),
      scratch_shapes=[
          pltpu.VMEM((2, TCH, M_DIM, 128), jnp.float32),
          pltpu.SemaphoreType.DMA((2,)),
      ],
  )
  return pl.pallas_call(
      _tc_body,
      grid_spec=grid_spec,
      out_shape=jax.ShapeDtypeStruct((B_TC, M_DIM), jnp.float32),
      compiler_params=pltpu.CompilerParams(
          vmem_limit_bytes=50 * 1024 * 1024
      ),
  )(idx, table_t, onehot)


@jax.jit
def _embed_norm_full(idx, table_t):
  idx_tc = idx[B_SC:]
  onehot = (
      (idx_tc[:, None] & 127) == lax.broadcasted_iota(jnp.int32, (1, 128), 1)
  ).astype(jnp.float32)
  sc = _embed_norm_t(idx[:B_SC], table_t)
  tc = _embed_norm_tc(idx_tc, table_t, onehot)
  return jnp.concatenate([sc, tc.T], axis=1)


def kernel(x, table):
  out_t = _embed_norm_full(x.astype(jnp.int32), table.T)
  return out_t.T

# --- scband reference (transcript-rebuilt; emitter-appended) ---
"""Pipeline reference for scband-normalized-embedding-48687749267862 (READ-ONLY COPY).

The authoritative reference and input builder live on the scoring server;
editing this copy changes nothing except your own understanding.
"""

import jax, jax.numpy as jnp
import numpy as np

N_CLASSES = 1000000
M_DIM = 32
BATCH = 16384


def setup_inputs(seed: int = 0) -> dict:
    key = jax.random.key(seed)
    k_idx, k_tab = jax.random.split(key)
    x = jax.random.randint(k_idx, (BATCH,), 0, N_CLASSES, dtype=jnp.int64 if jax.config.jax_enable_x64 else jnp.int32)
    # xavier_uniform init like nn.init.xavier_uniform_
    bound = float(np.sqrt(6.0 / (N_CLASSES + M_DIM)))
    table = jax.random.uniform(k_tab, (N_CLASSES, M_DIM), minval=-bound, maxval=bound, dtype=jnp.float32)
    return {"x": x, "table": table}


def reference(x, table):
    # embedding lookup (gather)
    embed = jnp.take(table, x, axis=0)
    # normalize along dim=1 (the embedding dim, since x is 1-D so embed is [B, D])
    norm = jnp.linalg.norm(embed, axis=1, keepdims=True)
    normalized_embed = embed / norm
    return normalized_embed

if __name__ == "__main__":
    import jax
    _d = setup_inputs()
    print(jax.jit(kernel)(*tuple(_d.values())))

</pallas_src>

<mosaic_0001>
#map = affine_map<(d0, d1) -> (0)>
#map1 = affine_map<(d0, d1) -> (0, 0)>
module attributes {stable_mosaic.version = 14 : i64} {
  func.func @k(%arg0: i32, %arg1: i32, %arg2: memref<12288xi32, #tpu.memory_space<hbm>>, %arg3: memref<32x1000000xf32, #tpu.memory_space<hbm>>, %arg4: memref<32x12288xf32, #tpu.memory_space<hbm>>, %arg5: memref<384xi32, #tpu.memory_space<vmem>>, %arg6: memref<8x32x128xf32, #tpu.memory_space<vmem>>, %arg7: memref<8x32x128xf32, #tpu.memory_space<vmem>>, %arg8: memref<32x384xf32, #tpu.memory_space<vmem>>, %arg9: memref<!tpu.dma_semaphore, #tpu.memory_space<semaphore_mem>>, %arg10: memref<!tpu.dma_semaphore, #tpu.memory_space<semaphore_mem>>) attributes {dimension_semantics = [#tpu.dimension_semantics<core_parallel>, #tpu.dimension_semantics<subcore_parallel>], iteration_bounds = array<i64: 2, 16>, scalar_prefetch = 0 : i64, scratch_operands = 6 : i64, tpu.core_type = #tpu.core_type<sc_vector_subcore>, window_params = [{transform_indices = #map}, {transform_indices = #map1}, {transform_indices = #map1}]} {
    %mul3A = arith.constant 2 : i32
    %mul3A_0 = arith.muli %arg1, %mul3A : i32
    %add3A = arith.addi %mul3A_0, %arg0 : i32
    %mul3A_1 = arith.constant 384 : i32
    %mul3A_2 = arith.muli %add3A, %mul3A_1 : i32
    "tpu.region"() ({
      %run_scoped3A = tpu.sem_alloc : memref<!tpu.dma_semaphore, #tpu.memory_space<semaphore_mem>>
      %dma_start3A_163 = tpu.memref_slice %arg2[%mul3A_2] : memref<12288xi32, #tpu.memory_space<hbm>> -> memref<384xi32, #tpu.memory_space<hbm>>
      %dma_start3A_164 = tpu.memref_slice %arg2[%mul3A_2] : memref<12288xi32, #tpu.memory_space<hbm>> -> memref<384xi32, #tpu.memory_space<hbm>>
      tpu.enqueue_dma source(%dma_start3A_164 : memref<384xi32, #tpu.memory_space<hbm>>) target(%arg5 : memref<384xi32, #tpu.memory_space<vmem>>) target_semaphore(%run_scoped3A : memref<!tpu.dma_semaphore, #tpu.memory_space<semaphore_mem>>)
      %dma_wait3A = tpu.memref_slice %arg2[%mul3A_2] : memref<12288xi32, #tpu.memory_space<hbm>> -> memref<384xi32, #tpu.memory_space<hbm>>
      %dma_wait3A_165 = tpu.memref_slice %arg2[%mul3A_2] : memref<12288xi32, #tpu.memory_space<hbm>> -> memref<384xi32, #tpu.memory_space<hbm>>
      tpu.wait_dma2 semaphore(%run_scoped3A : memref<!tpu.dma_semaphore, #tpu.memory_space<semaphore_mem>>) src(%dma_wait3A_165 : memref<384xi32, #tpu.memory_space<hbm>>) dst(%arg5 : memref<384xi32, #tpu.memory_space<vmem>>)
      tpu.yield
    }) : () -> ()
    %iota3A = tpu.iota {dimensions = array<i32: 0>} : vector<16xi32>
    %get3A = arith.constant 0 : index
    %get3A_3 = tpu.vector_load %arg5[%get3A] {strides = array<i32>} : memref<384xi32, #tpu.memory_space<vmem>>, vector<16xi32>,
    %slice3A = vector.extract_strided_slice %get3A_3 {offsets = [0], sizes = [1], strides = [1]} : vector<16xi32> to vector<1xi32>
    %squeeze3A = vector.extract %slice3A[0] : i32 from vector<1xi32>
    %shift_right_logical3A = arith.constant 7 : i32
    %shift_right_logical3A_4 = arith.shrui %squeeze3A, %shift_right_logical3A : i32
    %mul3A_5 = arith.constant 128 : i32
    %mul3A_6 = arith.muli %shift_right_logical3A_4, %mul3A_5 : i32
    %multiple_of3A = tpu.assume_multiple %mul3A_6, 128 : i32
    %dma_start3A = arith.constant 0 : i32
    %dma_start3A_7 = arith.constant 0 : i32
    %dma_start3A_8 = arith.constant 0 : i32
    %dma_start3A_9 = tpu.memref_slice %arg6[%dma_start3A, %dma_start3A_7, %dma_start3A_8] : memref<8x32x128xf32, #tpu.memory_space<vmem>> -> memref<1x32x128xf32, #tpu.memory_space<vmem>>
    %dma_start3A_10 = tpu.memref_squeeze %dma_start3A_9 : memref<1x32x128xf32, #tpu.memory_space<vmem>> -> memref<32x128xf32, #tpu.memory_space<vmem>>
    %dma_start3A_11 = arith.constant 0 : i32
    %dma_start3A_12 = tpu.memref_slice %arg3[%dma_start3A_11, %multiple_of3A] : memref<32x1000000xf32, #tpu.memory_space<hbm>> -> memref<32x128xf32, #tpu.memory_space<hbm>>
    %dma_start3A_13 = arith.constant 0 : i32
    %dma_start3A_14 = arith.constant 0 : i32
    %dma_start3A_15 = tpu.memref_slice %arg6[%dma_start3A, %dma_start3A_13, %dma_start3A_14] : memref<8x32x128xf32, #tpu.memory_space<vmem>> -> memref<1x32x128xf32, #tpu.memory_space<vmem>>
    %dma_start3A_16 = tpu.memref_squeeze %dma_start3A_15 : memref<1x32x128xf32, #tpu.memory_space<vmem>> -> memref<32x128xf32, #tpu.memory_space<vmem>>
    %dma_start3A_17 = arith.constant 0 : i32
    %dma_start3A_18 = tpu.memref_slice %arg3[%dma_start3A_17, %multiple_of3A] : memref<32x1000000xf32, #tpu.memory_space<hbm>> -> memref<32x128xf32, #tpu.memory_space<hbm>>
    tpu.enqueue_dma source(%dma_start3A_18 : memref<32x128xf32, #tpu.memory_space<hbm>>) target(%dma_start3A_16 : memref<32x128xf32, #tpu.memory_space<vmem>>) target_semaphore(%arg9 : memref<!tpu.dma_semaphore, #tpu.memory_space<semaphore_mem>>)
    %slice3A_19 = vector.extract_strided_slice %get3A_3 {offsets = [1], sizes = [1], strides = [1]} : vector<16xi32> to vector<1xi32>
    %squeeze3A_20 = vector.extract %slice3A_19[0] : i32 from vector<1xi32>
    %shift_right_logical3A_21 = arith.constant 7 : i32
    %shift_right_logical3A_22 = arith.shrui %squeeze3A_20, %shift_right_logical3A_21 : i32
    %mul3A_23 = arith.constant 128 : i32
    %mul3A_24 = arith.muli %shift_right_logical3A_22, %mul3A_23 : i32
    %multiple_of3A_25 = tpu.assume_multiple %mul3A_24, 128 : i32
    %dma_start3A_26 = arith.constant 1 : i32
    %dma_start3A_27 = arith.constant 0 : i32
    %dma_start3A_28 = arith.constant 0 : i32
    %dma_start3A_29 = tpu.memref_slice %arg6[%dma_start3A_26, %dma_start3A_27, %dma_start3A_28] : memref<8x32x128xf32, #tpu.memory_space<vmem>> -> memref<1x32x128xf32, #tpu.memory_space<vmem>>
    %dma_start3A_30 = tpu.memref_squeeze %dma_start3A_29 : memref<1x32x128xf32, #tpu.memory_space<vmem>> -> memref<32x128xf32, #tpu.memory_space<vmem>>
    %dma_start3A_31 = arith.constant 0 : i32
    %dma_start3A_32 = tpu.memref_slice %arg3[%dma_start3A_31, %multiple_of3A_25] : memref<32x1000000xf32, #tpu.memory_space<hbm>> -> memref<32x128xf32, #tpu.memory_space<hbm>>
    %dma_start3A_33 = arith.constant 0 : i32
    %dma_start3A_34 = arith.constant 0 : i32
    %dma_start3A_35 = tpu.memref_slice %arg6[%dma_start3A_26, %dma_start3A_33, %dma_start3A_34] : memref<8x32x128xf32, #tpu.memory_space<vmem>> -> memref<1x32x128xf32, #tpu.memory_space<vmem>>
    %dma_start3A_36 = tpu.memref_squeeze %dma_start3A_35 : memref<1x32x128xf32, #tpu.memory_space<vmem>> -> memref<32x128xf32, #tpu.memory_space<vmem>>
    %dma_start3A_37 = arith.constant 0 : i32
    %dma_start3A_38 = tpu.memref_slice %arg3[%dma_start3A_37, %multiple_of3A_25] : memref<32x1000000xf32, #tpu.memory_space<hbm>> -> memref<32x128xf32, #tpu.memory_space<hbm>>
    tpu.enqueue_dma source(%dma_start3A_38 : memref<32x128xf32, #tpu.memory_space<hbm>>) target(%dma_start3A_36 : memref<32x128xf32, #tpu.memory_space<vmem>>) target_semaphore(%arg9 : memref<!tpu.dma_semaphore, #tpu.memory_space<semaphore_mem>>)
    %slice3A_39 = vector.extract_strided_slice %get3A_3 {offsets = [2], sizes = [1], strides = [1]} : vector<16xi32> to vector<1xi32>
    %squeeze3A_40 = vector.extract %slice3A_39[0] : i32 from vector<1xi32>
    %shift_right_logical3A_41 = arith.constant 7 : i32
    %shift_right_logical3A_42 = arith.shrui %squeeze3A_40, %shift_right_logical3A_41 : i32
    %mul3A_43 = arith.constant 128 : i32
    %mul3A_44 = arith.muli %shift_right_logical3A_42, %mul3A_43 : i32
    %multiple_of3A_45 = tpu.assume_multiple %mul3A_44, 128 : i32
    %dma_start3A_46 = arith.constant 2 : i32
    %dma_start3A_47 = arith.constant 0 : i32
    %dma_start3A_48 = arith.constant 0 : i32
    %dma_start3A_49 = tpu.memref_slice %arg6[%dma_start3A_46, %dma_start3A_47, %dma_start3A_48] : memref<8x32x128xf32, #tpu.memory_space<vmem>> -> memref<1x32x128xf32, #tpu.memory_space<vmem>>
    %dma_start3A_50 = tpu.memref_squeeze %dma_start3A_49 : memref<1x32x128xf32, #tpu.memory_space<vmem>> -> memref<32x128xf32, #tpu.memory_space<vmem>>
    %dma_start3A_51 = arith.constant 0 : i32
    %dma_start3A_52 = tpu.memref_slice %arg3[%dma_start3A_51, %multiple_of3A_45] : memref<32x1000000xf32, #tpu.memory_space<hbm>> -> memref<32x128xf32, #tpu.memory_space<hbm>>
    %dma_start3A_53 = arith.constant 0 : i32
    %dma_start3A_54 = arith.constant 0 : i32
    %dma_start3A_55 = tpu.memref_slice %arg6[%dma_start3A_46, %dma_start3A_53, %dma_start3A_54] : memref<8x32x128xf32, #tpu.memory_space<vmem>> -> memref<1x32x128xf32, #tpu.memory_space<vmem>>
    %dma_start3A_56 = tpu.memref_squeeze %dma_start3A_55 : memref<1x32x128xf32, #tpu.memory_space<vmem>> -> memref<32x128xf32, #tpu.memory_space<vmem>>
    %dma_start3A_57 = arith.constant 0 : i32
    %dma_start3A_58 = tpu.memref_slice %arg3[%dma_start3A_57, %multiple_of3A_45] : memref<32x1000000xf32, #tpu.memory_space<hbm>> -> memref<32x128xf32, #tpu.memory_space<hbm>>
    tpu.enqueue_dma source(%dma_start3A_58 : memref<32x128xf32, #tpu.memory_space<hbm>>) target(%dma_start3A_56 : memref<32x128xf32, #tpu.memory_space<vmem>>) target_semaphore(%arg9 : memref<!tpu.dma_semaphore, #tpu.memory_space<semaphore_mem>>)
    %slice3A_59 = vector.extract_strided_slice %get3A_3 {offsets = [3], sizes = [1], strides = [1]} : vector<16xi32> to vector<1xi32>
    %squeeze3A_60 = vector.extract %slice3A_59[0] : i32 from vector<1xi32>
    %shift_right_logical3A_61 = arith.constant 7 : i32
    %shift_right_logical3A_62 = arith.shrui %squeeze3A_60, %shift_right_logical3A_61 : i32
    %mul3A_63 = arith.constant 128 : i32
    %mul3A_64 = arith.muli %shift_right_logical3A_62, %mul3A_63 : i32
    %multiple_of3A_65 = tpu.assume_multiple %mul3A_64, 128 : i32
    %dma_start3A_66 = arith.constant 3 : i32
    %dma_start3A_67 = arith.constant 0 : i32
    %dma_start3A_68 = arith.constant 0 : i32
    %dma_start3A_69 = tpu.memref_slice %arg6[%dma_start3A_66, %dma_start3A_67, %dma_start3A_68] : memref<8x32x128xf32, #tpu.memory_space<vmem>> -> memref<1x32x128xf32, #tpu.memory_space<vmem>>
    %dma_start3A_70 = tpu.memref_squeeze %dma_start3A_69 : memref<1x32x128xf32, #tpu.memory_space<vmem>> -> memref<32x128xf32, #tpu.memory_space<vmem>>
    %dma_start3A_71 = arith.constant 0 : i32
    %dma_start3A_72 = tpu.memref_slice %arg3[%dma_start3A_71, %multiple_of3A_65] : memref<32x1000000xf32, #tpu.memory_space<hbm>> -> memref<32x128xf32, #tpu.memory_space<hbm>>
    %dma_start3A_73 = arith.constant 0 : i32
    %dma_start3A_74 = arith.constant 0 : i32
    %dma_start3A_75 = tpu.memref_slice %arg6[%dma_start3A_66, %dma_start3A_73, %dma_start3A_74] : memref<8x32x128xf32, #tpu.memory_space<vmem>> -> memref<1x32x128xf32, #tpu.memory_space<vmem>>
    %dma_start3A_76 = tpu.memref_squeeze %dma_start3A_75 : memref<1x32x128xf32, #tpu.memory_space<vmem>> -> memref<32x128xf32, #tpu.memory_space<vmem>>
    %dma_start3A_77 = arith.constant 0 : i32
    %dma_start3A_78 = tpu.memref_slice %arg3[%dma_start3A_77, %multiple_of3A_65] : memref<32x1000000xf32, #tpu.memory_space<hbm>> -> memref<32x128xf32, #tpu.memory_space<hbm>>
    tpu.enqueue_dma source(%dma_start3A_78 : memref<32x128xf32, #tpu.memory_space<hbm>>) target(%dma_start3A_76 : memref<32x128xf32, #tpu.memory_space<vmem>>) target_semaphore(%arg9 : memref<!tpu.dma_semaphore, #tpu.memory_space<semaphore_mem>>)
    %slice3A_79 = vector.extract_strided_slice %get3A_3 {offsets = [4], sizes = [1], strides = [1]} : vector<16xi32> to vector<1xi32>
    %squeeze3A_80 = vector.extract %slice3A_79[0] : i32 from vector<1xi32>
    %shift_right_logical3A_81 = arith.constant 7 : i32
    %shift_right_logical3A_82 = arith.shrui %squeeze3A_80, %shift_right_logical3A_81 : i32
    %mul3A_83 = arith.constant 128 : i32
    %mul3A_84 = arith.muli %shift_right_logical3A_82, %mul3A_83 : i32
    %multiple_of3A_85 = tpu.assume_multiple %mul3A_84, 128 : i32
    %dma_start3A_86 = arith.constant 4 : i32
    %dma_start3A_87 = arith.constant 0 : i32
    %dma_start3A_88 = arith.constant 0 : i32
    %dma_start3A_89 = tpu.memref_slice %arg6[%dma_start3A_86, %dma_start3A_87, %dma_start3A_88] : memref<8x32x128xf32, #tpu.memory_space<vmem>> -> memref<1x32x128xf32, #tpu.memory_space<vmem>>
    %dma_start3A_90 = tpu.memref_squeeze %dma_start3A_89 : memref<1x32x128xf32, #tpu.memory_space<vmem>> -> memref<32x128xf32, #tpu.memory_space<vmem>>
    %dma_start3A_91 = arith.constant 0 : i32
    %dma_start3A_92 = tpu.memref_slice %arg3[%dma_start3A_91, %multiple_of3A_85] : memref<32x1000000xf32, #tpu.memory_space<hbm>> -> memref<32x128xf32, #tpu.memory_space<hbm>>
    %dma_start3A_93 = arith.constant 0 : i32
    %dma_start3A_94 = arith.constant 0 : i32
    %dma_start3A_95 = tpu.memref_slice %arg6[%dma_start3A_86, %dma_start3A_93, %dma_start3A_94] : memref<8x32x128xf32, #tpu.memory_space<vmem>> -> memref<1x32x128xf32, #tpu.memory_space<vmem>>
    %dma_start3A_96 = tpu.memref_squeeze %dma_start3A_95 : memref<1x32x128xf32, #tpu.memory_space<vmem>> -> memref<32x128xf32, #tpu.memory_space<vmem>>
    %dma_start3A_97 = arith.constant 0 : i32
    %dma_start3A_98 = tpu.memref_slice %arg3[%dma_start3A_97, %multiple_of3A_85] : memref<32x1000000xf32, #tpu.memory_space<hbm>> -> memref<32x128xf32, #tpu.memory_space<hbm>>
    tpu.enqueue_dma source(%dma_start3A_98 : memref<32x128xf32, #tpu.memory_space<hbm>>) target(%dma_start3A_96 : memref<32x128xf32, #tpu.memory_space<vmem>>) target_semaphore(%arg9 : memref<!tpu.dma_semaphore, #tpu.memory_space<semaphore_mem>>)
    %slice3A_99 = vector.extract_strided_slice %get3A_3 {offsets = [5], sizes = [1], strides = [1]} : vector<16xi32> to vector<1xi32>
    %squeeze3A_100 = vector.extract %slice3A_99[0] : i32 from vector<1xi32>
    %shift_right_logical3A_101 = arith.constant 7 : i32
    %shift_right_logical3A_102 = arith.shrui %squeeze3A_100, %shift_right_logical3A_101 : i32
    %mul3A_103 = arith.constant 128 : i32
    %mul3A_104 = arith.muli %shift_right_logical3A_102, %mul3A_103 : i32
    %multiple_of3A_105 = tpu.assume_multiple %mul3A_104, 128 : i32
    %dma_start3A_106 = arith.constant 5 : i32
    %dma_start3A_107 = arith.constant 0 : i32
    %dma_start3A_108 = arith.constant 0 : i32
    %dma_start3A_109 = tpu.memref_slice %arg6[%dma_start3A_106, %dma_start3A_107, %dma_start3A_108] : memref<8x32x128xf32, #tpu.memory_space<vmem>> -> memref<1x32x128xf32, #tpu.memory_space<vmem>>
    %dma_start3A_110 = tpu.memref_squeeze %dma_start3A_109 : memref<1x32x128xf32, #tpu.memory_space<vmem>> -> memref<32x128xf32, #tpu.memory_space<vmem>>
    %dma_start3A_111 = arith.constant 0 : i32
    %dma_start3A_112 = tpu.memref_slice %arg3[%dma_start3A_111, %multiple_of3A_105] : memref<32x1000000xf32, #tpu.memory_space<hbm>> -> memref<32x128xf32, #tpu.memory_space<hbm>>
    %dma_start3A_113 = arith.constant 0 : i32
    %dma_start3A_114 = arith.constant 0 : i32
    %dma_start3A_115 = tpu.memref_slice %arg6[%dma_start3A_106, %dma_start3A_113, %dma_start3A_114] : memref<8x32x128xf32, #tpu.memory_space<vmem>> -> memref<1x32x128xf32, #tpu.memory_space<vmem>>
    %dma_start3A_116 = tpu.memref_squeeze %dma_start3A_115 : memref<1x32x128xf32, #tpu.memory_space<vmem>> -> memref<32x128xf32, #tpu.memory_space<vmem>>
    %dma_start3A_117 = arith.constant 0 : i32
    %dma_start3A_118 = tpu.memref_slice %arg3[%dma_start3A_117, %multiple_of3A_105] : memref<32x1000000xf32, #tpu.memory_space<hbm>> -> memref<32x128xf32, #tpu.memory_space<hbm>>
    tpu.enqueue_dma source(%dma_start3A_118 : memref<32x128xf32, #tpu.memory_space<hbm>>) target(%dma_start3A_116 : memref<32x128xf32, #tpu.memory_space<vmem>>) target_semaphore(%arg9 : memref<!tpu.dma_semaphore, #tpu.memory_space<semaphore_mem>>)
    %slice3A_119 = vector.extract_strided_slice %get3A_3 {offsets = [6], sizes = [1], strides = [1]} : vector<16xi32> to vector<1xi32>
    %squeeze3A_120 = vector.extract %slice3A_119[0] : i32 from vector<1xi32>
    %shift_right_logical3A_121 = arith.constant 7 : i32
    %shift_right_logical3A_122 = arith.shrui %squeeze3A_120, %shift_right_logical3A_121 : i32
    %mul3A_123 = arith.constant 128 : i32
    %mul3A_124 = arith.muli %shift_right_logical3A_122, %mul3A_123 : i32
    %multiple_of3A_125 = tpu.assume_multiple %mul3A_124, 128 : i32
    %dma_start3A_126 = arith.constant 6 : i32
    %dma_start3A_127 = arith.constant 0 : i32
    %dma_start3A_128 = arith.constant 0 : i32
    %dma_start3A_129 = tpu.memref_slice %arg6[%dma_start3A_126, %dma_start3A_127, %dma_start3A_128] : memref<8x32x128xf32, #tpu.memory_space<vmem>> -> memref<1x32x128xf32, #tpu.memory_space<vmem>>
    %dma_start3A_130 = tpu.memref_squeeze %dma_start3A_129 : memref<1x32x128xf32, #tpu.memory_space<vmem>> -> memref<32x128xf32, #tpu.memory_space<vmem>>
    %dma_start3A_131 = arith.constant 0 : i32
    %dma_start3A_132 = tpu.memref_slice %arg3[%dma_start3A_131, %multiple_of3A_125] : memref<32x1000000xf32, #tpu.memory_space<hbm>> -> memref<32x128xf32, #tpu.memory_space<hbm>>
    %dma_start3A_133 = arith.constant 0 : i32
    %dma_start3A_134 = arith.constant 0 : i32
    %dma_start3A_135 = tpu.memref_slice %arg6[%dma_start3A_126, %dma_start3A_133, %dma_start3A_134] : memref<8x32x128xf32, #tpu.memory_space<vmem>> -> memref<1x32x128xf32, #tpu.memory_space<vmem>>
    %dma_start3A_136 = tpu.memref_squeeze %dma_start3A_135 : memref<1x32x128xf32, #tpu.memory_space<vmem>> -> memref<32x128xf32, #tpu.memory_space<vmem>>
    %dma_start3A_137 = arith.constant 0 : i32
    %dma_start3A_138 = tpu.memref_slice %arg3[%dma_start3A_137, %multiple_of3A_125] : memref<32x1000000xf32, #tpu.memory_space<hbm>> -> memref<32x128xf32, #tpu.memory_space<hbm>>
    tpu.enqueue_dma source(%dma_start3A_138 : memref<32x128xf32, #tpu.memory_space<hbm>>) target(%dma_start3A_136 : memref<32x128xf32, #tpu.memory_space<vmem>>) target_semaphore(%arg9 : memref<!tpu.dma_semaphore, #tpu.memory_space<semaphore_mem>>)
    %slice3A_139 = vector.extract_strided_slice %get3A_3 {offsets = [7], sizes = [1], strides = [1]} : vector<16xi32> to vector<1xi32>
    %squeeze3A_140 = vector.extract %slice3A_139[0] : i32 from vector<1xi32>
    %shift_right_logical3A_141 = arith.constant 7 : i32
    %shift_right_logical3A_142 = arith.shrui %squeeze3A_140, %shift_right_logical3A_141 : i32
    %mul3A_143 = arith.constant 128 : i32
    %mul3A_144 = arith.muli %shift_right_logical3A_142, %mul3A_143 : i32
    %multiple_of3A_145 = tpu.assume_multiple %mul3A_144, 128 : i32
    %dma_start3A_146 = arith.constant 7 : i32
    %dma_start3A_147 = arith.constant 0 : i32
    %dma_start3A_148 = arith.constant 0 : i32
    %dma_start3A_149 = tpu.memref_slice %arg6[%dma_start3A_146, %dma_start3A_147, %dma_start3A_148] : memref<8x32x128xf32, #tpu.memory_space<vmem>> -> memref<1x32x128xf32, #tpu.memory_space<vmem>>
    %dma_start3A_150 = tpu.memref_squeeze %dma_start3A_149 : memref<1x32x128xf32, #tpu.memory_space<vmem>> -> memref<32x128xf32, #tpu.memory_space<vmem>>
    %dma_start3A_151 = arith.constant 0 : i32
    %dma_start3A_152 = tpu.memref_slice %arg3[%dma_start3A_151, %multiple_of3A_145] : memref<32x1000000xf32, #tpu.memory_space<hbm>> -> memref<32x128xf32, #tpu.memory_space<hbm>>
    %dma_start3A_153 = arith.constant 0 : i32
    %dma_start3A_154 = arith.constant 0 : i32
    %dma_start3A_155 = tpu.memref_slice %arg6[%dma_start3A_146, %dma_start3A_153, %dma_start3A_154] : memref<8x32x128xf32, #tpu.memory_space<vmem>> -> memref<1x32x128xf32, #tpu.memory_space<vmem>>
    %dma_start3A_156 = tpu.memref_squeeze %dma_start3A_155 : memref<1x32x128xf32, #tpu.memory_space<vmem>> -> memref<32x128xf32, #tpu.memory_space<vmem>>
    %dma_start3A_157 = arith.constant 0 : i32
    %dma_start3A_158 = tpu.memref_slice %arg3[%dma_start3A_157, %multiple_of3A_145] : memref<32x1000000xf32, #tpu.memory_space<hbm>> -> memref<32x128xf32, #tpu.memory_space<hbm>>
    tpu.enqueue_dma source(%dma_start3A_158 : memref<32x128xf32, #tpu.memory_space<hbm>>) target(%dma_start3A_156 : memref<32x128xf32, #tpu.memory_space<vmem>>) target_semaphore(%arg9 : memref<!tpu.dma_semaphore, #tpu.memory_space<semaphore_mem>>)
    %scan3A = arith.constant 0 : i32
    %scan3A_159 = arith.constant 24 : i32
    %scan3A_160 = arith.addi %scan3A, %scan3A_159 : i32
    %scan3A_161 = arith.constant 1 : i32
    scf.for %scan3A_163 = %scan3A to %scan3A_160 step %scan3A_161  : i32 {
      %mul3A_164 = arith.constant 1 : i32
      %mul3A_165 = arith.muli %scan3A_163, %mul3A_164 : i32
      %add3A_166 = arith.constant 0 : i32
      %add3A_167 = arith.addi %add3A_166, %mul3A_165 : i32
      %mul3A_168 = arith.constant 16 : i32
      %mul3A_169 = arith.muli %add3A_167, %mul3A_168 : i32
      %get3A_170 = arith.index_cast %mul3A_169 : i32 to index
      %get3A_171 = tpu.vector_load %arg5[%get3A_170] {strides = array<i32>} : memref<384xi32, #tpu.memory_space<vmem>>, vector<16xi32>,
      %slice3A_172 = vector.extract_strided_slice %get3A_171 {offsets = [8], sizes = [1], strides = [1]} : vector<16xi32> to vector<1xi32>
      %squeeze3A_173 = vector.extract %slice3A_172[0] : i32 from vector<1xi32>
      %shift_right_logical3A_174 = arith.constant 7 : i32
      %shift_right_logical3A_175 = arith.shrui %squeeze3A_173, %shift_right_logical3A_174 : i32
      %mul3A_176 = arith.constant 128 : i32
      %mul3A_177 = arith.muli %shift_right_logical3A_175, %mul3A_176 : i32
      %multiple_of3A_178 = tpu.assume_multiple %mul3A_177, 128 : i32
      %dma_start3A_179 = arith.constant 0 : i32
      %dma_start3A_180 = arith.constant 0 : i32
      %dma_start3A_181 = arith.constant 0 : i32
      %dma_start3A_182 = tpu.memref_slice %arg7[%dma_start3A_179, %dma_start3A_180, %dma_start3A_181] : memref<8x32x128xf32, #tpu.memory_space<vmem>> -> memref<1x32x128xf32, #tpu.memory_space<vmem>>
      %dma_start3A_183 = tpu.memref_squeeze %dma_start3A_182 : memref<1x32x128xf32, #tpu.memory_space<vmem>> -> memref<32x128xf32, #tpu.memory_space<vmem>>
      %dma_start3A_184 = arith.constant 0 : i32
      %dma_start3A_185 = tpu.memref_slice %arg3[%dma_start3A_184, %multiple_of3A_178] : memref<32x1000000xf32, #tpu.memory_space<hbm>> -> memref<32x128xf32, #tpu.memory_space<hbm>>
      %dma_start3A_186 = arith.constant 0 : i32
      %dma_start3A_187 = arith.constant 0 : i32
      %dma_start3A_188 = tpu.memref_slice %arg7[%dma_start3A_179, %dma_start3A_186, %dma_start3A_187] : memref<8x32x128xf32, #tpu.memory_space<vmem>> -> memref<1x32x128xf32, #tpu.memory_space<vmem>>
      %dma_start3A_189 = tpu.memref_squeeze %dma_start3A_188 : memref<1x32x128xf32, #tpu.memory_space<vmem>> -> memref<32x128xf32, #tpu.memory_space<vmem>>
      %dma_start3A_190 = arith.constant 0 : i32
      %dma_start3A_191 = tpu.memref_slice %arg3[%dma_start3A_190, %multiple_of3A_178] : memref<32x1000000xf32, #tpu.memory_space<hbm>> -> memref<32x128xf32, #tpu.memory_space<hbm>>
      tpu.enqueue_dma source(%dma_start3A_191 : memref<32x128xf32, #tpu.memory_space<hbm>>) target(%dma_start3A_189 : memref<32x128xf32, #tpu.memory_space<vmem>>) target_semaphore(%arg10 : memref<!tpu.dma_semaphore, #tpu.memory_space<semaphore_mem>>)
      %slice3A_192 = vector.extract_strided_slice %get3A_171 {offsets = [9], sizes = [1], strides = [1]} : vector<16xi32> to vector<1xi32>
      %squeeze3A_193 = vector.extract %slice3A_192[0] : i32 from vector<1xi32>
      %shift_right_logical3A_194 = arith.constant 7 : i32
      %shift_right_logical3A_195 = arith.shrui %squeeze3A_193, %shift_right_logical3A_194 : i32
      %mul3A_196 = arith.constant 128 : i32
      %mul3A_197 = arith.muli %shift_right_logical3A_195, %mul3A_196 : i32
      %multiple_of3A_198 = tpu.assume_multiple %mul3A_197, 128 : i32
      %dma_start3A_199 = arith.constant 1 : i32
      %dma_start3A_200 = arith.constant 0 : i32
      %dma_start3A_201 = arith.constant 0 : i32
      %dma_start3A_202 = tpu.memref_slice %arg7[%dma_start3A_199, %dma_start3A_200, %dma_start3A_201] : memref<8x32x128xf32, #tpu.memory_space<vmem>> -> memref<1x32x128xf32, #tpu.memory_space<vmem>>
      %dma_start3A_203 = tpu.memref_squeeze %dma_start3A_202 : memref<1x32x128xf32, #tpu.memory_space<vmem>> -> memref<32x128xf32, #tpu.memory_space<vmem>>
      %dma_start3A_204 = arith.constant 0 : i32
      %dma_start3A_205 = tpu.memref_slice %arg3[%dma_start3A_204, %multiple_of3A_198] : memref<32x1000000xf32, #tpu.memory_space<hbm>> -> memref<32x128xf32, #tpu.memory_space<hbm>>
      %dma_start3A_206 = arith.constant 0 : i32
      %dma_start3A_207 = arith.constant 0 : i32
      %dma_start3A_208 = tpu.memref_slice %arg7[%dma_start3A_199, %dma_start3A_206, %dma_start3A_207] : memref<8x32x128xf32, #tpu.memory_space<vmem>> -> memref<1x32x128xf32, #tpu.memory_space<vmem>>
      %dma_start3A_209 = tpu.memref_squeeze %dma_start3A_208 : memref<1x32x128xf32, #tpu.memory_space<vmem>> -> memref<32x128xf32, #tpu.memory_space<vmem>>
      %dma_start3A_210 = arith.constant 0 : i32
      %dma_start3A_211 = tpu.memref_slice %arg3[%dma_start3A_210, %multiple_of3A_198] : memref<32x1000000xf32, #tpu.memory_space<hbm>> -> memref<32x128xf32, #tpu.memory_space<hbm>>
      tpu.enqueue_dma source(%dma_start3A_211 : memref<32x128xf32, #tpu.memory_space<hbm>>) target(%dma_start3A_209 : memref<32x128xf32, #tpu.memory_space<vmem>>) target_semaphore(%arg10 : memref<!tpu.dma_semaphore, #tpu.memory_space<semaphore_mem>>)
      %slice3A_212 = vector.extract_strided_slice %get3A_171 {offsets = [10], sizes = [1], strides = [1]} : vector<16xi32> to vector<1xi32>
      %squeeze3A_213 = vector.extract %slice3A_212[0] : i32 from vector<1xi32>
      %shift_right_logical3A_214 = arith.constant 7 : i32
      %shift_right_logical3A_215 = arith.shrui %squeeze3A_213, %shift_right_logical3A_214 : i32
      %mul3A_216 = arith.constant 128 : i32
      %mul3A_217 = arith.muli %shift_right_logical3A_215, %mul3A_216 : i32
      %multiple_of3A_218 = tpu.assume_multiple %mul3A_217, 128 : i32
      %dma_start3A_219 = arith.constant 2 : i32
      %dma_start3A_220 = arith.constant 0 : i32
      %dma_start3A_221 = arith.constant 0 : i32
      %dma_start3A_222 = tpu.memref_slice %arg7[%dma_start3A_219, %dma_start3A_220, %dma_start3A_221] : memref<8x32x128xf32, #tpu.memory_space<vmem>> -> memref<1x32x128xf32, #tpu.memory_space<vmem>>
      %dma_start3A_223 = tpu.memref_squeeze %dma_start3A_222 : memref<1x32x128xf32, #tpu.memory_space<vmem>> -> memref<32x128xf32, #tpu.memory_space<vmem>>
      %dma_start3A_224 = arith.constant 0 : i32
      %dma_start3A_225 = tpu.memref_slice %arg3[%dma_start3A_224, %multiple_of3A_218] : memref<32x1000000xf32, #tpu.memory_space<hbm>> -> memref<32x128xf32, #tpu.memory_space<hbm>>
      %dma_start3A_226 = arith.constant 0 : i32
      %dma_start3A_227 = arith.constant 0 : i32
      %dma_start3A_228 = tpu.memref_slice %arg7[%dma_start3A_219, %dma_start3A_226, %dma_start3A_227] : memref<8x32x128xf32, #tpu.memory_space<vmem>> -> memref<1x32x128xf32, #tpu.memory_space<vmem>>
      %dma_start3A_229 = tpu.memref_squeeze %dma_start3A_228 : memref<1x32x128xf32, #tpu.memory_space<vmem>> -> memref<32x128xf32, #tpu.memory_space<vmem>>
      %dma_start3A_230 = arith.constant 0 : i32
      %dma_start3A_231 = tpu.memref_slice %arg3[%dma_start3A_230, %multiple_of3A_218] : memref<32x1000000xf32, #tpu.memory_space<hbm>> -> memref<32x128xf32, #tpu.memory_space<hbm>>
      tpu.enqueue_dma source(%dma_start3A_231 : memref<32x128xf32, #tpu.memory_space<hbm>>) target(%dma_start3A_229 : memref<32x128xf32, #tpu.memory_space<vmem>>) target_semaphore(%arg10 : memref<!tpu.dma_semaphore, #tpu.memory_space<semaphore_mem>>)
      %slice3A_232 = vector.extract_strided_slice %get3A_171 {offsets = [11], sizes = [1], strides = [1]} : vector<16xi32> to vector<1xi32>
      %squeeze3A_233 = vector.extract %slice3A_232[0] : i32 from vector<1xi32>
      %shift_right_logical3A_234 = arith.constant 7 : i32
      %shift_right_logical3A_235 = arith.shrui %squeeze3A_233, %shift_right_logical3A_234 : i32
      %mul3A_236 = arith.constant 128 : i32
      %mul3A_237 = arith.muli %shift_right_logical3A_235, %mul3A_236 : i32
      %multiple_of3A_238 = tpu.assume_multiple %mul3A_237, 128 : i32
      %dma_start3A_239 = arith.constant 3 : i32
      %dma_start3A_240 = arith.constant 0 : i32
      %dma_start3A_241 = arith.constant 0 : i32
      %dma_start3A_242 = tpu.memref_slice %arg7[%dma_start3A_239, %dma_start3A_240, %dma_start3A_241] : memref<8x32x128xf32, #tpu.memory_space<vmem>> -> memref<1x32x128xf32, #tpu.memory_space<vmem>>
      %dma_start3A_243 = tpu.memref_squeeze %dma_start3A_242 : memref<1x32x128xf32, #tpu.memory_space<vmem>> -> memref<32x128xf32, #tpu.memory_space<vmem>>
      %dma_start3A_244 = arith.constant 0 : i32
      %dma_start3A_245 = tpu.memref_slice %arg3[%dma_start3A_244, %multiple_of3A_238] : memref<32x1000000xf32, #tpu.memory_space<hbm>> -> memref<32x128xf32, #tpu.memory_space<hbm>>
      %dma_start3A_246 = arith.constant 0 : i32
      %dma_start3A_247 = arith.constant 0 : i32
      %dma_start3A_248 = tpu.memref_slice %arg7[%dma_start3A_239, %dma_start3A_246, %dma_start3A_247] : memref<8x32x128xf32, #tpu.memory_space<vmem>> -> memref<1x32x128xf32, #tpu.memory_space<vmem>>
      %dma_start3A_249 = tpu.memref_squeeze %dma_start3A_248 : memref<1x32x128xf32, #tpu.memory_space<vmem>> -> memref<32x128xf32, #tpu.memory_space<vmem>>
      %dma_start3A_250 = arith.constant 0 : i32
      %dma_start3A_251 = tpu.memref_slice %arg3[%dma_start3A_250, %multiple_of3A_238] : memref<32x1000000xf32, #tpu.memory_space<hbm>> -> memref<32x128xf32, #tpu.memory_space<hbm>>
      tpu.enqueue_dma source(%dma_start3A_251 : memref<32x128xf32, #tpu.memory_space<hbm>>) target(%dma_start3A_249 : memref<32x128xf32, #tpu.memory_space<vmem>>) target_semaphore(%arg10 : memref<!tpu.dma_semaphore, #tpu.memory_space<semaphore_mem>>)
      %slice3A_252 = vector.extract_strided_slice %get3A_171 {offsets = [12], sizes = [1], strides = [1]} : vector<16xi32> to vector<1xi32>
      %squeeze3A_253 = vector.extract %slice3A_252[0] : i32 from vector<1xi32>
      %shift_right_logical3A_254 = arith.constant 7 : i32
      %shift_right_logical3A_255 = arith.shrui %squeeze3A_253, %shift_right_logical3A_254 : i32
      %mul3A_256 = arith.constant 128 : i32
      %mul3A_257 = arith.muli %shift_right_logical3A_255, %mul3A_256 : i32
      %multiple_of3A_258 = tpu.assume_multiple %mul3A_257, 128 : i32
      %dma_start3A_259 = arith.constant 4 : i32
      %dma_start3A_260 = arith.constant 0 : i32
      %dma_start3A_261 = arith.constant 0 : i32
      %dma_start3A_262 = tpu.memref_slice %arg7[%dma_start3A_259, %dma_start3A_260, %dma_start3A_261] : memref<8x32x128xf32, #tpu.memory_space<vmem>> -> memref<1x32x128xf32, #tpu.memory_space<vmem>>
      %dma_start3A_263 = tpu.memref_squeeze %dma_start3A_262 : memref<1x32x128xf32, #tpu.memory_space<vmem>> -> memref<32x128xf32, #tpu.memory_space<vmem>>
      %dma_start3A_264 = arith.constant 0 : i32
      %dma_start3A_265 = tpu.memref_slice %arg3[%dma_start3A_264, %multiple_of3A_258] : memref<32x1000000xf32, #tpu.memory_space<hbm>> -> memref<32x128xf32, #tpu.memory_space<hbm>>
      %dma_start3A_266 = arith.constant 0 : i32
      %dma_start3A_267 = arith.constant 0 : i32
      %dma_start3A_268 = tpu.memref_slice %arg7[%dma_start3A_259, %dma_start3A_266, %dma_start3A_267] : memref<8x32x128xf32, #tpu.memory_space<vmem>> -> memref<1x32x128xf32, #tpu.memory_space<vmem>>
      %dma_start3A_269 = tpu.memref_squeeze %dma_start3A_268 : memref<1x32x128xf32, #tpu.memory_space<vmem>> -> memref<32x128xf32, #tpu.memory_space<vmem>>
      %dma_start3A_270 = arith.constant 0 : i32
      %dma_start3A_271 = tpu.memref_slice %arg3[%dma_start3A_270, %multiple_of3A_258] : memref<32x1000000xf32, #tpu.memory_space<hbm>> -> memref<32x128xf32, #tpu.memory_space<hbm>>
      tpu.enqueue_dma source(%dma_start3A_271 : memref<32x128xf32, #tpu.memory_space<hbm>>) target(%dma_start3A_269 : memref<32x128xf32, #tpu.memory_space<vmem>>) target_semaphore(%arg10 : memref<!tpu.dma_semaphore, #tpu.memory_space<semaphore_mem>>)
      %slice3A_272 = vector.extract_strided_slice %get3A_171 {offsets = [13], sizes = [1], strides = [1]} : vector<16xi32> to vector<1xi32>
      %squeeze3A_273 = vector.extract %slice3A_272[0] : i32 from vector<1xi32>
      %shift_right_logical3A_274 = arith.constant 7 : i32
      %shift_right_logical3A_275 = arith.shrui %squeeze3A_273, %shift_right_logical3A_274 : i32
      %mul3A_276 = arith.constant 128 : i32
      %mul3A_277 = arith.muli %shift_right_logical3A_275, %mul3A_276 : i32
      %multiple_of3A_278 = tpu.assume_multiple %mul3A_277, 128 : i32
      %dma_start3A_279 = arith.constant 5 : i32
      %dma_start3A_280 = arith.constant 0 : i32
      %dma_start3A_281 = arith.constant 0 : i32
      %dma_start3A_282 = tpu.memref_slice %arg7[%dma_start3A_279, %dma_start3A_280, %dma_start3A_281] : memref<8x32x128xf32, #tpu.memory_space<vmem>> -> memref<1x32x128xf32, #tpu.memory_space<vmem>>
      %dma_start3A_283 = tpu.memref_squeeze %dma_start3A_282 : memref<1x32x128xf32, #tpu.memory_space<vmem>> -> memref<32x128xf32, #tpu.memory_space<vmem>>
      %dma_start3A_284 = arith.constant 0 : i32
      %dma_start3A_285 = tpu.memref_slice %arg3[%dma_start3A_284, %multiple_of3A_278] : memref<32x1000000xf32, #tpu.memory_space<hbm>> -> memref<32x128xf32, #tpu.memory_space<hbm>>
      %dma_start3A_286 = arith.constant 0 : i32
      %dma_start3A_287 = arith.constant 0 : i32
      %dma_start3A_288 = tpu.memref_slice %arg7[%dma_start3A_279, %dma_start3A_286, %dma_start3A_287] : memref<8x32x128xf32, #tpu.memory_space<vmem>> -> memref<1x32x128xf32, #tpu.memory_space<vmem>>
      %dma_start3A_289 = tpu.memref_squeeze %dma_start3A_288 : memref<1x32x128xf32, #tpu.memory_space<vmem>> -> memref<32x128xf32, #tpu.memory_space<vmem>>
      %dma_start3A_290 = arith.constant 0 : i32
      %dma_start3A_291 = tpu.memref_slice %arg3[%dma_start3A_290, %multiple_of3A_278] : memref<32x1000000xf32, #tpu.memory_space<hbm>> -> memref<32x128xf32, #tpu.memory_space<hbm>>
      tpu.enqueue_dma source(%dma_start3A_291 : memref<32x128xf32, #tpu.memory_space<hbm>>) target(%dma_start3A_289 : memref<32x128xf32, #tpu.memory_space<vmem>>) target_semaphore(%arg10 : memref<!tpu.dma_semaphore, #tpu.memory_space<semaphore_mem>>)
      %slice3A_292 = vector.extract_strided_slice %get3A_171 {offsets = [14], sizes = [1], strides = [1]} : vector<16xi32> to vector<1xi32>
      %squeeze3A_293 = vector.extract %slice3A_292[0] : i32 from vector<1xi32>
      %shift_right_logical3A_294 = arith.constant 7 : i32
      %shift_right_logical3A_295 = arith.shrui %squeeze3A_293, %shift_right_logical3A_294 : i32
      %mul3A_296 = arith.constant 128 : i32
      %mul3A_297 = arith.muli %shift_right_logical3A_295, %mul3A_296 : i32
      %multiple_of3A_298 = tpu.assume_multiple %mul3A_297, 128 : i32
      %dma_start3A_299 = arith.constant 6 : i32
      %dma_start3A_300 = arith.constant 0 : i32
      %dma_start3A_301 = arith.constant 0 : i32
      %dma_start3A_302 = tpu.memref_slice %arg7[%dma_start3A_299, %dma_start3A_300, %dma_start3A_301] : memref<8x32x128xf32, #tpu.memory_space<vmem>> -> memref<1x32x128xf32, #tpu.memory_space<vmem>>
      %dma_start3A_303 = tpu.memref_squeeze %dma_start3A_302 : memref<1x32x128xf32, #tpu.memory_space<vmem>> -> memref<32x128xf32, #tpu.memory_space<vmem>>
      %dma_start3A_304 = arith.constant 0 : i32
      %dma_start3A_305 = tpu.memref_slice %arg3[%dma_start3A_304, %multiple_of3A_298] : memref<32x1000000xf32, #tpu.memory_space<hbm>> -> memref<32x128xf32, #tpu.memory_space<hbm>>
      %dma_start3A_306 = arith.constant 0 : i32
      %dma_start3A_307 = arith.constant 0 : i32
      %dma_start3A_308 = tpu.memref_slice %arg7[%dma_start3A_299, %dma_start3A_306, %dma_start3A_307] : memref<8x32x128xf32, #tpu.memory_space<vmem>> -> memref<1x32x128xf32, #tpu.memory_space<vmem>>
      %dma_start3A_309 = tpu.memref_squeeze %dma_start3A_308 : memref<1x32x128xf32, #tpu.memory_space<vmem>> -> memref<32x128xf32, #tpu.memory_space<vmem>>
      %dma_start3A_310 = arith.constant 0 : i32
      %dma_start3A_311 = tpu.memref_slice %arg3[%dma_start3A_310, %multiple_of3A_298] : memref<32x1000000xf32, #tpu.memory_space<hbm>> -> memref<32x128xf32, #tpu.memory_space<hbm>>
      tpu.enqueue_dma source(%dma_start3A_311 : memref<32x128xf32, #tpu.memory_space<hbm>>) target(%dma_start3A_309 : memref<32x128xf32, #tpu.memory_space<vmem>>) target_semaphore(%arg10 : memref<!tpu.dma_semaphore, #tpu.memory_space<semaphore_mem>>)
      %slice3A_312 = vector.extract_strided_slice %get3A_171 {offsets = [15], sizes = [1], strides = [1]} : vector<16xi32> to vector<1xi32>
      %squeeze3A_313 = vector.extract %slice3A_312[0] : i32 from vector<1xi32>
      %shift_right_logical3A_314 = arith.constant 7 : i32
      %shift_right_logical3A_315 = arith.shrui %squeeze3A_313, %shift_right_logical3A_314 : i32
      %mul3A_316 = arith.constant 128 : i32
      %mul3A_317 = arith.muli %shift_right_logical3A_315, %mul3A_316 : i32
      %multiple_of3A_318 = tpu.assume_multiple %mul3A_317, 128 : i32
      %dma_start3A_319 = arith.constant 7 : i32
      %dma_start3A_320 = arith.constant 0 : i32
      %dma_start3A_321 = arith.constant 0 : i32
      %dma_start3A_322 = tpu.memref_slice %arg7[%dma_start3A_319, %dma_start3A_320, %dma_start3A_321] : memref<8x32x128xf32, #tpu.memory_space<vmem>> -> memref<1x32x128xf32, #tpu.memory_space<vmem>>
      %dma_start3A_323 = tpu.memref_squeeze %dma_start3A_322 : memref<1x32x128xf32, #tpu.memory_space<vmem>> -> memref<32x128xf32, #tpu.memory_space<vmem>>
      %dma_start3A_324 = arith.constant 0 : i32
      %dma_start3A_325 = tpu.memref_slice %arg3[%dma_start3A_324, %multiple_of3A_318] : memref<32x1000000xf32, #tpu.memory_space<hbm>> -> memref<32x128xf32, #tpu.memory_space<hbm>>
      %dma_start3A_326 = arith.constant 0 : i32
      %dma_start3A_327 = arith.constant 0 : i32
      %dma_start3A_328 = tpu.memref_slice %arg7[%dma_start3A_319, %dma_start3A_326, %dma_start3A_327] : memref<8x32x128xf32, #tpu.memory_space<vmem>> -> memref<1x32x128xf32, #tpu.memory_space<vmem>>
      %dma_start3A_329 = tpu.memref_squeeze %dma_start3A_328 : memref<1x32x128xf32, #tpu.memory_space<vmem>> -> memref<32x128xf32, #tpu.memory_space<vmem>>
      %dma_start3A_330 = arith.constant 0 : i32
      %dma_start3A_331 = tpu.memref_slice %arg3[%dma_start3A_330, %multiple_of3A_318] : memref<32x1000000xf32, #tpu.memory_space<hbm>> -> memref<32x128xf32, #tpu.memory_space<hbm>>
      tpu.enqueue_dma source(%dma_start3A_331 : memref<32x128xf32, #tpu.memory_space<hbm>>) target(%dma_start3A_329 : memref<32x128xf32, #tpu.memory_space<vmem>>) target_semaphore(%arg10 : memref<!tpu.dma_semaphore, #tpu.memory_space<semaphore_mem>>)
      %dma_wait3A = arith.constant 0 : i32
      %dma_wait3A_332 = arith.constant 0 : i32
      %dma_wait3A_333 = arith.constant 0 : i32
      %dma_wait3A_334 = tpu.memref_slice %arg6[%dma_wait3A, %dma_wait3A_332, %dma_wait3A_333] : memref<8x32x128xf32, #tpu.memory_space<vmem>> -> memref<1x32x128xf32, #tpu.memory_space<vmem>>
      %dma_wait3A_335 = tpu.memref_squeeze %dma_wait3A_334 : memref<1x32x128xf32, #tpu.memory_space<vmem>> -> memref<32x128xf32, #tpu.memory_space<vmem>>
      %dma_wait3A_336 = arith.constant 0 : i32
      %dma_wait3A_337 = arith.constant 0 : i32
      %dma_wait3A_338 = tpu.memref_slice %arg3[%dma_wait3A_336, %dma_wait3A_337] : memref<32x1000000xf32, #tpu.memory_space<hbm>> -> memref<32x128xf32, #tpu.memory_space<hbm>>
      %dma_wait3A_339 = arith.constant 0 : i32
      %dma_wait3A_340 = arith.constant 0 : i32
      %dma_wait3A_341 = tpu.memref_slice %arg6[%dma_wait3A, %dma_wait3A_339, %dma_wait3A_340] : memref<8x32x128xf32, #tpu.memory_space<vmem>> -> memref<1x32x128xf32, #tpu.memory_space<vmem>>
      %dma_wait3A_342 = tpu.memref_squeeze %dma_wait3A_341 : memref<1x32x128xf32, #tpu.memory_space<vmem>> -> memref<32x128xf32, #tpu.memory_space<vmem>>
      %dma_wait3A_343 = arith.constant 0 : i32
      %dma_wait3A_344 = arith.constant 0 : i32
      %dma_wait3A_345 = tpu.memref_slice %arg3[%dma_wait3A_343, %dma_wait3A_344] : memref<32x1000000xf32, #tpu.memory_space<hbm>> -> memref<32x128xf32, #tpu.memory_space<hbm>>
      tpu.wait_dma2 semaphore(%arg9 : memref<!tpu.dma_semaphore, #tpu.memory_space<semaphore_mem>>) src(%dma_wait3A_345 : memref<32x128xf32, #tpu.memory_space<hbm>>) dst(%dma_wait3A_342 : memref<32x128xf32, #tpu.memory_space<vmem>>)
      %dma_wait3A_346 = arith.constant 1 : i32
      %dma_wait3A_347 = arith.constant 0 : i32
      %dma_wait3A_348 = arith.constant 0 : i32
      %dma_wait3A_349 = tpu.memref_slice %arg6[%dma_wait3A_346, %dma_wait3A_347, %dma_wait3A_348] : memref<8x32x128xf32, #tpu.memory_space<vmem>> -> memref<1x32x128xf32, #tpu.memory_space<vmem>>
      %dma_wait3A_350 = tpu.memref_squeeze %dma_wait3A_349 : memref<1x32x128xf32, #tpu.memory_space<vmem>> -> memref<32x128xf32, #tpu.memory_space<vmem>>
      %dma_wait3A_351 = arith.constant 0 : i32
      %dma_wait3A_352 = arith.constant 0 : i32
      %dma_wait3A_353 = tpu.memref_slice %arg3[%dma_wait3A_351, %dma_wait3A_352] : memref<32x1000000xf32, #tpu.memory_space<hbm>> -> memref<32x128xf32, #tpu.memory_space<hbm>>
      %dma_wait3A_354 = arith.constant 0 : i32
      %dma_wait3A_355 = arith.constant 0 : i32
      %dma_wait3A_356 = tpu.memref_slice %arg6[%dma_wait3A_346, %dma_wait3A_354, %dma_wait3A_355] : memref<8x32x128xf32, #tpu.memory_space<vmem>> -> memref<1x32x128xf32, #tpu.memory_space<vmem>>
      %dma_wait3A_357 = tpu.memref_squeeze %dma_wait3A_356 : memref<1x32x128xf32, #tpu.memory_space<vmem>> -> memref<32x128xf32, #tpu.memory_space<vmem>>
      %dma_wait3A_358 = arith.constant 0 : i32
      %dma_wait3A_359 = arith.constant 0 : i32
      %dma_wait3A_360 = tpu.memref_slice %arg3[%dma_wait3A_358, %dma_wait3A_359] : memref<32x1000000xf32, #tpu.memory_space<hbm>> -> memref<32x128xf32, #tpu.memory_space<hbm>>
      tpu.wait_dma2 semaphore(%arg9 : memref<!tpu.dma_semaphore, #tpu.memory_space<semaphore_mem>>) src(%dma_wait3A_360 : memref<32x128xf32, #tpu.memory_space<hbm>>) dst(%dma_wait3A_357 : memref<32x128xf32, #tpu.memory_space<vmem>>)
      %dma_wait3A_361 = arith.constant 2 : i32
      %dma_wait3A_362 = arith.constant 0 : i32
      %dma_wait3A_363 = arith.constant 0 : i32
      %dma_wait3A_364 = tpu.memref_slice %arg6[%dma_wait3A_361, %dma_wait3A_362, %dma_wait3A_363] : memref<8x32x128xf32, #tpu.memory_space<vmem>> -> memref<1x32x128xf32, #tpu.memory_space<vmem>>
      %dma_wait3A_365 = tpu.memref_squeeze %dma_wait3A_364 : memref<1x32x128xf32, #tpu.memory_space<vmem>> -> memref<32x128xf32, #tpu.memory_space<vmem>>
      %dma_wait3A_366 = arith.constant 0 : i32
      %dma_wait3A_367 = arith.constant 0 : i32
      %dma_wait3A_368 = tpu.memref_slice %arg3[%dma_wait3A_366, %dma_wait3A_367] : memref<32x1000000xf32, #tpu.memory_space<hbm>> -> memref<32x128xf32, #tpu.memory_space<hbm>>
      %dma_wait3A_369 = arith.constant 0 : i32
      %dma_wait3A_370 = arith.constant 0 : i32
      %dma_wait3A_371 = tpu.memref_slice %arg6[%dma_wait3A_361, %dma_wait3A_369, %dma_wait3A_370] : memref<8x32x128xf32, #tpu.memory_space<vmem>> -> memref<1x32x128xf32, #tpu.memory_space<vmem>>
      %dma_wait3A_372 = tpu.memref_squeeze %dma_wait3A_371 : memref<1x32x128xf32, #tpu.memory_space<vmem>> -> memref<32x128xf32, #tpu.memory_space<vmem>>
      %dma_wait3A_373 = arith.constant 0 : i32
      %dma_wait3A_374 = arith.constant 0 : i32
      %dma_wait3A_375 = tpu.memref_slice %arg3[%dma_wait3A_373, %dma_wait3A_374] : memref<32x1000000xf32, #tpu.memory_space<hbm>> -> memref<32x128xf32, #tpu.memory_space<hbm>>
      tpu.wait_dma2 semaphore(%arg9 : memref<!tpu.dma_semaphore, #tpu.memory_space<semaphore_mem>>) src(%dma_wait3A_375 : memref<32x128xf32, #tpu.memory_space<hbm>>) dst(%dma_wait3A_372 : memref<32x128xf32, #tpu.memory_space<vmem>>)
      %dma_wait3A_376 = arith.constant 3 : i32
      %dma_wait3A_377 = arith.constant 0 : i32
      %dma_wait3A_378 = arith.constant 0 : i32
      %dma_wait3A_379 = tpu.memref_slice %arg6[%dma_wait3A_376, %dma_wait3A_377, %dma_wait3A_378] : memref<8x32x128xf32, #tpu.memory_space<vmem>> -> memref<1x32x128xf32, #tpu.memory_space<vmem>>
      %dma_wait3A_380 = tpu.memref_squeeze %dma_wait3A_379 : memref<1x32x128xf32, #tpu.memory_space<vmem>> -> memref<32x128xf32, #tpu.memory_space<vmem>>
      %dma_wait3A_381 = arith.constant 0 : i32
      %dma_wait3A_382 = arith.constant 0 : i32
      %dma_wait3A_383 = tpu.memref_slice %arg3[%dma_wait3A_381, %dma_wait3A_382] : memref<32x1000000xf32, #tpu.memory_space<hbm>> -> memref<32x128xf32, #tpu.memory_space<hbm>>
      %dma_wait3A_384 = arith.constant 0 : i32
      %dma_wait3A_385 = arith.constant 0 : i32
      %dma_wait3A_386 = tpu.memref_slice %arg6[%dma_wait3A_376, %dma_wait3A_384, %dma_wait3A_385] : memref<8x32x128xf32, #tpu.memory_space<vmem>> -> memref<1x32x128xf32, #tpu.memory_space<vmem>>
      %dma_wait3A_387 = tpu.memref_squeeze %dma_wait3A_386 : memref<1x32x128xf32, #tpu.memory_space<vmem>> -> memref<32x128xf32, #tpu.memory_space<vmem>>
      %dma_wait3A_388 = arith.constant 0 : i32
      %dma_wait3A_389 = arith.constant 0 : i32
      %dma_wait3A_390 = tpu.memref_slice %arg3[%dma_wait3A_388, %dma_wait3A_389] : memref<32x1000000xf32, #tpu.memory_space<hbm>> -> memref<32x128xf32, #tpu.memory_space<hbm>>
      tpu.wait_dma2 semaphore(%arg9 : memref<!tpu.dma_semaphore, #tpu.memory_space<semaphore_mem>>) src(%dma_wait3A_390 : memref<32x128xf32, #tpu.memory_space<hbm>>) dst(%dma_wait3A_387 : memref<32x128xf32, #tpu.memory_space<vmem>>)
      %dma_wait3A_391 = arith.constant 4 : i32
      %dma_wait3A_392 = arith.constant 0 : i32
      %dma_wait3A_393 = arith.constant 0 : i32
      %dma_wait3A_394 = tpu.memref_slice %arg6[%dma_wait3A_391, %dma_wait3A_392, %dma_wait3A_393] : memref<8x32x128xf32, #tpu.memory_space<vmem>> -> memref<1x32x128xf32, #tpu.memory_space<vmem>>
      %dma_wait3A_395 = tpu.memref_squeeze %dma_wait3A_394 : memref<1x32x128xf32, #tpu.memory_space<vmem>> -> memref<32x128xf32, #tpu.memory_space<vmem>>
      %dma_wait3A_396 = arith.constant 0 : i32
      %dma_wait3A_397 = arith.constant 0 : i32
      %dma_wait3A_398 = tpu.memref_slice %arg3[%dma_wait3A_396, %dma_wait3A_397] : memref<32x1000000xf32, #tpu.memory_space<hbm>> -> memref<32x128xf32, #tpu.memory_space<hbm>>
      %dma_wait3A_399 = arith.constant 0 : i32
      %dma_wait3A_400 = arith.constant 0 : i32
      %dma_wait3A_401 = tpu.memref_slice %arg6[%dma_wait3A_391, %dma_wait3A_399, %dma_wait3A_400] : memref<8x32x128xf32, #tpu.memory_space<vmem>> -> memref<1x32x128xf32, #tpu.memory_space<vmem>>
      %dma_wait3A_402 = tpu.memref_squeeze %dma_wait3A_401 : memref<1x32x128xf32, #tpu.memory_space<vmem>> -> memref<32x128xf32, #tpu.memory_space<vmem>>
      %dma_wait3A_403 = arith.constant 0 : i32
      %dma_wait3A_404 = arith.constant 0 : i32
      %dma_wait3A_405 = tpu.memref_slice %arg3[%dma_wait3A_403, %dma_wait3A_404] : memref<32x1000000xf32, #tpu.memory_space<hbm>> -> memref<32x128xf32, #tpu.memory_space<hbm>>
      tpu.wait_dma2 semaphore(%arg9 : memref<!tpu.dma_semaphore, #tpu.memory_space<semaphore_mem>>) src(%dma_wait3A_405 : memref<32x128xf32, #tpu.memory_space<hbm>>) dst(%dma_wait3A_402 : memref<32x128xf32, #tpu.memory_space<vmem>>)
      %dma_wait3A_406 = arith.constant 5 : i32
      %dma_wait3A_407 = arith.constant 0 : i32
      %dma_wait3A_408 = arith.constant 0 : i32
      %dma_wait3A_409 = tpu.memref_slice %arg6[%dma_wait3A_406, %dma_wait3A_407, %dma_wait3A_408] : memref<8x32x128xf32, #tpu.memory_space<vmem>> -> memref<1x32x128xf32, #tpu.memory_space<vmem>>
      %dma_wait3A_410 = tpu.memref_squeeze %dma_wait3A_409 : memref<1x32x128xf32, #tpu.memory_space<vmem>> -> memref<32x128xf32, #tpu.memory_space<vmem>>
      %dma_wait3A_411 = arith.constant 0 : i32
      %dma_wait3A_412 = arith.constant 0 : i32
      %dma_wait3A_413 = tpu.memref_slice %arg3[%dma_wait3A_411, %dma_wait3A_412] : memref<32x1000000xf32, #tpu.memory_space<hbm>> -> memref<32x128xf32, #tpu.memory_space<hbm>>
      %dma_wait3A_414 = arith.constant 0 : i32
      %dma_wait3A_415 = arith.constant 0 : i32
      %dma_wait3A_416 = tpu.memref_slice %arg6[%dma_wait3A_406, %dma_wait3A_414, %dma_wait3A_415] : memref<8x32x128xf32, #tpu.memory_space<vmem>> -> memref<1x32x128xf32, #tpu.memory_space<vmem>>
      %dma_wait3A_417 = tpu.memref_squeeze %dma_wait3A_416 : memref<1x32x128xf32, #tpu.memory_space<vmem>> -> memref<32x128xf32, #tpu.memory_space<vmem>>
      %dma_wait3A_418 = arith.constant 0 : i32
      %dma_wait3A_419 = arith.constant 0 : i32
      %dma_wait3A_420 = tpu.memref_slice %arg3[%dma_wait3A_418, %dma_wait3A_419] : memref<32x1000000xf32, #tpu.memory_space<hbm>> -> memref<32x128xf32, #tpu.memory_space<hbm>>
      tpu.wait_dma2 semaphore(%arg9 : memref<!tpu.dma_semaphore, #tpu.memory_space<semaphore_mem>>) src(%dma_wait3A_420 : memref<32x128xf32, #tpu.memory_space<hbm>>) dst(%dma_wait3A_417 : memref<32x128xf32, #tpu.memory_space<vmem>>)
      %dma_wait3A_421 = arith.constant 6 : i32
      %dma_wait3A_422 = arith.constant 0 : i32
      %dma_wait3A_423 = arith.constant 0 : i32
      %dma_wait3A_424 = tpu.memref_slice %arg6[%dma_wait3A_421, %dma_wait3A_422, %dma_wait3A_423] : memref<8x32x128xf32, #tpu.memory_space<vmem>> -> memref<1x32x128xf32, #tpu.memory_space<vmem>>
      %dma_wait3A_425 = tpu.memref_squeeze %dma_wait3A_424 : memref<1x32x128xf32, #tpu.memory_space<vmem>> -> memref<32x128xf32, #tpu.memory_space<vmem>>
      %dma_wait3A_426 = arith.constant 0 : i32
      %dma_wait3A_427 = arith.constant 0 : i32
      %dma_wait3A_428 = tpu.memref_slice %arg3[%dma_wait3A_426, %dma_wait3A_427] : memref<32x1000000xf32, #tpu.memory_space<hbm>> -> memref<32x128xf32, #tpu.memory_space<hbm>>
      %dma_wait3A_429 = arith.constant 0 : i32
      %dma_wait3A_430 = arith.constant 0 : i32
      %dma_wait3A_431 = tpu.memref_slice %arg6[%dma_wait3A_421, %dma_wait3A_429, %dma_wait3A_430] : memref<8x32x128xf32, #tpu.memory_space<vmem>> -> memref<1x32x128xf32, #tpu.memory_space<vmem>>
      %dma_wait3A_432 = tpu.memref_squeeze %dma_wait3A_431 : memref<1x32x128xf32, #tpu.memory_space<vmem>> -> memref<32x128xf32, #tpu.memory_space<vmem>>
      %dma_wait3A_433 = arith.constant 0 : i32
      %dma_wait3A_434 = arith.constant 0 : i32
      %dma_wait3A_435 = tpu.memref_slice %arg3[%dma_wait3A_433, %dma_wait3A_434] : memref<32x1000000xf32, #tpu.memory_space<hbm>> -> memref<32x128xf32, #tpu.memory_space<hbm>>
      tpu.wait_dma2 semaphore(%arg9 : memref<!tpu.dma_semaphore, #tpu.memory_space<semaphore_mem>>) src(%dma_wait3A_435 : memref<32x128xf32, #tpu.memory_space<hbm>>) dst(%dma_wait3A_432 : memref<32x128xf32, #tpu.memory_space<vmem>>)
      %dma_wait3A_436 = arith.constant 7 : i32
      %dma_wait3A_437 = arith.constant 0 : i32
      %dma_wait3A_438 = arith.constant 0 : i32
      %dma_wait3A_439 = tpu.memref_slice %arg6[%dma_wait3A_436, %dma_wait3A_437, %dma_wait3A_438] : memref<8x32x128xf32, #tpu.memory_space<vmem>> -> memref<1x32x128xf32, #tpu.memory_space<vmem>>
      %dma_wait3A_440 = tpu.memref_squeeze %dma_wait3A_439 : memref<1x32x128xf32, #tpu.memory_space<vmem>> -> memref<32x128xf32, #tpu.memory_space<vmem>>
      %dma_wait3A_441 = arith.constant 0 : i32
      %dma_wait3A_442 = arith.constant 0 : i32
      %dma_wait3A_443 = tpu.memref_slice %arg3[%dma_wait3A_441, %dma_wait3A_442] : memref<32x1000000xf32, #tpu.memory_space<hbm>> -> memref<32x128xf32, #tpu.memory_space<hbm>>
      %dma_wait3A_444 = arith.constant 0 : i32
      %dma_wait3A_445 = arith.constant 0 : i32
      %dma_wait3A_446 = tpu.memref_slice %arg6[%dma_wait3A_436, %dma_wait3A_444, %dma_wait3A_445] : memref<8x32x128xf32, #tpu.memory_space<vmem>> -> memref<1x32x128xf32, #tpu.memory_space<vmem>>
      %dma_wait3A_447 = tpu.memref_squeeze %dma_wait3A_446 : memref<1x32x128xf32, #tpu.memory_space<vmem>> -> memref<32x128xf32, #tpu.memory_space<vmem>>
      %dma_wait3A_448 = arith.constant 0 : i32
      %dma_wait3A_449 = arith.constant 0 : i32
      %dma_wait3A_450 = tpu.memref_slice %arg3[%dma_wait3A_448, %dma_wait3A_449] : memref<32x1000000xf32, #tpu.memory_space<hbm>> -> memref<32x128xf32, #tpu.memory_space<hbm>>
      tpu.wait_dma2 semaphore(%arg9 : memref<!tpu.dma_semaphore, #tpu.memory_space<semaphore_mem>>) src(%dma_wait3A_450 : memref<32x128xf32, #tpu.memory_space<hbm>>) dst(%dma_wait3A_447 : memref<32x128xf32, #tpu.memory_space<vmem>>)
      %mul3A_451 = arith.constant 16 : i32
      %mul3A_452 = arith.muli %add3A_167, %mul3A_451 : i32
      %get3A_453 = arith.index_cast %mul3A_452 : i32 to index
      %get3A_454 = tpu.vector_load %arg5[%get3A_453] {strides = array<i32>} : memref<384xi32, #tpu.memory_space<vmem>>, vector<16xi32>,
      %and3A = arith.constant 127 : i32
      %and3A_455 = vector.broadcast %and3A : i32 to vector<16xi32>
      %and3A_456 = arith.andi %get3A_454, %and3A_455 : vector<16xi32>
      %slice3A_457 = vector.extract_strided_slice %and3A_456 {offsets = [0], sizes = [1], strides = [1]} : vector<16xi32> to vector<1xi32>
      %squeeze3A_458 = vector.extract %slice3A_457[0] : i32 from vector<1xi32>
      %broadcast_in_dim3A = vector.broadcast %squeeze3A_458 : i32 to vector<16xi32>
      %broadcast_in_dim3A_459 = arith.constant 0 : i32
      %broadcast_in_dim3A_460 = vector.broadcast %broadcast_in_dim3A_459 : i32 to vector<16xi32>
      %gather3A = tpu.vector_load_idx %arg6[%broadcast_in_dim3A_460, %iota3A, %broadcast_in_dim3A] : memref<8x32x128xf32, #tpu.memory_space<vmem>>[vector<16xi32>, vector<16xi32>, vector<16xi32>], vector<16xf32>,
      %add3A_461 = arith.constant 16 : i32
      %add3A_462 = vector.broadcast %add3A_461 : i32 to vector<16xi32>
      %add3A_463 = arith.addi %iota3A, %add3A_462 : vector<16xi32>
      %gather3A_464 = tpu.vector_load_idx %arg6[%broadcast_in_dim3A_460, %add3A_463, %broadcast_in_dim3A] : memref<8x32x128xf32, #tpu.memory_space<vmem>>[vector<16xi32>, vector<16xi32>, vector<16xi32>], vector<16xf32>,
      %mul3A_465 = arith.mulf %gather3A, %gather3A : vector<16xf32>
      %mul3A_466 = arith.mulf %gather3A_464, %gather3A_464 : vector<16xf32>
      %add3A_467 = arith.addf %mul3A_465, %mul3A_466 : vector<16xf32>
      %reduce_sum3A = arith.constant true
      %reduce_sum3A_468 = vector.broadcast %reduce_sum3A : i1 to vector<16xi1>
      %reduce_sum3A_469 = tpu.scan <sum>, %add3A_467 masked %reduce_sum3A_468 : vector<16xf32>, vector<16xi1> -> vector<16xf32>
      %reduce_sum3A_470 = vector.extract %reduce_sum3A_469[15] : f32 from vector<16xf32>
      %broadcast_in_dim3A_471 = vector.broadcast %reduce_sum3A_470 : f32 to vector<16xf32>
      %bitcast_convert_type3A = tpu.bitcast %broadcast_in_dim3A_471 : vector<16xf32> -> vector<16xi32>
      %shift_right_logical3A_472 = arith.constant 1 : i32
      %shift_right_logical3A_473 = vector.broadcast %shift_right_logical3A_472 : i32 to vector<16xi32>
      %shift_right_logical3A_474 = arith.shrui %bitcast_convert_type3A, %shift_right_logical3A_473 : vector<16xi32>
      %sub3A = arith.constant 1597463007 : i32
      %sub3A_475 = vector.broadcast %sub3A : i32 to vector<16xi32>
      %sub3A_476 = arith.subi %sub3A_475, %shift_right_logical3A_474 : vector<16xi32>
      %bitcast_convert_type3A_477 = tpu.bitcast %sub3A_476 : vector<16xi32> -> vector<16xf32>
      %mul3A_478 = arith.constant 5.000000e-01 : f32
      %mul3A_479 = vector.broadcast %mul3A_478 : f32 to vector<16xf32>
      %mul3A_480 = arith.mulf %broadcast_in_dim3A_471, %mul3A_479 : vector<16xf32>
      %mul3A_481 = arith.mulf %mul3A_480, %bitcast_convert_type3A_477 : vector<16xf32>
      %mul3A_482 = arith.mulf %mul3A_481, %bitcast_convert_type3A_477 : vector<16xf32>
      %sub3A_483 = arith.constant 1.500000e+00 : f32
      %sub3A_484 = vector.broadcast %sub3A_483 : f32 to vector<16xf32>
      %sub3A_485 = arith.subf %sub3A_484, %mul3A_482 : vector<16xf32>
      %mul3A_486 = arith.mulf %bitcast_convert_type3A_477, %sub3A_485 : vector<16xf32>
      %mul3A_487 = arith.mulf %mul3A_480, %mul3A_486 : vector<16xf32>
      %mul3A_488 = arith.mulf %mul3A_487, %mul3A_486 : vector<16xf32>
      %sub3A_489 = arith.constant 1.500000e+00 : f32
      %sub3A_490 = vector.broadcast %sub3A_489 : f32 to vector<16xf32>
      %sub3A_491 = arith.subf %sub3A_490, %mul3A_488 : vector<16xf32>
      %mul3A_492 = arith.mulf %mul3A_486, %sub3A_491 : vector<16xf32>
      %mul3A_493 = arith.mulf %mul3A_480, %mul3A_492 : vector<16xf32>
      %mul3A_494 = arith.mulf %mul3A_493, %mul3A_492 : vector<16xf32>
      %sub3A_495 = arith.constant 1.500000e+00 : f32
      %sub3A_496 = vector.broadcast %sub3A_495 : f32 to vector<16xf32>
      %sub3A_497 = arith.subf %sub3A_496, %mul3A_494 : vector<16xf32>
      %mul3A_498 = arith.mulf %mul3A_492, %sub3A_497 : vector<16xf32>
      %mul3A_499 = arith.constant 16 : i32
      %mul3A_500 = arith.muli %add3A_167, %mul3A_499 : i32
      %add3A_501 = arith.constant 0 : i32
      %add3A_502 = arith.addi %mul3A_500, %add3A_501 : i32
      %add3A_503 = arith.constant 0 : i32
      %add3A_504 = arith.addi %add3A_502, %add3A_503 : i32
      %broadcast_in_dim3A_505 = vector.broadcast %add3A_504 : i32 to vector<16xi32>
      %mul3A_506 = arith.mulf %gather3A, %mul3A_498 : vector<16xf32>
      tpu.vector_store_idx %arg8[%iota3A, %broadcast_in_dim3A_505], %mul3A_506 : memref<32x384xf32, #tpu.memory_space<vmem>>[vector<16xi32>, vector<16xi32>], vector<16xf32>,
      %add3A_507 = arith.constant 16 : i32
      %add3A_508 = vector.broadcast %add3A_507 : i32 to vector<16xi32>
      %add3A_509 = arith.addi %iota3A, %add3A_508 : vector<16xi32>
      %mul3A_510 = arith.mulf %gather3A_464, %mul3A_498 : vector<16xf32>
      tpu.vector_store_idx %arg8[%add3A_509, %broadcast_in_dim3A_505], %mul3A_510 : memref<32x384xf32, #tpu.memory_space<vmem>>[vector<16xi32>, vector<16xi32>], vector<16xf32>,
      %slice3A_511 = vector.extract_strided_slice %and3A_456 {offsets = [1], sizes = [1], strides = [1]} : vector<16xi32> to vector<1xi32>
      %squeeze3A_512 = vector.extract %slice3A_511[0] : i32 from vector<1xi32>
      %broadcast_in_dim3A_513 = vector.broadcast %squeeze3A_512 : i32 to vector<16xi32>
      %broadcast_in_dim3A_514 = arith.constant 1 : i32
      %broadcast_in_dim3A_515 = vector.broadcast %broadcast_in_dim3A_514 : i32 to vector<16xi32>
      %gather3A_516 = tpu.vector_load_idx %arg6[%broadcast_in_dim3A_515, %iota3A, %broadcast_in_dim3A_513] : memref<8x32x128xf32, #tpu.memory_space<vmem>>[vector<16xi32>, vector<16xi32>, vector<16xi32>], vector<16xf32>,
      %add3A_517 = arith.constant 16 : i32
      %add3A_518 = vector.broadcast %add3A_517 : i32 to vector<16xi32>
      %add3A_519 = arith.addi %iota3A, %add3A_518 : vector<16xi32>
      %gather3A_520 = tpu.vector_load_idx %arg6[%broadcast_in_dim3A_515, %add3A_519, %broadcast_in_dim3A_513] : memref<8x32x128xf32, #tpu.memory_space<vmem>>[vector<16xi32>, vector<16xi32>, vector<16xi32>], vector<16xf32>,
      %mul3A_521 = arith.mulf %gather3A_516, %gather3A_516 : vector<16xf32>
      %mul3A_522 = arith.mulf %gather3A_520, %gather3A_520 : vector<16xf32>
      %add3A_523 = arith.addf %mul3A_521, %mul3A_522 : vector<16xf32>
      %reduce_sum3A_524 = arith.constant true
      %reduce_sum3A_525 = vector.broadcast %reduce_sum3A_524 : i1 to vector<16xi1>
      %reduce_sum3A_526 = tpu.scan <sum>, %add3A_523 masked %reduce_sum3A_525 : vector<16xf32>, vector<16xi1> -> vector<16xf32>
      %reduce_sum3A_527 = vector.extract %reduce_sum3A_526[15] : f32 from vector<16xf32>
      %broadcast_in_dim3A_528 = vector.broadcast %reduce_sum3A_527 : f32 to vector<16xf32>
      %bitcast_convert_type3A_529 = tpu.bitcast %broadcast_in_dim3A_528 : vector<16xf32> -> vector<16xi32>
      %shift_right_logical3A_530 = arith.constant 1 : i32
      %shift_right_logical3A_531 = vector.broadcast %shift_right_logical3A_530 : i32 to vector<16xi32>
      %shift_right_logical3A_532 = arith.shrui %bitcast_convert_type3A_529, %shift_right_logical3A_531 : vector<16xi32>
      %sub3A_533 = arith.constant 1597463007 : i32
      %sub3A_534 = vector.broadcast %sub3A_533 : i32 to vector<16xi32>
      %sub3A_535 = arith.subi %sub3A_534, %shift_right_logical3A_532 : vector<16xi32>
      %bitcast_convert_type3A_536 = tpu.bitcast %sub3A_535 : vector<16xi32> -> vector<16xf32>
      %mul3A_537 = arith.constant 5.000000e-01 : f32
      %mul3A_538 = vector.broadcast %mul3A_537 : f32 to vector<16xf32>
      %mul3A_539 = arith.mulf %broadcast_in_dim3A_528, %mul3A_538 : vector<16xf32>
      %mul3A_540 = arith.mulf %mul3A_539, %bitcast_convert_type3A_536 : vector<16xf32>
      %mul3A_541 = arith.mulf %mul3A_540, %bitcast_convert_type3A_536 : vector<16xf32>
      %sub3A_542 = arith.constant 1.500000e+00 : f32
      %sub3A_543 = vector.broadcast %sub3A_542 : f32 to vector<16xf32>
      %sub3A_544 = arith.subf %sub3A_543, %mul3A_541 : vector<16xf32>
      %mul3A_545 = arith.mulf %bitcast_convert_type3A_536, %sub3A_544 : vector<16xf32>
      %mul3A_546 = arith.mulf %mul3A_539, %mul3A_545 : vector<16xf32>
      %mul3A_547 = arith.mulf %mul3A_546, %mul3A_545 : vector<16xf32>
      %sub3A_548 = arith.constant 1.500000e+00 : f32
      %sub3A_549 = vector.broadcast %sub3A_548 : f32 to vector<16xf32>
      %sub3A_550 = arith.subf %sub3A_549, %mul3A_547 : vector<16xf32>
      %mul3A_551 = arith.mulf %mul3A_545, %sub3A_550 : vector<16xf32>
      %mul3A_552 = arith.mulf %mul3A_539, %mul3A_551 : vector<16xf32>
      %mul3A_553 = arith.mulf %mul3A_552, %mul3A_551 : vector<16xf32>
      %sub3A_554 = arith.constant 1.500000e+00 : f32
      %sub3A_555 = vector.broadcast %sub3A_554 : f32 to vector<16xf32>
      %sub3A_556 = arith.subf %sub3A_555, %mul3A_553 : vector<16xf32>
      %mul3A_557 = arith.mulf %mul3A_551, %sub3A_556 : vector<16xf32>
      %mul3A_558 = arith.constant 16 : i32
      %mul3A_559 = arith.muli %add3A_167, %mul3A_558 : i32
      %add3A_560 = arith.constant 0 : i32
      %add3A_561 = arith.addi %mul3A_559, %add3A_560 : i32
      %add3A_562 = arith.constant 1 : i32
      %add3A_563 = arith.addi %add3A_561, %add3A_562 : i32
      %broadcast_in_dim3A_564 = vector.broadcast %add3A_563 : i32 to vector<16xi32>
      %mul3A_565 = arith.mulf %gather3A_516, %mul3A_557 : vector<16xf32>
      tpu.vector_store_idx %arg8[%iota3A, %broadcast_in_dim3A_564], %mul3A_565 : memref<32x384xf32, #tpu.memory_space<vmem>>[vector<16xi32>, vector<16xi32>], vector<16xf32>,
      %add3A_566 = arith.constant 16 : i32
      %add3A_567 = vector.broadcast %add3A_566 : i32 to vector<16xi32>
      %add3A_568 = arith.addi %iota3A, %add3A_567 : vector<16xi32>
      %mul3A_569 = arith.mulf %gather3A_520, %mul3A_557 : vector<16xf32>
      tpu.vector_store_idx %arg8[%add3A_568, %broadcast_in_dim3A_564], %mul3A_569 : memref<32x384xf32, #tpu.memory_space<vmem>>[vector<16xi32>, vector<16xi32>], vector<16xf32>,
      %slice3A_570 = vector.extract_strided_slice %and3A_456 {offsets = [2], sizes = [1], strides = [1]} : vector<16xi32> to vector<1xi32>
      %squeeze3A_571 = vector.extract %slice3A_570[0] : i32 from vector<1xi32>
      %broadcast_in_dim3A_572 = vector.broadcast %squeeze3A_571 : i32 to vector<16xi32>
      %broadcast_in_dim3A_573 = arith.constant 2 : i32
      %broadcast_in_dim3A_574 = vector.broadcast %broadcast_in_dim3A_573 : i32 to vector<16xi32>
      %gather3A_575 = tpu.vector_load_idx %arg6[%broadcast_in_dim3A_574, %iota3A, %broadcast_in_dim3A_572] : memref<8x32x128xf32, #tpu.memory_space<vmem>>[vector<16xi32>, vector<16xi32>, vector<16xi32>], vector<16xf32>,
      %add3A_576 = arith.constant 16 : i32
      %add3A_577 = vector.broadcast %add3A_576 : i32 to vector<16xi32>
      %add3A_578 = arith.addi %iota3A, %add3A_577 : vector<16xi32>
      %gather3A_579 = tpu.vector_load_idx %arg6[%broadcast_in_dim3A_574, %add3A_578, %broadcast_in_dim3A_572] : memref<8x32x128xf32, #tpu.memory_space<vmem>>[vector<16xi32>, vector<16xi32>, vector<16xi32>], vector<16xf32>,
      %mul3A_580 = arith.mulf %gather3A_575, %gather3A_575 : vector<16xf32>
      %mul3A_581 = arith.mulf %gather3A_579, %gather3A_579 : vector<16xf32>
      %add3A_582 = arith.addf %mul3A_580, %mul3A_581 : vector<16xf32>
      %reduce_sum3A_583 = arith.constant true
      %reduce_sum3A_584 = vector.broadcast %reduce_sum3A_583 : i1 to vector<16xi1>
      %reduce_sum3A_585 = tpu.scan <sum>, %add3A_582 masked %reduce_sum3A_584 : vector<16xf32>, vector<16xi1> -> vector<16xf32>
      %reduce_sum3A_586 = vector.extract %reduce_sum3A_585[15] : f32 from vector<16xf32>
      %broadcast_in_dim3A_587 = vector.broadcast %reduce_sum3A_586 : f32 to vector<16xf32>
      %bitcast_convert_type3A_588 = tpu.bitcast %broadcast_in_dim3A_587 : vector<16xf32> -> vector<16xi32>
      %shift_right_logical3A_589 = arith.constant 1 : i32
      %shift_right_logical3A_590 = vector.broadcast %shift_right_logical3A_589 : i32 to vector<16xi32>
      %shift_right_logical3A_591 = arith.shrui %bitcast_convert_type3A_588, %shift_right_logical3A_590 : vector<16xi32>
      %sub3A_592 = arith.constant 1597463007 : i32
      %sub3A_593 = vector.broadcast %sub3A_592 : i32 to vector<16xi32>
      %sub3A_594 = arith.subi %sub3A_593, %shift_right_logical3A_591 : vector<16xi32>
      %bitcast_convert_type3A_595 = tpu.bitcast %sub3A_594 : vector<16xi32> -> vector<16xf32>
      %mul3A_596 = arith.constant 5.000000e-01 : f32
      %mul3A_597 = vector.broadcast %mul3A_596 : f32 to vector<16xf32>
      %mul3A_598 = arith.mulf %broadcast_in_dim3A_587, %mul3A_597 : vector<16xf32>
      %mul3A_599 = arith.mulf %mul3A_598, %bitcast_convert_type3A_595 : vector<16xf32>
      %mul3A_600 = arith.mulf %mul3A_599, %bitcast_convert_type3A_595 : vector<16xf32>
      %sub3A_601 = arith.constant 1.500000e+00 : f32
      %sub3A_602 = vector.broadcast %sub3A_601 : f32 to vector<16xf32>
      %sub3A_603 = arith.subf %sub3A_602, %mul3A_600 : vector<16xf32>
      %mul3A_604 = arith.mulf %bitcast_convert_type3A_595, %sub3A_603 : vector<16xf32>
      %mul3A_605 = arith.mulf %mul3A_598, %mul3A_604 : vector<16xf32>
      %mul3A_606 = arith.mulf %mul3A_605, %mul3A_604 : vector<16xf32>
      %sub3A_607 = arith.constant 1.500000e+00 : f32
      %sub3A_608 = vector.broadcast %sub3A_607 : f32 to vector<16xf32>
      %sub3A_609 = arith.subf %sub3A_608, %mul3A_606 : vector<16xf32>
      %mul3A_610 = arith.mulf %mul3A_604, %sub3A_609 : vector<16xf32>
      %mul3A_611 = arith.mulf %mul3A_598, %mul3A_610 : vector<16xf32>
      %mul3A_612 = arith.mulf %mul3A_611, %mul3A_610 : vector<16xf32>
      %sub3A_613 = arith.constant 1.500000e+00 : f32
      %sub3A_614 = vector.broadcast %sub3A_613 : f32 to vector<16xf32>
      %sub3A_615 = arith.subf %sub3A_614, %mul3A_612 : vector<16xf32>
      %mul3A_616 = arith.mulf %mul3A_610, %sub3A_615 : vector<16xf32>
      %mul3A_617 = arith.constant 16 : i32
      %mul3A_618 = arith.muli %add3A_167, %mul3A_617 : i32
      %add3A_619 = arith.constant 0 : i32
      %add3A_620 = arith.addi %mul3A_618, %add3A_619 : i32
      %add3A_621 = arith.constant 2 : i32
      %add3A_622 = arith.addi %add3A_620, %add3A_621 : i32
      %broadcast_in_dim3A_623 = vector.broadcast %add3A_622 : i32 to vector<16xi32>
      %mul3A_624 = arith.mulf %gather3A_575, %mul3A_616 : vector<16xf32>
      tpu.vector_store_idx %arg8[%iota3A, %broadcast_in_dim3A_623], %mul3A_624 : memref<32x384xf32, #tpu.memory_space<vmem>>[vector<16xi32>, vector<16xi32>], vector<16xf32>,
      %add3A_625 = arith.constant 16 : i32
      %add3A_626 = vector.broadcast %add3A_625 : i32 to vector<16xi32>
      %add3A_627 = arith.addi %iota3A, %add3A_626 : vector<16xi32>
      %mul3A_628 = arith.mulf %gather3A_579, %mul3A_616 : vector<16xf32>
      tpu.vector_store_idx %arg8[%add3A_627, %broadcast_in_dim3A_623], %mul3A_628 : memref<32x384xf32, #tpu.memory_space<vmem>>[vector<16xi32>, vector<16xi32>], vector<16xf32>,
      %slice3A_629 = vector.extract_strided_slice %and3A_456 {offsets = [3], sizes = [1], strides = [1]} : vector<16xi32> to vector<1xi32>
      %squeeze3A_630 = vector.extract %slice3A_629[0] : i32 from vector<1xi32>
      %broadcast_in_dim3A_631 = vector.broadcast %squeeze3A_630 : i32 to vector<16xi32>
      %broadcast_in_dim3A_632 = arith.constant 3 : i32
      %broadcast_in_dim3A_633 = vector.broadcast %broadcast_in_dim3A_632 : i32 to vector<16xi32>
      %gather3A_634 = tpu.vector_load_idx %arg6[%broadcast_in_dim3A_633, %iota3A, %broadcast_in_dim3A_631] : memref<8x32x128xf32, #tpu.memory_space<vmem>>[vector<16xi32>, vector<16xi32>, vector<16xi32>], vector<16xf32>,
      %add3A_635 = arith.constant 16 : i32
      %add3A_636 = vector.broadcast %add3A_635 : i32 to vector<16xi32>
      %add3A_637 = arith.addi %iota3A, %add3A_636 : vector<16xi32>
      %gather3A_638 = tpu.vector_load_idx %arg6[%broadcast_in_dim3A_633, %add3A_637, %broadcast_in_dim3A_631] : memref<8x32x128xf32, #tpu.memory_space<vmem>>[vector<16xi32>, vector<16xi32>, vector<16xi32>], vector<16xf32>,
      %mul3A_639 = arith.mulf %gather3A_634, %gather3A_634 : vector<16xf32>
      %mul3A_640 = arith.mulf %gather3A_638, %gather3A_638 : vector<16xf32>
      %add3A_641 = arith.addf %mul3A_639, %mul3A_640 : vector<16xf32>
      %reduce_sum3A_642 = arith.constant true
      %reduce_sum3A_643 = vector.broadcast %reduce_sum3A_642 : i1 to vector<16xi1>
      %reduce_sum3A_644 = tpu.scan <sum>, %add3A_641 masked %reduce_sum3A_643 : vector<16xf32>, vector<16xi1> -> vector<16xf32>
      %reduce_sum3A_645 = vector.extract %reduce_sum3A_644[15] : f32 from vector<16xf32>
      %broadcast_in_dim3A_646 = vector.broadcast %reduce_sum3A_645 : f32 to vector<16xf32>
      %bitcast_convert_type3A_647 = tpu.bitcast %broadcast_in_dim3A_646 : vector<16xf32> -> vector<16xi32>
      %shift_right_logical3A_648 = arith.constant 1 : i32
      %shift_right_logical3A_649 = vector.broadcast %shift_right_logical3A_648 : i32 to vector<16xi32>
      %shift_right_logical3A_650 = arith.shrui %bitcast_convert_type3A_647, %shift_right_logical3A_649 : vector<16xi32>
      %sub3A_651 = arith.constant 1597463007 : i32
      %sub3A_652 = vector.broadcast %sub3A_651 : i32 to vector<16xi32>
      %sub3A_653 = arith.subi %sub3A_652, %shift_right_logical3A_650 : vector<16xi32>
      %bitcast_convert_type3A_654 = tpu.bitcast %sub3A_653 : vector<16xi32> -> vector<16xf32>
      %mul3A_655 = arith.constant 5.000000e-01 : f32
      %mul3A_656 = vector.broadcast %mul3A_655 : f32 to vector<16xf32>
      %mul3A_657 = arith.mulf %broadcast_in_dim3A_646, %mul3A_656 : vector<16xf32>
      %mul3A_658 = arith.mulf %mul3A_657, %bitcast_convert_type3A_654 : vector<16xf32>
      %mul3A_659 = arith.mulf %mul3A_658, %bitcast_convert_type3A_654 : vector<16xf32>
      %sub3A_660 = arith.constant 1.500000e+00 : f32
      %sub3A_661 = vector.broadcast %sub3A_660 : f32 to vector<16xf32>
      %sub3A_662 = arith.subf %sub3A_661, %mul3A_659 : vector<16xf32>
      %mul3A_663 = arith.mulf %bitcast_convert_type3A_654, %sub3A_662 : vector<16xf32>
      %mul3A_664 = arith.mulf %mul3A_657, %mul3A_663 : vector<16xf32>
      %mul3A_665 = arith.mulf %mul3A_664, %mul3A_663 : vector<16xf32>
      %sub3A_666 = arith.constant 1.500000e+00 : f32
      %sub3A_667 = vector.broadcast %sub3A_666 : f32 to vector<16xf32>
      %sub3A_668 = arith.subf %sub3A_667, %mul3A_665 : vector<16xf32>
      %mul3A_669 = arith.mulf %mul3A_663, %sub3A_668 : vector<16xf32>
      %mul3A_670 = arith.mulf %mul3A_657, %mul3A_669 : vector<16xf32>
      %mul3A_671 = arith.mulf %mul3A_670, %mul3A_669 : vector<16xf32>
      %sub3A_672 = arith.constant 1.500000e+00 : f32
      %sub3A_673 = vector.broadcast %sub3A_672 : f32 to vector<16xf32>
      %sub3A_674 = arith.subf %sub3A_673, %mul3A_671 : vector<16xf32>
      %mul3A_675 = arith.mulf %mul3A_669, %sub3A_674 : vector<16xf32>
      %mul3A_676 = arith.constant 16 : i32
      %mul3A_677 = arith.muli %add3A_167, %mul3A_676 : i32
      %add3A_678 = arith.constant 0 : i32
      %add3A_679 = arith.addi %mul3A_677, %add3A_678 : i32
      %add3A_680 = arith.constant 3 : i32
      %add3A_681 = arith.addi %add3A_679, %add3A_680 : i32
      %broadcast_in_dim3A_682 = vector.broadcast %add3A_681 : i32 to vector<16xi32>
      %mul3A_683 = arith.mulf %gather3A_634, %mul3A_675 : vector<16xf32>
      tpu.vector_store_idx %arg8[%iota3A, %broadcast_in_dim3A_682], %mul3A_683 : memref<32x384xf32, #tpu.memory_space<vmem>>[vector<16xi32>, vector<16xi32>], vector<16xf32>,
      %add3A_684 = arith.constant 16 : i32
      %add3A_685 = vector.broadcast %add3A_684 : i32 to vector<16xi32>
      %add3A_686 = arith.addi %iota3A, %add3A_685 : vector<16xi32>
      %mul3A_687 = arith.mulf %gather3A_638, %mul3A_675 : vector<16xf32>
      tpu.vector_store_idx %arg8[%add3A_686, %broadcast_in_dim3A_682], %mul3A_687 : memref<32x384xf32, #tpu.memory_space<vmem>>[vector<16xi32>, vector<16xi32>], vector<16xf32>,
      %slice3A_688 = vector.extract_strided_slice %and3A_456 {offsets = [4], sizes = [1], strides = [1]} : vector<16xi32> to vector<1xi32>
      %squeeze3A_689 = vector.extract %slice3A_688[0] : i32 from vector<1xi32>
      %broadcast_in_dim3A_690 = vector.broadcast %squeeze3A_689 : i32 to vector<16xi32>
      %broadcast_in_dim3A_691 = arith.constant 4 : i32
      %broadcast_in_dim3A_692 = vector.broadcast %broadcast_in_dim3A_691 : i32 to vector<16xi32>
      %gather3A_693 = tpu.vector_load_idx %arg6[%broadcast_in_dim3A_692, %iota3A, %broadcast_in_dim3A_690] : memref<8x32x128xf32, #tpu.memory_space<vmem>>[vector<16xi32>, vector<16xi32>, vector<16xi32>], vector<16xf32>,
      %add3A_694 = arith.constant 16 : i32
      %add3A_695 = vector.broadcast %add3A_694 : i32 to vector<16xi32>
      %add3A_696 = arith.addi %iota3A, %add3A_695 : vector<16xi32>
      %gather3A_697 = tpu.vector_load_idx %arg6[%broadcast_in_dim3A_692, %add3A_696, %broadcast_in_dim3A_690] : memref<8x32x128xf32, #tpu.memory_space<vmem>>[vector<16xi32>, vector<16xi32>, vector<16xi32>], vector<16xf32>,
      %mul3A_698 = arith.mulf %gather3A_693, %gather3A_693 : vector<16xf32>
      %mul3A_699 = arith.mulf %gather3A_697, %gather3A_697 : vector<16xf32>
      %add3A_700 = arith.addf %mul3A_698, %mul3A_699 : vector<16xf32>
      %reduce_sum3A_701 = arith.constant true
      %reduce_sum3A_702 = vector.broadcast %reduce_sum3A_701 : i1 to vector<16xi1>
      %reduce_sum3A_703 = tpu.scan <sum>, %add3A_700 masked %reduce_sum3A_702 : vector<16xf32>, vector<16xi1> -> vector<16xf32>
      %reduce_sum3A_704 = vector.extract %reduce_sum3A_703[15] : f32 from vector<16xf32>
      %broadcast_in_dim3A_705 = vector.broadcast %reduce_sum3A_704 : f32 to vector<16xf32>
      %bitcast_convert_type3A_706 = tpu.bitcast %broadcast_in_dim3A_705 : vector<16xf32> -> vector<16xi32>
      %shift_right_logical3A_707 = arith.constant 1 : i32
      %shift_right_logical3A_708 = vector.broadcast %shift_right_logical3A_707 : i32 to vector<16xi32>
      %shift_right_logical3A_709 = arith.shrui %bitcast_convert_type3A_706, %shift_right_logical3A_708 : vector<16xi32>
      %sub3A_710 = arith.constant 1597463007 : i32
      %sub3A_711 = vector.broadcast %sub3A_710 : i32 to vector<16xi32>
      %sub3A_712 = arith.subi %sub3A_711, %shift_right_logical3A_709 : vector<16xi32>
      %bitcast_convert_type3A_713 = tpu.bitcast %sub3A_712 : vector<16xi32> -> vector<16xf32>
      %mul3A_714 = arith.constant 5.000000e-01 : f32
      %mul3A_715 = vector.broadcast %mul3A_714 : f32 to vector<16xf32>
      %mul3A_716 = arith.mulf %broadcast_in_dim3A_705, %mul3A_715 : vector<16xf32>
      %mul3A_717 = arith.mulf %mul3A_716, %bitcast_convert_type3A_713 : vector<16xf32>
      %mul3A_718 = arith.mulf %mul3A_717, %bitcast_convert_type3A_713 : vector<16xf32>
      %sub3A_719 = arith.constant 1.500000e+00 : f32
      %sub3A_720 = vector.broadcast %sub3A_719 : f32 to vector<16xf32>
      %sub3A_721 = arith.subf %sub3A_720, %mul3A_718 : vector<16xf32>
      %mul3A_722 = arith.mulf %bitcast_convert_type3A_713, %sub3A_721 : vector<16xf32>
      %mul3A_723 = arith.mulf %mul3A_716, %mul3A_722 : vector<16xf32>
      %mul3A_724 = arith.mulf %mul3A_723, %mul3A_722 : vector<16xf32>
      %sub3A_725 = arith.constant 1.500000e+00 : f32
      %sub3A_726 = vector.broadcast %sub3A_725 : f32 to vector<16xf32>
      %sub3A_727 = arith.subf %sub3A_726, %mul3A_724 : vector<16xf32>
      %mul3A_728 = arith.mulf %mul3A_722, %sub3A_727 : vector<16xf32>
      %mul3A_729 = arith.mulf %mul3A_716, %mul3A_728 : vector<16xf32>
      %mul3A_730 = arith.mulf %mul3A_729, %mul3A_728 : vector<16xf32>
      %sub3A_731 = arith.constant 1.500000e+00 : f32
      %sub3A_732 = vector.broadcast %sub3A_731 : f32 to vector<16xf32>
      %sub3A_733 = arith.subf %sub3A_732, %mul3A_730 : vector<16xf32>
      %mul3A_734 = arith.mulf %mul3A_728, %sub3A_733 : vector<16xf32>
      %mul3A_735 = arith.constant 16 : i32
      %mul3A_736 = arith.muli %add3A_167, %mul3A_735 : i32
      %add3A_737 = arith.constant 0 : i32
      %add3A_738 = arith.addi %mul3A_736, %add3A_737 : i32
      %add3A_739 = arith.constant 4 : i32
      %add3A_740 = arith.addi %add3A_738, %add3A_739 : i32
      %broadcast_in_dim3A_741 = vector.broadcast %add3A_740 : i32 to vector<16xi32>
      %mul3A_742 = arith.mulf %gather3A_693, %mul3A_734 : vector<16xf32>
      tpu.vector_store_idx %arg8[%iota3A, %broadcast_in_dim3A_741], %mul3A_742 : memref<32x384xf32, #tpu.memory_space<vmem>>[vector<16xi32>, vector<16xi32>], vector<16xf32>,
      %add3A_743 = arith.constant 16 : i32
      %add3A_744 = vector.broadcast %add3A_743 : i32 to vector<16xi32>
      %add3A_745 = arith.addi %iota3A, %add3A_744 : vector<16xi32>
      %mul3A_746 = arith.mulf %gather3A_697, %mul3A_734 : vector<16xf32>
      tpu.vector_store_idx %arg8[%add3A_745, %broadcast_in_dim3A_741], %mul3A_746 : memref<32x384xf32, #tpu.memory_space<vmem>>[vector<16xi32>, vector<16xi32>], vector<16xf32>,
      %slice3A_747 = vector.extract_strided_slice %and3A_456 {offsets = [5], sizes = [1], strides = [1]} : vector<16xi32> to vector<1xi32>
      %squeeze3A_748 = vector.extract %slice3A_747[0] : i32 from vector<1xi32>
      %broadcast_in_dim3A_749 = vector.broadcast %squeeze3A_748 : i32 to vector<16xi32>
      %broadcast_in_dim3A_750 = arith.constant 5 : i32
      %broadcast_in_dim3A_751 = vector.broadcast %broadcast_in_dim3A_750 : i32 to vector<16xi32>
      %gather3A_752 = tpu.vector_load_idx %arg6[%broadcast_in_dim3A_751, %iota3A, %broadcast_in_dim3A_749] : memref<8x32x128xf32, #tpu.memory_space<vmem>>[vector<16xi32>, vector<16xi32>, vector<16xi32>], vector<16xf32>,
      %add3A_753 = arith.constant 16 : i32
      %add3A_754 = vector.broadcast %add3A_753 : i32 to vector<16xi32>
      %add3A_755 = arith.addi %iota3A, %add3A_754 : vector<16xi32>
      %gather3A_756 = tpu.vector_load_idx %arg6[%broadcast_in_dim3A_751, %add3A_755, %broadcast_in_dim3A_749] : memref<8x32x128xf32, #tpu.memory_space<vmem>>[vector<16xi32>, vector<16xi32>, vector<16xi32>], vector<16xf32>,
      %mul3A_757 = arith.mulf %gather3A_752, %gather3A_752 : vector<16xf32>
      %mul3A_758 = arith.mulf %gather3A_756, %gather3A_756 : vector<16xf32>
      %add3A_759 = arith.addf %mul3A_757, %mul3A_758 : vector<16xf32>
      %reduce_sum3A_760 = arith.constant true
      %reduce_sum3A_761 = vector.broadcast %reduce_sum3A_760 : i1 to vector<16xi1>
      %reduce_sum3A_762 = tpu.scan <sum>, %add3A_759 masked %reduce_sum3A_761 : vector<16xf32>, vector<16xi1> -> vector<16xf32>
      %reduce_sum3A_763 = vector.extract %reduce_sum3A_762[15] : f32 from vector<16xf32>
      %broadcast_in_dim3A_764 = vector.broadcast %reduce_sum3A_763 : f32 to vector<16xf32>
      %bitcast_convert_type3A_765 = tpu.bitcast %broadcast_in_dim3A_764 : vector<16xf32> -> vector<16xi32>
      %shift_right_logical3A_766 = arith.constant 1 : i32
      %shift_right_logical3A_767 = vector.broadcast %shift_right_logical3A_766 : i32 to vector<16xi32>
      %shift_right_logical3A_768 = arith.shrui %bitcast_convert_type3A_765, %shift_right_logical3A_767 : vector<16xi32>
      %sub3A_769 = arith.constant 1597463007 : i32
      %sub3A_770 = vector.broadcast %sub3A_769 : i32 to vector<16xi32>
      %sub3A_771 = arith.subi %sub3A_770, %shift_right_logical3A_768 : vector<16xi32>
      %bitcast_convert_type3A_772 = tpu.bitcast %sub3A_771 : vector<16xi32> -> vector<16xf32>
      %mul3A_773 = arith.constant 5.000000e-01 : f32
      %mul3A_774 = vector.broadcast %mul3A_773 : f32 to vector<16xf32>
      %mul3A_775 = arith.mulf %broadcast_in_dim3A_764, %mul3A_774 : vector<16xf32>
      %mul3A_776 = arith.mulf %mul3A_775, %bitcast_convert_type3A_772 : vector<16xf32>
      %mul3A_777 = arith.mulf %mul3A_776, %bitcast_convert_type3A_772 : vector<16xf32>
      %sub3A_778 = arith.constant 1.500000e+00 : f32
      %sub3A_779 = vector.broadcast %sub3A_778 : f32 to vector<16xf32>
      %sub3A_780 = arith.subf %sub3A_779, %mul3A_777 : vector<16xf32>
      %mul3A_781 = arith.mulf %bitcast_convert_type3A_772, %sub3A_780 : vector<16xf32>
      %mul3A_782 = arith.mulf %mul3A_775, %mul3A_781 : vector<16xf32>
      %mul3A_783 = arith.mulf %mul3A_782, %mul3A_781 : vector<16xf32>
      %sub3A_784 = arith.constant 1.500000e+00 : f32
      %sub3A_785 = vector.broadcast %sub3A_784 : f32 to vector<16xf32>
      %sub3A_786 = arith.subf %sub3A_785, %mul3A_783 : vector<16xf32>
      %mul3A_787 = arith.mulf %mul3A_781, %sub3A_786 : vector<16xf32>
      %mul3A_788 = arith.mulf %mul3A_775, %mul3A_787 : vector<16xf32>
      %mul3A_789 = arith.mulf %mul3A_788, %mul3A_787 : vector<16xf32>
      %sub3A_790 = arith.constant 1.500000e+00 : f32
      %sub3A_791 = vector.broadcast %sub3A_790 : f32 to vector<16xf32>
      %sub3A_792 = arith.subf %sub3A_791, %mul3A_789 : vector<16xf32>
      %mul3A_793 = arith.mulf %mul3A_787, %sub3A_792 : vector<16xf32>
      %mul3A_794 = arith.constant 16 : i32
      %mul3A_795 = arith.muli %add3A_167, %mul3A_794 : i32
      %add3A_796 = arith.constant 0 : i32
      %add3A_797 = arith.addi %mul3A_795, %add3A_796 : i32
      %add3A_798 = arith.constant 5 : i32
      %add3A_799 = arith.addi %add3A_797, %add3A_798 : i32
      %broadcast_in_dim3A_800 = vector.broadcast %add3A_799 : i32 to vector<16xi32>
      %mul3A_801 = arith.mulf %gather3A_752, %mul3A_793 : vector<16xf32>
      tpu.vector_store_idx %arg8[%iota3A, %broadcast_in_dim3A_800], %mul3A_801 : memref<32x384xf32, #tpu.memory_space<vmem>>[vector<16xi32>, vector<16xi32>], vector<16xf32>,
      %add3A_802 = arith.constant 16 : i32
      %add3A_803 = vector.broadcast %add3A_802 : i32 to vector<16xi32>
      %add3A_804 = arith.addi %iota3A, %add3A_803 : vector<16xi32>
      %mul3A_805 = arith.mulf %gather3A_756, %mul3A_793 : vector<16xf32>
      tpu.vector_store_idx %arg8[%add3A_804, %broadcast_in_dim3A_800], %mul3A_805 : memref<32x384xf32, #tpu.memory_space<vmem>>[vector<16xi32>, vector<16xi32>], vector<16xf32>,
      %slice3A_806 = vector.extract_strided_slice %and3A_456 {offsets = [6], sizes = [1], strides = [1]} : vector<16xi32> to vector<1xi32>
      %squeeze3A_807 = vector.extract %slice3A_806[0] : i32 from vector<1xi32>
      %broadcast_in_dim3A_808 = vector.broadcast %squeeze3A_807 : i32 to vector<16xi32>
      %broadcast_in_dim3A_809 = arith.constant 6 : i32
      %broadcast_in_dim3A_810 = vector.broadcast %broadcast_in_dim3A_809 : i32 to vector<16xi32>
      %gather3A_811 = tpu.vector_load_idx %arg6[%broadcast_in_dim3A_810, %iota3A, %broadcast_in_dim3A_808] : memref<8x32x128xf32, #tpu.memory_space<vmem>>[vector<16xi32>, vector<16xi32>, vector<16xi32>], vector<16xf32>,
      %add3A_812 = arith.constant 16 : i32
      %add3A_813 = vector.broadcast %add3A_812 : i32 to vector<16xi32>
      %add3A_814 = arith.addi %iota3A, %add3A_813 : vector<16xi32>
      %gather3A_815 = tpu.vector_load_idx %arg6[%broadcast_in_dim3A_810, %add3A_814, %broadcast_in_dim3A_808] : memref<8x32x128xf32, #tpu.memory_space<vmem>>[vector<16xi32>, vector<16xi32>, vector<16xi32>], vector<16xf32>,
      %mul3A_816 = arith.mulf %gather3A_811, %gather3A_811 : vector<16xf32>
      %mul3A_817 = arith.mulf %gather3A_815, %gather3A_815 : vector<16xf32>
      %add3A_818 = arith.addf %mul3A_816, %mul3A_817 : vector<16xf32>
      %reduce_sum3A_819 = arith.constant true
      %reduce_sum3A_820 = vector.broadcast %reduce_sum3A_819 : i1 to vector<16xi1>
      %reduce_sum3A_821 = tpu.scan <sum>, %add3A_818 masked %reduce_sum3A_820 : vector<16xf32>, vector<16xi1> -> vector<16xf32>
      %reduce_sum3A_822 = vector.extract %reduce_sum3A_821[15] : f32 from vector<16xf32>
      %broadcast_in_dim3A_823 = vector.broadcast %reduce_sum3A_822 : f32 to vector<16xf32>
      %bitcast_convert_type3A_824 = tpu.bitcast %broadcast_in_dim3A_823 : vector<16xf32> -> vector<16xi32>
      %shift_right_logical3A_825 = arith.constant 1 : i32
      %shift_right_logical3A_826 = vector.broadcast %shift_right_logical3A_825 : i32 to vector<16xi32>
      %shift_right_logical3A_827 = arith.shrui %bitcast_convert_type3A_824, %shift_right_logical3A_826 : vector<16xi32>
      %sub3A_828 = arith.constant 1597463007 : i32
      %sub3A_829 = vector.broadcast %sub3A_828 : i32 to vector<16xi32>
      %sub3A_830 = arith.subi %sub3A_829, %shift_right_logical3A_827 : vector<16xi32>
      %bitcast_convert_type3A_831 = tpu.bitcast %sub3A_830 : vector<16xi32> -> vector<16xf32>
      %mul3A_832 = arith.constant 5.000000e-01 : f32
      %mul3A_833 = vector.broadcast %mul3A_832 : f32 to vector<16xf32>
      %mul3A_834 = arith.mulf %broadcast_in_dim3A_823, %mul3A_833 : vector<16xf32>
      %mul3A_835 = arith.mulf %mul3A_834, %bitcast_convert_type3A_831 : vector<16xf32>
      %mul3A_836 = arith.mulf %mul3A_835, %bitcast_convert_type3A_831 : vector<16xf32>
      %sub3A_837 = arith.constant 1.500000e+00 : f32
      %sub3A_838 = vector.broadcast %sub3A_837 : f32 to vector<16xf32>
      %sub3A_839 = arith.subf %sub3A_838, %mul3A_836 : vector<16xf32>
      %mul3A_840 = arith.mulf %bitcast_convert_type3A_831, %sub3A_839 : vector<16xf32>
      %mul3A_841 = arith.mulf %mul3A_834, %mul3A_840 : vector<16xf32>
      %mul3A_842 = arith.mulf %mul3A_841, %mul3A_840 : vector<16xf32>
      %sub3A_843 = arith.constant 1.500000e+00 : f32
      %sub3A_844 = vector.broadcast %sub3A_843 : f32 to vector<16xf32>
      %sub3A_845 = arith.subf %sub3A_844, %mul3A_842 : vector<16xf32>
      %mul3A_846 = arith.mulf %mul3A_840, %sub3A_845 : vector<16xf32>
      %mul3A_847 = arith.mulf %mul3A_834, %mul3A_846 : vector<16xf32>
      %mul3A_848 = arith.mulf %mul3A_847, %mul3A_846 : vector<16xf32>
      %sub3A_849 = arith.constant 1.500000e+00 : f32
      %sub3A_850 = vector.broadcast %sub3A_849 : f32 to vector<16xf32>
      %sub3A_851 = arith.subf %sub3A_850, %mul3A_848 : vector<16xf32>
      %mul3A_852 = arith.mulf %mul3A_846, %sub3A_851 : vector<16xf32>
      %mul3A_853 = arith.constant 16 : i32
      %mul3A_854 = arith.muli %add3A_167, %mul3A_853 : i32
      %add3A_855 = arith.constant 0 : i32
      %add3A_856 = arith.addi %mul3A_854, %add3A_855 : i32
      %add3A_857 = arith.constant 6 : i32
      %add3A_858 = arith.addi %add3A_856, %add3A_857 : i32
      %broadcast_in_dim3A_859 = vector.broadcast %add3A_858 : i32 to vector<16xi32>
      %mul3A_860 = arith.mulf %gather3A_811, %mul3A_852 : vector<16xf32>
      tpu.vector_store_idx %arg8[%iota3A, %broadcast_in_dim3A_859], %mul3A_860 : memref<32x384xf32, #tpu.memory_space<vmem>>[vector<16xi32>, vector<16xi32>], vector<16xf32>,
      %add3A_861 = arith.constant 16 : i32
      %add3A_862 = vector.broadcast %add3A_861 : i32 to vector<16xi32>
      %add3A_863 = arith.addi %iota3A, %add3A_862 : vector<16xi32>
      %mul3A_864 = arith.mulf %gather3A_815, %mul3A_852 : vector<16xf32>
      tpu.vector_store_idx %arg8[%add3A_863, %broadcast_in_dim3A_859], %mul3A_864 : memref<32x384xf32, #tpu.memory_space<vmem>>[vector<16xi32>, vector<16xi32>], vector<16xf32>,
      %slice3A_865 = vector.extract_strided_slice %and3A_456 {offsets = [7], sizes = [1], strides = [1]} : vector<16xi32> to vector<1xi32>
      %squeeze3A_866 = vector.extract %slice3A_865[0] : i32 from vector<1xi32>
      %broadcast_in_dim3A_867 = vector.broadcast %squeeze3A_866 : i32 to vector<16xi32>
      %broadcast_in_dim3A_868 = arith.constant 7 : i32
      %broadcast_in_dim3A_869 = vector.broadcast %broadcast_in_dim3A_868 : i32 to vector<16xi32>
      %gather3A_870 = tpu.vector_load_idx %arg6[%broadcast_in_dim3A_869, %iota3A, %broadcast_in_dim3A_867] : memref<8x32x128xf32, #tpu.memory_space<vmem>>[vector<16xi32>, vector<16xi32>, vector<16xi32>], vector<16xf32>,
      %add3A_871 = arith.constant 16 : i32
      %add3A_872 = vector.broadcast %add3A_871 : i32 to vector<16xi32>
      %add3A_873 = arith.addi %iota3A, %add3A_872 : vector<16xi32>
      %gather3A_874 = tpu.vector_load_idx %arg6[%broadcast_in_dim3A_869, %add3A_873, %broadcast_in_dim3A_867] : memref<8x32x128xf32, #tpu.memory_space<vmem>>[vector<16xi32>, vector<16xi32>, vector<16xi32>], vector<16xf32>,
      %mul3A_875 = arith.mulf %gather3A_870, %gather3A_870 : vector<16xf32>
      %mul3A_876 = arith.mulf %gather3A_874, %gather3A_874 : vector<16xf32>
      %add3A_877 = arith.addf %mul3A_875, %mul3A_876 : vector<16xf32>
      %reduce_sum3A_878 = arith.constant true
      %reduce_sum3A_879 = vector.broadcast %reduce_sum3A_878 : i1 to vector<16xi1>
      %reduce_sum3A_880 = tpu.scan <sum>, %add3A_877 masked %reduce_sum3A_879 : vector<16xf32>, vector<16xi1> -> vector<16xf32>
      %reduce_sum3A_881 = vector.extract %reduce_sum3A_880[15] : f32 from vector<16xf32>
      %broadcast_in_dim3A_882 = vector.broadcast %reduce_sum3A_881 : f32 to vector<16xf32>
      %bitcast_convert_type3A_883 = tpu.bitcast %broadcast_in_dim3A_882 : vector<16xf32> -> vector<16xi32>
      %shift_right_logical3A_884 = arith.constant 1 : i32
      %shift_right_logical3A_885 = vector.broadcast %shift_right_logical3A_884 : i32 to vector<16xi32>
      %shift_right_logical3A_886 = arith.shrui %bitcast_convert_type3A_883, %shift_right_logical3A_885 : vector<16xi32>
      %sub3A_887 = arith.constant 1597463007 : i32
      %sub3A_888 = vector.broadcast %sub3A_887 : i32 to vector<16xi32>
      %sub3A_889 = arith.subi %sub3A_888, %shift_right_logical3A_886 : vector<16xi32>
      %bitcast_convert_type3A_890 = tpu.bitcast %sub3A_889 : vector<16xi32> -> vector<16xf32>
      %mul3A_891 = arith.constant 5.000000e-01 : f32
      %mul3A_892 = vector.broadcast %mul3A_891 : f32 to vector<16xf32>
      %mul3A_893 = arith.mulf %broadcast_in_dim3A_882, %mul3A_892 : vector<16xf32>
      %mul3A_894 = arith.mulf %mul3A_893, %bitcast_convert_type3A_890 : vector<16xf32>
      %mul3A_895 = arith.mulf %mul3A_894, %bitcast_convert_type3A_890 : vector<16xf32>
      %sub3A_896 = arith.constant 1.500000e+00 : f32
      %sub3A_897 = vector.broadcast %sub3A_896 : f32 to vector<16xf32>
      %sub3A_898 = arith.subf %sub3A_897, %mul3A_895 : vector<16xf32>
      %mul3A_899 = arith.mulf %bitcast_convert_type3A_890, %sub3A_898 : vector<16xf32>
      %mul3A_900 = arith.mulf %mul3A_893, %mul3A_899 : vector<16xf32>
      %mul3A_901 = arith.mulf %mul3A_900, %mul3A_899 : vector<16xf32>
      %sub3A_902 = arith.constant 1.500000e+00 : f32
      %sub3A_903 = vector.broadcast %sub3A_902 : f32 to vector<16xf32>
      %sub3A_904 = arith.subf %sub3A_903, %mul3A_901 : vector<16xf32>
      %mul3A_905 = arith.mulf %mul3A_899, %sub3A_904 : vector<16xf32>
      %mul3A_906 = arith.mulf %mul3A_893, %mul3A_905 : vector<16xf32>
      %mul3A_907 = arith.mulf %mul3A_906, %mul3A_905 : vector<16xf32>
      %sub3A_908 = arith.constant 1.500000e+00 : f32
      %sub3A_909 = vector.broadcast %sub3A_908 : f32 to vector<16xf32>
      %sub3A_910 = arith.subf %sub3A_909, %mul3A_907 : vector<16xf32>
      %mul3A_911 = arith.mulf %mul3A_905, %sub3A_910 : vector<16xf32>
      %mul3A_912 = arith.constant 16 : i32
      %mul3A_913 = arith.muli %add3A_167, %mul3A_912 : i32
      %add3A_914 = arith.constant 0 : i32
      %add3A_915 = arith.addi %mul3A_913, %add3A_914 : i32
      %add3A_916 = arith.constant 7 : i32
      %add3A_917 = arith.addi %add3A_915, %add3A_916 : i32
      %broadcast_in_dim3A_918 = vector.broadcast %add3A_917 : i32 to vector<16xi32>
      %mul3A_919 = arith.mulf %gather3A_870, %mul3A_911 : vector<16xf32>
      tpu.vector_store_idx %arg8[%iota3A, %broadcast_in_dim3A_918], %mul3A_919 : memref<32x384xf32, #tpu.memory_space<vmem>>[vector<16xi32>, vector<16xi32>], vector<16xf32>,
      %add3A_920 = arith.constant 16 : i32
      %add3A_921 = vector.broadcast %add3A_920 : i32 to vector<16xi32>
      %add3A_922 = arith.addi %iota3A, %add3A_921 : vector<16xi32>
      %mul3A_923 = arith.mulf %gather3A_874, %mul3A_911 : vector<16xf32>
      tpu.vector_store_idx %arg8[%add3A_922, %broadcast_in_dim3A_918], %mul3A_923 : memref<32x384xf32, #tpu.memory_space<vmem>>[vector<16xi32>, vector<16xi32>], vector<16xf32>,
      %lt3A = arith.constant 23 : i32
      %lt3A_924 = arith.cmpi slt, %add3A_167, %lt3A : i32
      %convert_element_type3A = arith.extui %lt3A_924 : i1 to i32
      %cond3A = arith.constant 0 : i32
      %cond3A_925 = arith.cmpi ne, %convert_element_type3A, %cond3A : i32
      scf.if %cond3A_925 {
        %add3A_1525 = arith.constant 1 : i32
        %add3A_1526 = arith.addi %add3A_167, %add3A_1525 : i32
        %mul3A_1527 = arith.constant 16 : i32
        %mul3A_1528 = arith.muli %add3A_1526, %mul3A_1527 : i32
        %get3A_1529 = arith.index_cast %mul3A_1528 : i32 to index
        %get3A_1530 = tpu.vector_load %arg5[%get3A_1529] {strides = array<i32>} : memref<384xi32, #tpu.memory_space<vmem>>, vector<16xi32>,
        %slice3A_1531 = vector.extract_strided_slice %get3A_1530 {offsets = [0], sizes = [1], strides = [1]} : vector<16xi32> to vector<1xi32>
        %squeeze3A_1532 = vector.extract %slice3A_1531[0] : i32 from vector<1xi32>
        %shift_right_logical3A_1533 = arith.constant 7 : i32
        %shift_right_logical3A_1534 = arith.shrui %squeeze3A_1532, %shift_right_logical3A_1533 : i32
        %mul3A_1535 = arith.constant 128 : i32
        %mul3A_1536 = arith.muli %shift_right_logical3A_1534, %mul3A_1535 : i32
        %multiple_of3A_1537 = tpu.assume_multiple %mul3A_1536, 128 : i32
        %dma_start3A_1538 = arith.constant 0 : i32
        %dma_start3A_1539 = arith.constant 0 : i32
        %dma_start3A_1540 = arith.constant 0 : i32
        %dma_start3A_1541 = tpu.memref_slice %arg6[%dma_start3A_1538, %dma_start3A_1539, %dma_start3A_1540] : memref<8x32x128xf32, #tpu.memory_space<vmem>> -> memref<1x32x128xf32, #tpu.memory_space<vmem>>
        %dma_start3A_1542 = tpu.memref_squeeze %dma_start3A_1541 : memref<1x32x128xf32, #tpu.memory_space<vmem>> -> memref<32x128xf32, #tpu.memory_space<vmem>>
        %dma_start3A_1543 = arith.constant 0 : i32
        %dma_start3A_1544 = tpu.memref_slice %arg3[%dma_start3A_1543, %multiple_of3A_1537] : memref<32x1000000xf32, #tpu.memory_space<hbm>> -> memref<32x128xf32, #tpu.memory_space<hbm>>
        %dma_start3A_1545 = arith.constant 0 : i32
        %dma_start3A_1546 = arith.constant 0 : i32
        %dma_start3A_1547 = tpu.memref_slice %arg6[%dma_start3A_1538, %dma_start3A_1545, %dma_start3A_1546] : memref<8x32x128xf32, #tpu.memory_space<vmem>> -> memref<1x32x128xf32, #tpu.memory_space<vmem>>
        %dma_start3A_1548 = tpu.memref_squeeze %dma_start3A_1547 : memref<1x32x128xf32, #tpu.memory_space<vmem>> -> memref<32x128xf32, #tpu.memory_space<vmem>>
        %dma_start3A_1549 = arith.constant 0 : i32
        %dma_start3A_1550 = tpu.memref_slice %arg3[%dma_start3A_1549, %multiple_of3A_1537] : memref<32x1000000xf32, #tpu.memory_space<hbm>> -> memref<32x128xf32, #tpu.memory_space<hbm>>
        tpu.enqueue_dma source(%dma_start3A_1550 : memref<32x128xf32, #tpu.memory_space<hbm>>) target(%dma_start3A_1548 : memref<32x128xf32, #tpu.memory_space<vmem>>) target_semaphore(%arg9 : memref<!tpu.dma_semaphore, #tpu.memory_space<semaphore_mem>>)
        %slice3A_1551 = vector.extract_strided_slice %get3A_1530 {offsets = [1], sizes = [1], strides = [1]} : vector<16xi32> to vector<1xi32>
        %squeeze3A_1552 = vector.extract %slice3A_1551[0] : i32 from vector<1xi32>
        %shift_right_logical3A_1553 = arith.constant 7 : i32
        %shift_right_logical3A_1554 = arith.shrui %squeeze3A_1552, %shift_right_logical3A_1553 : i32
        %mul3A_1555 = arith.constant 128 : i32
        %mul3A_1556 = arith.muli %shift_right_logical3A_1554, %mul3A_1555 : i32
        %multiple_of3A_1557 = tpu.assume_multiple %mul3A_1556, 128 : i32
        %dma_start3A_1558 = arith.constant 1 : i32
        %dma_start3A_1559 = arith.constant 0 : i32
        %dma_start3A_1560 = arith.constant 0 : i32
        %dma_start3A_1561 = tpu.memref_slice %arg6[%dma_start3A_1558, %dma_start3A_1559, %dma_start3A_1560] : memref<8x32x128xf32, #tpu.memory_space<vmem>> -> memref<1x32x128xf32, #tpu.memory_space<vmem>>
        %dma_start3A_1562 = tpu.memref_squeeze %dma_start3A_1561 : memref<1x32x128xf32, #tpu.memory_space<vmem>> -> memref<32x128xf32, #tpu.memory_space<vmem>>
        %dma_start3A_1563 = arith.constant 0 : i32
        %dma_start3A_1564 = tpu.memref_slice %arg3[%dma_start3A_1563, %multiple_of3A_1557] : memref<32x1000000xf32, #tpu.memory_space<hbm>> -> memref<32x128xf32, #tpu.memory_space<hbm>>
        %dma_start3A_1565 = arith.constant 0 : i32
        %dma_start3A_1566 = arith.constant 0 : i32
        %dma_start3A_1567 = tpu.memref_slice %arg6[%dma_start3A_1558, %dma_start3A_1565, %dma_start3A_1566] : memref<8x32x128xf32, #tpu.memory_space<vmem>> -> memref<1x32x128xf32, #tpu.memory_space<vmem>>
        %dma_start3A_1568 = tpu.memref_squeeze %dma_start3A_1567 : memref<1x32x128xf32, #tpu.memory_space<vmem>> -> memref<32x128xf32, #tpu.memory_space<vmem>>
        %dma_start3A_1569 = arith.constant 0 : i32
        %dma_start3A_1570 = tpu.memref_slice %arg3[%dma_start3A_1569, %multiple_of3A_1557] : memref<32x1000000xf32, #tpu.memory_space<hbm>> -> memref<32x128xf32, #tpu.memory_space<hbm>>
        tpu.enqueue_dma source(%dma_start3A_1570 : memref<32x128xf32, #tpu.memory_space<hbm>>) target(%dma_start3A_1568 : memref<32x128xf32, #tpu.memory_space<vmem>>) target_semaphore(%arg9 : memref<!tpu.dma_semaphore, #tpu.memory_space<semaphore_mem>>)
        %slice3A_1571 = vector.extract_strided_slice %get3A_1530 {offsets = [2], sizes = [1], strides = [1]} : vector<16xi32> to vector<1xi32>
        %squeeze3A_1572 = vector.extract %slice3A_1571[0] : i32 from vector<1xi32>
        %shift_right_logical3A_1573 = arith.constant 7 : i32
        %shift_right_logical3A_1574 = arith.shrui %squeeze3A_1572, %shift_right_logical3A_1573 : i32
        %mul3A_1575 = arith.constant 128 : i32
        %mul3A_1576 = arith.muli %shift_right_logical3A_1574, %mul3A_1575 : i32
        %multiple_of3A_1577 = tpu.assume_multiple %mul3A_1576, 128 : i32
        %dma_start3A_1578 = arith.constant 2 : i32
        %dma_start3A_1579 = arith.constant 0 : i32
        %dma_start3A_1580 = arith.constant 0 : i32
        %dma_start3A_1581 = tpu.memref_slice %arg6[%dma_start3A_1578, %dma_start3A_1579, %dma_start3A_1580] : memref<8x32x128xf32, #tpu.memory_space<vmem>> -> memref<1x32x128xf32, #tpu.memory_space<vmem>>
        %dma_start3A_1582 = tpu.memref_squeeze %dma_start3A_1581 : memref<1x32x128xf32, #tpu.memory_space<vmem>> -> memref<32x128xf32, #tpu.memory_space<vmem>>
        %dma_start3A_1583 = arith.constant 0 : i32
        %dma_start3A_1584 = tpu.memref_slice %arg3[%dma_start3A_1583, %multiple_of3A_1577] : memref<32x1000000xf32, #tpu.memory_space<hbm>> -> memref<32x128xf32, #tpu.memory_space<hbm>>
        %dma_start3A_1585 = arith.constant 0 : i32
        %dma_start3A_1586 = arith.constant 0 : i32
        %dma_start3A_1587 = tpu.memref_slice %arg6[%dma_start3A_1578, %dma_start3A_1585, %dma_start3A_1586] : memref<8x32x128xf32, #tpu.memory_space<vmem>> -> memref<1x32x128xf32, #tpu.memory_space<vmem>>
        %dma_start3A_1588 = tpu.memref_squeeze %dma_start3A_1587 : memref<1x32x128xf32, #tpu.memory_space<vmem>> -> memref<32x128xf32, #tpu.memory_space<vmem>>
        %dma_start3A_1589 = arith.constant 0 : i32
        %dma_start3A_1590 = tpu.memref_slice %arg3[%dma_start3A_1589, %multiple_of3A_1577] : memref<32x1000000xf32, #tpu.memory_space<hbm>> -> memref<32x128xf32, #tpu.memory_space<hbm>>
        tpu.enqueue_dma source(%dma_start3A_1590 : memref<32x128xf32, #tpu.memory_space<hbm>>) target(%dma_start3A_1588 : memref<32x128xf32, #tpu.memory_space<vmem>>) target_semaphore(%arg9 : memref<!tpu.dma_semaphore, #tpu.memory_space<semaphore_mem>>)
        %slice3A_1591 = vector.extract_strided_slice %get3A_1530 {offsets = [3], sizes = [1], strides = [1]} : vector<16xi32> to vector<1xi32>
        %squeeze3A_1592 = vector.extract %slice3A_1591[0] : i32 from vector<1xi32>
        %shift_right_logical3A_1593 = arith.constant 7 : i32
        %shift_right_logical3A_1594 = arith.shrui %squeeze3A_1592, %shift_right_logical3A_1593 : i32
        %mul3A_1595 = arith.constant 128 : i32
        %mul3A_1596 = arith.muli %shift_right_logical3A_1594, %mul3A_1595 : i32
        %multiple_of3A_1597 = tpu.assume_multiple %mul3A_1596, 128 : i32
        %dma_start3A_1598 = arith.constant 3 : i32
        %dma_start3A_1599 = arith.constant 0 : i32
        %dma_start3A_1600 = arith.constant 0 : i32
        %dma_start3A_1601 = tpu.memref_slice %arg6[%dma_start3A_1598, %dma_start3A_1599, %dma_start3A_1600] : memref<8x32x128xf32, #tpu.memory_space<vmem>> -> memref<1x32x128xf32, #tpu.memory_space<vmem>>
        %dma_start3A_1602 = tpu.memref_squeeze %dma_start3A_1601 : memref<1x32x128xf32, #tpu.memory_space<vmem>> -> memref<32x128xf32, #tpu.memory_space<vmem>>
        %dma_start3A_1603 = arith.constant 0 : i32
        %dma_start3A_1604 = tpu.memref_slice %arg3[%dma_start3A_1603, %multiple_of3A_1597] : memref<32x1000000xf32, #tpu.memory_space<hbm>> -> memref<32x128xf32, #tpu.memory_space<hbm>>
        %dma_start3A_1605 = arith.constant 0 : i32
        %dma_start3A_1606 = arith.constant 0 : i32
        %dma_start3A_1607 = tpu.memref_slice %arg6[%dma_start3A_1598, %dma_start3A_1605, %dma_start3A_1606] : memref<8x32x128xf32, #tpu.memory_space<vmem>> -> memref<1x32x128xf32, #tpu.memory_space<vmem>>
        %dma_start3A_1608 = tpu.memref_squeeze %dma_start3A_1607 : memref<1x32x128xf32, #tpu.memory_space<vmem>> -> memref<32x128xf32, #tpu.memory_space<vmem>>
        %dma_start3A_1609 = arith.constant 0 : i32
        %dma_start3A_1610 = tpu.memref_slice %arg3[%dma_start3A_1609, %multiple_of3A_1597] : memref<32x1000000xf32, #tpu.memory_space<hbm>> -> memref<32x128xf32, #tpu.memory_space<hbm>>
        tpu.enqueue_dma source(%dma_start3A_1610 : memref<32x128xf32, #tpu.memory_space<hbm>>) target(%dma_start3A_1608 : memref<32x128xf32, #tpu.memory_space<vmem>>) target_semaphore(%arg9 : memref<!tpu.dma_semaphore, #tpu.memory_space<semaphore_mem>>)
        %slice3A_1611 = vector.extract_strided_slice %get3A_1530 {offsets = [4], sizes = [1], strides = [1]} : vector<16xi32> to vector<1xi32>
        %squeeze3A_1612 = vector.extract %slice3A_1611[0] : i32 from vector<1xi32>
        %shift_right_logical3A_1613 = arith.constant 7 : i32
        %shift_right_logical3A_1614 = arith.shrui %squeeze3A_1612, %shift_right_logical3A_1613 : i32
        %mul3A_1615 = arith.constant 128 : i32
        %mul3A_1616 = arith.muli %shift_right_logical3A_1614, %mul3A_1615 : i32
        %multiple_of3A_1617 = tpu.assume_multiple %mul3A_1616, 128 : i32
        %dma_start3A_1618 = arith.constant 4 : i32
        %dma_start3A_1619 = arith.constant 0 : i32
        %dma_start3A_1620 = arith.constant 0 : i32
        %dma_start3A_1621 = tpu.memref_slice %arg6[%dma_start3A_1618, %dma_start3A_1619, %dma_start3A_1620] : memref<8x32x128xf32, #tpu.memory_space<vmem>> -> memref<1x32x128xf32, #tpu.memory_space<vmem>>
        %dma_start3A_1622 = tpu.memref_squeeze %dma_start3A_1621 : memref<1x32x128xf32, #tpu.memory_space<vmem>> -> memref<32x128xf32, #tpu.memory_space<vmem>>
        %dma_start3A_1623 = arith.constant 0 : i32
        %dma_start3A_1624 = tpu.memref_slice %arg3[%dma_start3A_1623, %multiple_of3A_1617] : memref<32x1000000xf32, #tpu.memory_space<hbm>> -> memref<32x128xf32, #tpu.memory_space<hbm>>
        %dma_start3A_1625 = arith.constant 0 : i32
        %dma_start3A_1626 = arith.constant 0 : i32
        %dma_start3A_1627 = tpu.memref_slice %arg6[%dma_start3A_1618, %dma_start3A_1625, %dma_start3A_1626] : memref<8x32x128xf32, #tpu.memory_space<vmem>> -> memref<1x32x128xf32, #tpu.memory_space<vmem>>
        %dma_start3A_1628 = tpu.memref_squeeze %dma_start3A_1627 : memref<1x32x128xf32, #tpu.memory_space<vmem>> -> memref<32x128xf32, #tpu.memory_space<vmem>>
        %dma_start3A_1629 = arith.constant 0 : i32
        %dma_start3A_1630 = tpu.memref_slice %arg3[%dma_start3A_1629, %multiple_of3A_1617] : memref<32x1000000xf32, #tpu.memory_space<hbm>> -> memref<32x128xf32, #tpu.memory_space<hbm>>
        tpu.enqueue_dma source(%dma_start3A_1630 : memref<32x128xf32, #tpu.memory_space<hbm>>) target(%dma_start3A_1628 : memref<32x128xf32, #tpu.memory_space<vmem>>) target_semaphore(%arg9 : memref<!tpu.dma_semaphore, #tpu.memory_space<semaphore_mem>>)
        %slice3A_1631 = vector.extract_strided_slice %get3A_1530 {offsets = [5], sizes = [1], strides = [1]} : vector<16xi32> to vector<1xi32>
        %squeeze3A_1632 = vector.extract %slice3A_1631[0] : i32 from vector<1xi32>
        %shift_right_logical3A_1633 = arith.constant 7 : i32
        %shift_right_logical3A_1634 = arith.shrui %squeeze3A_1632, %shift_right_logical3A_1633 : i32
        %mul3A_1635 = arith.constant 128 : i32
        %mul3A_1636 = arith.muli %shift_right_logical3A_1634, %mul3A_1635 : i32
        %multiple_of3A_1637 = tpu.assume_multiple %mul3A_1636, 128 : i32
        %dma_start3A_1638 = arith.constant 5 : i32
        %dma_start3A_1639 = arith.constant 0 : i32
        %dma_start3A_1640 = arith.constant 0 : i32
        %dma_start3A_1641 = tpu.memref_slice %arg6[%dma_start3A_1638, %dma_start3A_1639, %dma_start3A_1640] : memref<8x32x128xf32, #tpu.memory_space<vmem>> -> memref<1x32x128xf32, #tpu.memory_space<vmem>>
        %dma_start3A_1642 = tpu.memref_squeeze %dma_start3A_1641 : memref<1x32x128xf32, #tpu.memory_space<vmem>> -> memref<32x128xf32, #tpu.memory_space<vmem>>
        %dma_start3A_1643 = arith.constant 0 : i32
        %dma_start3A_1644 = tpu.memref_slice %arg3[%dma_start3A_1643, %multiple_of3A_1637] : memref<32x1000000xf32, #tpu.memory_space<hbm>> -> memref<32x128xf32, #tpu.memory_space<hbm>>
        %dma_start3A_1645 = arith.constant 0 : i32
        %dma_start3A_1646 = arith.constant 0 : i32
        %dma_start3A_1647 = tpu.memref_slice %arg6[%dma_start3A_1638, %dma_start3A_1645, %dma_start3A_1646] : memref<8x32x128xf32, #tpu.memory_space<vmem>> -> memref<1x32x128xf32, #tpu.memory_space<vmem>>
        %dma_start3A_1648 = tpu.memref_squeeze %dma_start3A_1647 : memref<1x32x128xf32, #tpu.memory_space<vmem>> -> memref<32x128xf32, #tpu.memory_space<vmem>>
        %dma_start3A_1649 = arith.constant 0 : i32
        %dma_start3A_1650 = tpu.memref_slice %arg3[%dma_start3A_1649, %multiple_of3A_1637] : memref<32x1000000xf32, #tpu.memory_space<hbm>> -> memref<32x128xf32, #tpu.memory_space<hbm>>
        tpu.enqueue_dma source(%dma_start3A_1650 : memref<32x128xf32, #tpu.memory_space<hbm>>) target(%dma_start3A_1648 : memref<32x128xf32, #tpu.memory_space<vmem>>) target_semaphore(%arg9 : memref<!tpu.dma_semaphore, #tpu.memory_space<semaphore_mem>>)
        %slice3A_1651 = vector.extract_strided_slice %get3A_1530 {offsets = [6], sizes = [1], strides = [1]} : vector<16xi32> to vector<1xi32>
        %squeeze3A_1652 = vector.extract %slice3A_1651[0] : i32 from vector<1xi32>
        %shift_right_logical3A_1653 = arith.constant 7 : i32
        %shift_right_logical3A_1654 = arith.shrui %squeeze3A_1652, %shift_right_logical3A_1653 : i32
        %mul3A_1655 = arith.constant 128 : i32
        %mul3A_1656 = arith.muli %shift_right_logical3A_1654, %mul3A_1655 : i32
        %multiple_of3A_1657 = tpu.assume_multiple %mul3A_1656, 128 : i32
        %dma_start3A_1658 = arith.constant 6 : i32
        %dma_start3A_1659 = arith.constant 0 : i32
        %dma_start3A_1660 = arith.constant 0 : i32
        %dma_start3A_1661 = tpu.memref_slice %arg6[%dma_start3A_1658, %dma_start3A_1659, %dma_start3A_1660] : memref<8x32x128xf32, #tpu.memory_space<vmem>> -> memref<1x32x128xf32, #tpu.memory_space<vmem>>
        %dma_start3A_1662 = tpu.memref_squeeze %dma_start3A_1661 : memref<1x32x128xf32, #tpu.memory_space<vmem>> -> memref<32x128xf32, #tpu.memory_space<vmem>>
        %dma_start3A_1663 = arith.constant 0 : i32
        %dma_start3A_1664 = tpu.memref_slice %arg3[%dma_start3A_1663, %multiple_of3A_1657] : memref<32x1000000xf32, #tpu.memory_space<hbm>> -> memref<32x128xf32, #tpu.memory_space<hbm>>
        %dma_start3A_1665 = arith.constant 0 : i32
        %dma_start3A_1666 = arith.constant 0 : i32
        %dma_start3A_1667 = tpu.memref_slice %arg6[%dma_start3A_1658, %dma_start3A_1665, %dma_start3A_1666] : memref<8x32x128xf32, #tpu.memory_space<vmem>> -> memref<1x32x128xf32, #tpu.memory_space<vmem>>
        %dma_start3A_1668 = tpu.memref_squeeze %dma_start3A_1667 : memref<1x32x128xf32, #tpu.memory_space<vmem>> -> memref<32x128xf32, #tpu.memory_space<vmem>>
        %dma_start3A_1669 = arith.constant 0 : i32
        %dma_start3A_1670 = tpu.memref_slice %arg3[%dma_start3A_1669, %multiple_of3A_1657] : memref<32x1000000xf32, #tpu.memory_space<hbm>> -> memref<32x128xf32, #tpu.memory_space<hbm>>
        tpu.enqueue_dma source(%dma_start3A_1670 : memref<32x128xf32, #tpu.memory_space<hbm>>) target(%dma_start3A_1668 : memref<32x128xf32, #tpu.memory_space<vmem>>) target_semaphore(%arg9 : memref<!tpu.dma_semaphore, #tpu.memory_space<semaphore_mem>>)
        %slice3A_1671 = vector.extract_strided_slice %get3A_1530 {offsets = [7], sizes = [1], strides = [1]} : vector<16xi32> to vector<1xi32>
        %squeeze3A_1672 = vector.extract %slice3A_1671[0] : i32 from vector<1xi32>
        %shift_right_logical3A_1673 = arith.constant 7 : i32
        %shift_right_logical3A_1674 = arith.shrui %squeeze3A_1672, %shift_right_logical3A_1673 : i32
        %mul3A_1675 = arith.constant 128 : i32
        %mul3A_1676 = arith.muli %shift_right_logical3A_1674, %mul3A_1675 : i32
        %multiple_of3A_1677 = tpu.assume_multiple %mul3A_1676, 128 : i32
        %dma_start3A_1678 = arith.constant 7 : i32
        %dma_start3A_1679 = arith.constant 0 : i32
        %dma_start3A_1680 = arith.constant 0 : i32
        %dma_start3A_1681 = tpu.memref_slice %arg6[%dma_start3A_1678, %dma_start3A_1679, %dma_start3A_1680] : memref<8x32x128xf32, #tpu.memory_space<vmem>> -> memref<1x32x128xf32, #tpu.memory_space<vmem>>
        %dma_start3A_1682 = tpu.memref_squeeze %dma_start3A_1681 : memref<1x32x128xf32, #tpu.memory_space<vmem>> -> memref<32x128xf32, #tpu.memory_space<vmem>>
        %dma_start3A_1683 = arith.constant 0 : i32
        %dma_start3A_1684 = tpu.memref_slice %arg3[%dma_start3A_1683, %multiple_of3A_1677] : memref<32x1000000xf32, #tpu.memory_space<hbm>> -> memref<32x128xf32, #tpu.memory_space<hbm>>
        %dma_start3A_1685 = arith.constant 0 : i32
        %dma_start3A_1686 = arith.constant 0 : i32
        %dma_start3A_1687 = tpu.memref_slice %arg6[%dma_start3A_1678, %dma_start3A_1685, %dma_start3A_1686] : memref<8x32x128xf32, #tpu.memory_space<vmem>> -> memref<1x32x128xf32, #tpu.memory_space<vmem>>
        %dma_start3A_1688 = tpu.memref_squeeze %dma_start3A_1687 : memref<1x32x128xf32, #tpu.memory_space<vmem>> -> memref<32x128xf32, #tpu.memory_space<vmem>>
        %dma_start3A_1689 = arith.constant 0 : i32
        %dma_start3A_1690 = tpu.memref_slice %arg3[%dma_start3A_1689, %multiple_of3A_1677] : memref<32x1000000xf32, #tpu.memory_space<hbm>> -> memref<32x128xf32, #tpu.memory_space<hbm>>
        tpu.enqueue_dma source(%dma_start3A_1690 : memref<32x128xf32, #tpu.memory_space<hbm>>) target(%dma_start3A_1688 : memref<32x128xf32, #tpu.memory_space<vmem>>) target_semaphore(%arg9 : memref<!tpu.dma_semaphore, #tpu.memory_space<semaphore_mem>>)
      } else {
      }
      %dma_wait3A_926 = arith.constant 0 : i32
      %dma_wait3A_927 = arith.constant 0 : i32
      %dma_wait3A_928 = arith.constant 0 : i32
      %dma_wait3A_929 = tpu.memref_slice %arg7[%dma_wait3A_926, %dma_wait3A_927, %dma_wait3A_928] : memref<8x32x128xf32, #tpu.memory_space<vmem>> -> memref<1x32x128xf32, #tpu.memory_space<vmem>>
      %dma_wait3A_930 = tpu.memref_squeeze %dma_wait3A_929 : memref<1x32x128xf32, #tpu.memory_space<vmem>> -> memref<32x128xf32, #tpu.memory_space<vmem>>
      %dma_wait3A_931 = arith.constant 0 : i32
      %dma_wait3A_932 = arith.constant 0 : i32
      %dma_wait3A_933 = tpu.memref_slice %arg3[%dma_wait3A_931, %dma_wait3A_932] : memref<32x1000000xf32, #tpu.memory_space<hbm>> -> memref<32x128xf32, #tpu.memory_space<hbm>>
      %dma_wait3A_934 = arith.constant 0 : i32
      %dma_wait3A_935 = arith.constant 0 : i32
      %dma_wait3A_936 = tpu.memref_slice %arg7[%dma_wait3A_926, %dma_wait3A_934, %dma_wait3A_935] : memref<8x32x128xf32, #tpu.memory_space<vmem>> -> memref<1x32x128xf32, #tpu.memory_space<vmem>>
      %dma_wait3A_937 = tpu.memref_squeeze %dma_wait3A_936 : memref<1x32x128xf32, #tpu.memory_space<vmem>> -> memref<32x128xf32, #tpu.memory_space<vmem>>
      %dma_wait3A_938 = arith.constant 0 : i32
      %dma_wait3A_939 = arith.constant 0 : i32
      %dma_wait3A_940 = tpu.memref_slice %arg3[%dma_wait3A_938, %dma_wait3A_939] : memref<32x1000000xf32, #tpu.memory_space<hbm>> -> memref<32x128xf32, #tpu.memory_space<hbm>>
      tpu.wait_dma2 semaphore(%arg10 : memref<!tpu.dma_semaphore, #tpu.memory_space<semaphore_mem>>) src(%dma_wait3A_940 : memref<32x128xf32, #tpu.memory_space<hbm>>) dst(%dma_wait3A_937 : memref<32x128xf32, #tpu.memory_space<vmem>>)
      %dma_wait3A_941 = arith.constant 1 : i32
      %dma_wait3A_942 = arith.constant 0 : i32
      %dma_wait3A_943 = arith.constant 0 : i32
      %dma_wait3A_944 = tpu.memref_slice %arg7[%dma_wait3A_941, %dma_wait3A_942, %dma_wait3A_943] : memref<8x32x128xf32, #tpu.memory_space<vmem>> -> memref<1x32x128xf32, #tpu.memory_space<vmem>>
      %dma_wait3A_945 = tpu.memref_squeeze %dma_wait3A_944 : memref<1x32x128xf32, #tpu.memory_space<vmem>> -> memref<32x128xf32, #tpu.memory_space<vmem>>
      %dma_wait3A_946 = arith.constant 0 : i32
      %dma_wait3A_947 = arith.constant 0 : i32
      %dma_wait3A_948 = tpu.memref_slice %arg3[%dma_wait3A_946, %dma_wait3A_947] : memref<32x1000000xf32, #tpu.memory_space<hbm>> -> memref<32x128xf32, #tpu.memory_space<hbm>>
      %dma_wait3A_949 = arith.constant 0 : i32
      %dma_wait3A_950 = arith.constant 0 : i32
      %dma_wait3A_951 = tpu.memref_slice %arg7[%dma_wait3A_941, %dma_wait3A_949, %dma_wait3A_950] : memref<8x32x128xf32, #tpu.memory_space<vmem>> -> memref<1x32x128xf32, #tpu.memory_space<vmem>>
      %dma_wait3A_952 = tpu.memref_squeeze %dma_wait3A_951 : memref<1x32x128xf32, #tpu.memory_space<vmem>> -> memref<32x128xf32, #tpu.memory_space<vmem>>
      %dma_wait3A_953 = arith.constant 0 : i32
      %dma_wait3A_954 = arith.constant 0 : i32
      %dma_wait3A_955 = tpu.memref_slice %arg3[%dma_wait3A_953, %dma_wait3A_954] : memref<32x1000000xf32, #tpu.memory_space<hbm>> -> memref<32x128xf32, #tpu.memory_space<hbm>>
      tpu.wait_dma2 semaphore(%arg10 : memref<!tpu.dma_semaphore, #tpu.memory_space<semaphore_mem>>) src(%dma_wait3A_955 : memref<32x128xf32, #tpu.memory_space<hbm>>) dst(%dma_wait3A_952 : memref<32x128xf32, #tpu.memory_space<vmem>>)
      %dma_wait3A_956 = arith.constant 2 : i32
      %dma_wait3A_957 = arith.constant 0 : i32
      %dma_wait3A_958 = arith.constant 0 : i32
      %dma_wait3A_959 = tpu.memref_slice %arg7[%dma_wait3A_956, %dma_wait3A_957, %dma_wait3A_958] : memref<8x32x128xf32, #tpu.memory_space<vmem>> -> memref<1x32x128xf32, #tpu.memory_space<vmem>>
      %dma_wait3A_960 = tpu.memref_squeeze %dma_wait3A_959 : memref<1x32x128xf32, #tpu.memory_space<vmem>> -> memref<32x128xf32, #tpu.memory_space<vmem>>
      %dma_wait3A_961 = arith.constant 0 : i32
      %dma_wait3A_962 = arith.constant 0 : i32
      %dma_wait3A_963 = tpu.memref_slice %arg3[%dma_wait3A_961, %dma_wait3A_962] : memref<32x1000000xf32, #tpu.memory_space<hbm>> -> memref<32x128xf32, #tpu.memory_space<hbm>>
      %dma_wait3A_964 = arith.constant 0 : i32
      %dma_wait3A_965 = arith.constant 0 : i32
      %dma_wait3A_966 = tpu.memref_slice %arg7[%dma_wait3A_956, %dma_wait3A_964, %dma_wait3A_965] : memref<8x32x128xf32, #tpu.memory_space<vmem>> -> memref<1x32x128xf32, #tpu.memory_space<vmem>>
      %dma_wait3A_967 = tpu.memref_squeeze %dma_wait3A_966 : memref<1x32x128xf32, #tpu.memory_space<vmem>> -> memref<32x128xf32, #tpu.memory_space<vmem>>
      %dma_wait3A_968 = arith.constant 0 : i32
      %dma_wait3A_969 = arith.constant 0 : i32
      %dma_wait3A_970 = tpu.memref_slice %arg3[%dma_wait3A_968, %dma_wait3A_969] : memref<32x1000000xf32, #tpu.memory_space<hbm>> -> memref<32x128xf32, #tpu.memory_space<hbm>>
      tpu.wait_dma2 semaphore(%arg10 : memref<!tpu.dma_semaphore, #tpu.memory_space<semaphore_mem>>) src(%dma_wait3A_970 : memref<32x128xf32, #tpu.memory_space<hbm>>) dst(%dma_wait3A_967 : memref<32x128xf32, #tpu.memory_space<vmem>>)
      %dma_wait3A_971 = arith.constant 3 : i32
      %dma_wait3A_972 = arith.constant 0 : i32
      %dma_wait3A_973 = arith.constant 0 : i32
      %dma_wait3A_974 = tpu.memref_slice %arg7[%dma_wait3A_971, %dma_wait3A_972, %dma_wait3A_973] : memref<8x32x128xf32, #tpu.memory_space<vmem>> -> memref<1x32x128xf32, #tpu.memory_space<vmem>>
      %dma_wait3A_975 = tpu.memref_squeeze %dma_wait3A_974 : memref<1x32x128xf32, #tpu.memory_space<vmem>> -> memref<32x128xf32, #tpu.memory_space<vmem>>
      %dma_wait3A_976 = arith.constant 0 : i32
      %dma_wait3A_977 = arith.constant 0 : i32
      %dma_wait3A_978 = tpu.memref_slice %arg3[%dma_wait3A_976, %dma_wait3A_977] : memref<32x1000000xf32, #tpu.memory_space<hbm>> -> memref<32x128xf32, #tpu.memory_space<hbm>>
      %dma_wait3A_979 = arith.constant 0 : i32
      %dma_wait3A_980 = arith.constant 0 : i32
      %dma_wait3A_981 = tpu.memref_slice %arg7[%dma_wait3A_971, %dma_wait3A_979, %dma_wait3A_980] : memref<8x32x128xf32, #tpu.memory_space<vmem>> -> memref<1x32x128xf32, #tpu.memory_space<vmem>>
      %dma_wait3A_982 = tpu.memref_squeeze %dma_wait3A_981 : memref<1x32x128xf32, #tpu.memory_space<vmem>> -> memref<32x128xf32, #tpu.memory_space<vmem>>
      %dma_wait3A_983 = arith.constant 0 : i32
      %dma_wait3A_984 = arith.constant 0 : i32
      %dma_wait3A_985 = tpu.memref_slice %arg3[%dma_wait3A_983, %dma_wait3A_984] : memref<32x1000000xf32, #tpu.memory_space<hbm>> -> memref<32x128xf32, #tpu.memory_space<hbm>>
      tpu.wait_dma2 semaphore(%arg10 : memref<!tpu.dma_semaphore, #tpu.memory_space<semaphore_mem>>) src(%dma_wait3A_985 : memref<32x128xf32, #tpu.memory_space<hbm>>) dst(%dma_wait3A_982 : memref<32x128xf32, #tpu.memory_space<vmem>>)
      %dma_wait3A_986 = arith.constant 4 : i32
      %dma_wait3A_987 = arith.constant 0 : i32
      %dma_wait3A_988 = arith.constant 0 : i32
      %dma_wait3A_989 = tpu.memref_slice %arg7[%dma_wait3A_986, %dma_wait3A_987, %dma_wait3A_988] : memref<8x32x128xf32, #tpu.memory_space<vmem>> -> memref<1x32x128xf32, #tpu.memory_space<vmem>>
      %dma_wait3A_990 = tpu.memref_squeeze %dma_wait3A_989 : memref<1x32x128xf32, #tpu.memory_space<vmem>> -> memref<32x128xf32, #tpu.memory_space<vmem>>
      %dma_wait3A_991 = arith.constant 0 : i32
      %dma_wait3A_992 = arith.constant 0 : i32
      %dma_wait3A_993 = tpu.memref_slice %arg3[%dma_wait3A_991, %dma_wait3A_992] : memref<32x1000000xf32, #tpu.memory_space<hbm>> -> memref<32x128xf32, #tpu.memory_space<hbm>>
      %dma_wait3A_994 = arith.constant 0 : i32
      %dma_wait3A_995 = arith.constant 0 : i32
      %dma_wait3A_996 = tpu.memref_slice %arg7[%dma_wait3A_986, %dma_wait3A_994, %dma_wait3A_995] : memref<8x32x128xf32, #tpu.memory_space<vmem>> -> memref<1x32x128xf32, #tpu.memory_space<vmem>>
      %dma_wait3A_997 = tpu.memref_squeeze %dma_wait3A_996 : memref<1x32x128xf32, #tpu.memory_space<vmem>> -> memref<32x128xf32, #tpu.memory_space<vmem>>
      %dma_wait3A_998 = arith.constant 0 : i32
      %dma_wait3A_999 = arith.constant 0 : i32
      %dma_wait3A_1000 = tpu.memref_slice %arg3[%dma_wait3A_998, %dma_wait3A_999] : memref<32x1000000xf32, #tpu.memory_space<hbm>> -> memref<32x128xf32, #tpu.memory_space<hbm>>
      tpu.wait_dma2 semaphore(%arg10 : memref<!tpu.dma_semaphore, #tpu.memory_space<semaphore_mem>>) src(%dma_wait3A_1000 : memref<32x128xf32, #tpu.memory_space<hbm>>) dst(%dma_wait3A_997 : memref<32x128xf32, #tpu.memory_space<vmem>>)
      %dma_wait3A_1001 = arith.constant 5 : i32
      %dma_wait3A_1002 = arith.constant 0 : i32
      %dma_wait3A_1003 = arith.constant 0 : i32
      %dma_wait3A_1004 = tpu.memref_slice %arg7[%dma_wait3A_1001, %dma_wait3A_1002, %dma_wait3A_1003] : memref<8x32x128xf32, #tpu.memory_space<vmem>> -> memref<1x32x128xf32, #tpu.memory_space<vmem>>
      %dma_wait3A_1005 = tpu.memref_squeeze %dma_wait3A_1004 : memref<1x32x128xf32, #tpu.memory_space<vmem>> -> memref<32x128xf32, #tpu.memory_space<vmem>>
      %dma_wait3A_1006 = arith.constant 0 : i32
      %dma_wait3A_1007 = arith.constant 0 : i32
      %dma_wait3A_1008 = tpu.memref_slice %arg3[%dma_wait3A_1006, %dma_wait3A_1007] : memref<32x1000000xf32, #tpu.memory_space<hbm>> -> memref<32x128xf32, #tpu.memory_space<hbm>>
      %dma_wait3A_1009 = arith.constant 0 : i32
      %dma_wait3A_1010 = arith.constant 0 : i32
      %dma_wait3A_1011 = tpu.memref_slice %arg7[%dma_wait3A_1001, %dma_wait3A_1009, %dma_wait3A_1010] : memref<8x32x128xf32, #tpu.memory_space<vmem>> -> memref<1x32x128xf32, #tpu.memory_space<vmem>>
      %dma_wait3A_1012 = tpu.memref_squeeze %dma_wait3A_1011 : memref<1x32x128xf32, #tpu.memory_space<vmem>> -> memref<32x128xf32, #tpu.memory_space<vmem>>
      %dma_wait3A_1013 = arith.constant 0 : i32
      %dma_wait3A_1014 = arith.constant 0 : i32
      %dma_wait3A_1015 = tpu.memref_slice %arg3[%dma_wait3A_1013, %dma_wait3A_1014] : memref<32x1000000xf32, #tpu.memory_space<hbm>> -> memref<32x128xf32, #tpu.memory_space<hbm>>
      tpu.wait_dma2 semaphore(%arg10 : memref<!tpu.dma_semaphore, #tpu.memory_space<semaphore_mem>>) src(%dma_wait3A_1015 : memref<32x128xf32, #tpu.memory_space<hbm>>) dst(%dma_wait3A_1012 : memref<32x128xf32, #tpu.memory_space<vmem>>)
      %dma_wait3A_1016 = arith.constant 6 : i32
      %dma_wait3A_1017 = arith.constant 0 : i32
      %dma_wait3A_1018 = arith.constant 0 : i32
      %dma_wait3A_1019 = tpu.memref_slice %arg7[%dma_wait3A_1016, %dma_wait3A_1017, %dma_wait3A_1018] : memref<8x32x128xf32, #tpu.memory_space<vmem>> -> memref<1x32x128xf32, #tpu.memory_space<vmem>>
      %dma_wait3A_1020 = tpu.memref_squeeze %dma_wait3A_1019 : memref<1x32x128xf32, #tpu.memory_space<vmem>> -> memref<32x128xf32, #tpu.memory_space<vmem>>
      %dma_wait3A_1021 = arith.constant 0 : i32
      %dma_wait3A_1022 = arith.constant 0 : i32
      %dma_wait3A_1023 = tpu.memref_slice %arg3[%dma_wait3A_1021, %dma_wait3A_1022] : memref<32x1000000xf32, #tpu.memory_space<hbm>> -> memref<32x128xf32, #tpu.memory_space<hbm>>
      %dma_wait3A_1024 = arith.constant 0 : i32
      %dma_wait3A_1025 = arith.constant 0 : i32
      %dma_wait3A_1026 = tpu.memref_slice %arg7[%dma_wait3A_1016, %dma_wait3A_1024, %dma_wait3A_1025] : memref<8x32x128xf32, #tpu.memory_space<vmem>> -> memref<1x32x128xf32, #tpu.memory_space<vmem>>
      %dma_wait3A_1027 = tpu.memref_squeeze %dma_wait3A_1026 : memref<1x32x128xf32, #tpu.memory_space<vmem>> -> memref<32x128xf32, #tpu.memory_space<vmem>>
      %dma_wait3A_1028 = arith.constant 0 : i32
      %dma_wait3A_1029 = arith.constant 0 : i32
      %dma_wait3A_1030 = tpu.memref_slice %arg3[%dma_wait3A_1028, %dma_wait3A_1029] : memref<32x1000000xf32, #tpu.memory_space<hbm>> -> memref<32x128xf32, #tpu.memory_space<hbm>>
      tpu.wait_dma2 semaphore(%arg10 : memref<!tpu.dma_semaphore, #tpu.memory_space<semaphore_mem>>) src(%dma_wait3A_1030 : memref<32x128xf32, #tpu.memory_space<hbm>>) dst(%dma_wait3A_1027 : memref<32x128xf32, #tpu.memory_space<vmem>>)
      %dma_wait3A_1031 = arith.constant 7 : i32
      %dma_wait3A_1032 = arith.constant 0 : i32
      %dma_wait3A_1033 = arith.constant 0 : i32
      %dma_wait3A_1034 = tpu.memref_slice %arg7[%dma_wait3A_1031, %dma_wait3A_1032, %dma_wait3A_1033] : memref<8x32x128xf32, #tpu.memory_space<vmem>> -> memref<1x32x128xf32, #tpu.memory_space<vmem>>
      %dma_wait3A_1035 = tpu.memref_squeeze %dma_wait3A_1034 : memref<1x32x128xf32, #tpu.memory_space<vmem>> -> memref<32x128xf32, #tpu.memory_space<vmem>>
      %dma_wait3A_1036 = arith.constant 0 : i32
      %dma_wait3A_1037 = arith.constant 0 : i32
      %dma_wait3A_1038 = tpu.memref_slice %arg3[%dma_wait3A_1036, %dma_wait3A_1037] : memref<32x1000000xf32, #tpu.memory_space<hbm>> -> memref<32x128xf32, #tpu.memory_space<hbm>>
      %dma_wait3A_1039 = arith.constant 0 : i32
      %dma_wait3A_1040 = arith.constant 0 : i32
      %dma_wait3A_1041 = tpu.memref_slice %arg7[%dma_wait3A_1031, %dma_wait3A_1039, %dma_wait3A_1040] : memref<8x32x128xf32, #tpu.memory_space<vmem>> -> memref<1x32x128xf32, #tpu.memory_space<vmem>>
      %dma_wait3A_1042 = tpu.memref_squeeze %dma_wait3A_1041 : memref<1x32x128xf32, #tpu.memory_space<vmem>> -> memref<32x128xf32, #tpu.memory_space<vmem>>
      %dma_wait3A_1043 = arith.constant 0 : i32
      %dma_wait3A_1044 = arith.constant 0 : i32
      %dma_wait3A_1045 = tpu.memref_slice %arg3[%dma_wait3A_1043, %dma_wait3A_1044] : memref<32x1000000xf32, #tpu.memory_space<hbm>> -> memref<32x128xf32, #tpu.memory_space<hbm>>
      tpu.wait_dma2 semaphore(%arg10 : memref<!tpu.dma_semaphore, #tpu.memory_space<semaphore_mem>>) src(%dma_wait3A_1045 : memref<32x128xf32, #tpu.memory_space<hbm>>) dst(%dma_wait3A_1042 : memref<32x128xf32, #tpu.memory_space<vmem>>)
      %mul3A_1046 = arith.constant 16 : i32
      %mul3A_1047 = arith.muli %add3A_167, %mul3A_1046 : i32
      %get3A_1048 = arith.index_cast %mul3A_1047 : i32 to index
      %get3A_1049 = tpu.vector_load %arg5[%get3A_1048] {strides = array<i32>} : memref<384xi32, #tpu.memory_space<vmem>>, vector<16xi32>,
      %and3A_1050 = arith.constant 127 : i32
      %and3A_1051 = vector.broadcast %and3A_1050 : i32 to vector<16xi32>
      %and3A_1052 = arith.andi %get3A_1049, %and3A_1051 : vector<16xi32>
      %slice3A_1053 = vector.extract_strided_slice %and3A_1052 {offsets = [8], sizes = [1], strides = [1]} : vector<16xi32> to vector<1xi32>
      %squeeze3A_1054 = vector.extract %slice3A_1053[0] : i32 from vector<1xi32>
      %broadcast_in_dim3A_1055 = vector.broadcast %squeeze3A_1054 : i32 to vector<16xi32>
      %broadcast_in_dim3A_1056 = arith.constant 0 : i32
      %broadcast_in_dim3A_1057 = vector.broadcast %broadcast_in_dim3A_1056 : i32 to vector<16xi32>
      %gather3A_1058 = tpu.vector_load_idx %arg7[%broadcast_in_dim3A_1057, %iota3A, %broadcast_in_dim3A_1055] : memref<8x32x128xf32, #tpu.memory_space<vmem>>[vector<16xi32>, vector<16xi32>, vector<16xi32>], vector<16xf32>,
      %add3A_1059 = arith.constant 16 : i32
      %add3A_1060 = vector.broadcast %add3A_1059 : i32 to vector<16xi32>
      %add3A_1061 = arith.addi %iota3A, %add3A_1060 : vector<16xi32>
      %gather3A_1062 = tpu.vector_load_idx %arg7[%broadcast_in_dim3A_1057, %add3A_1061, %broadcast_in_dim3A_1055] : memref<8x32x128xf32, #tpu.memory_space<vmem>>[vector<16xi32>, vector<16xi32>, vector<16xi32>], vector<16xf32>,
      %mul3A_1063 = arith.mulf %gather3A_1058, %gather3A_1058 : vector<16xf32>
      %mul3A_1064 = arith.mulf %gather3A_1062, %gather3A_1062 : vector<16xf32>
      %add3A_1065 = arith.addf %mul3A_1063, %mul3A_1064 : vector<16xf32>
      %reduce_sum3A_1066 = arith.constant true
      %reduce_sum3A_1067 = vector.broadcast %reduce_sum3A_1066 : i1 to vector<16xi1>
      %reduce_sum3A_1068 = tpu.scan <sum>, %add3A_1065 masked %reduce_sum3A_1067 : vector<16xf32>, vector<16xi1> -> vector<16xf32>
      %reduce_sum3A_1069 = vector.extract %reduce_sum3A_1068[15] : f32 from vector<16xf32>
      %broadcast_in_dim3A_1070 = vector.broadcast %reduce_sum3A_1069 : f32 to vector<16xf32>
      %bitcast_convert_type3A_1071 = tpu.bitcast %broadcast_in_dim3A_1070 : vector<16xf32> -> vector<16xi32>
      %shift_right_logical3A_1072 = arith.constant 1 : i32
      %shift_right_logical3A_1073 = vector.broadcast %shift_right_logical3A_1072 : i32 to vector<16xi32>
      %shift_right_logical3A_1074 = arith.shrui %bitcast_convert_type3A_1071, %shift_right_logical3A_1073 : vector<16xi32>
      %sub3A_1075 = arith.constant 1597463007 : i32
      %sub3A_1076 = vector.broadcast %sub3A_1075 : i32 to vector<16xi32>
      %sub3A_1077 = arith.subi %sub3A_1076, %shift_right_logical3A_1074 : vector<16xi32>
      %bitcast_convert_type3A_1078 = tpu.bitcast %sub3A_1077 : vector<16xi32> -> vector<16xf32>
      %mul3A_1079 = arith.constant 5.000000e-01 : f32
      %mul3A_1080 = vector.broadcast %mul3A_1079 : f32 to vector<16xf32>
      %mul3A_1081 = arith.mulf %broadcast_in_dim3A_1070, %mul3A_1080 : vector<16xf32>
      %mul3A_1082 = arith.mulf %mul3A_1081, %bitcast_convert_type3A_1078 : vector<16xf32>
      %mul3A_1083 = arith.mulf %mul3A_1082, %bitcast_convert_type3A_1078 : vector<16xf32>
      %sub3A_1084 = arith.constant 1.500000e+00 : f32
      %sub3A_1085 = vector.broadcast %sub3A_1084 : f32 to vector<16xf32>
      %sub3A_1086 = arith.subf %sub3A_1085, %mul3A_1083 : vector<16xf32>
      %mul3A_1087 = arith.mulf %bitcast_convert_type3A_1078, %sub3A_1086 : vector<16xf32>
      %mul3A_1088 = arith.mulf %mul3A_1081, %mul3A_1087 : vector<16xf32>
      %mul3A_1089 = arith.mulf %mul3A_1088, %mul3A_1087 : vector<16xf32>
      %sub3A_1090 = arith.constant 1.500000e+00 : f32
      %sub3A_1091 = vector.broadcast %sub3A_1090 : f32 to vector<16xf32>
      %sub3A_1092 = arith.subf %sub3A_1091, %mul3A_1089 : vector<16xf32>
      %mul3A_1093 = arith.mulf %mul3A_1087, %sub3A_1092 : vector<16xf32>
      %mul3A_1094 = arith.mulf %mul3A_1081, %mul3A_1093 : vector<16xf32>
      %mul3A_1095 = arith.mulf %mul3A_1094, %mul3A_1093 : vector<16xf32>
      %sub3A_1096 = arith.constant 1.500000e+00 : f32
      %sub3A_1097 = vector.broadcast %sub3A_1096 : f32 to vector<16xf32>
      %sub3A_1098 = arith.subf %sub3A_1097, %mul3A_1095 : vector<16xf32>
      %mul3A_1099 = arith.mulf %mul3A_1093, %sub3A_1098 : vector<16xf32>
      %mul3A_1100 = arith.constant 16 : i32
      %mul3A_1101 = arith.muli %add3A_167, %mul3A_1100 : i32
      %add3A_1102 = arith.constant 8 : i32
      %add3A_1103 = arith.addi %mul3A_1101, %add3A_1102 : i32
      %add3A_1104 = arith.constant 0 : i32
      %add3A_1105 = arith.addi %add3A_1103, %add3A_1104 : i32
      %broadcast_in_dim3A_1106 = vector.broadcast %add3A_1105 : i32 to vector<16xi32>
      %mul3A_1107 = arith.mulf %gather3A_1058, %mul3A_1099 : vector<16xf32>
      tpu.vector_store_idx %arg8[%iota3A, %broadcast_in_dim3A_1106], %mul3A_1107 : memref<32x384xf32, #tpu.memory_space<vmem>>[vector<16xi32>, vector<16xi32>], vector<16xf32>,
      %add3A_1108 = arith.constant 16 : i32
      %add3A_1109 = vector.broadcast %add3A_1108 : i32 to vector<16xi32>
      %add3A_1110 = arith.addi %iota3A, %add3A_1109 : vector<16xi32>
      %mul3A_1111 = arith.mulf %gather3A_1062, %mul3A_1099 : vector<16xf32>
      tpu.vector_store_idx %arg8[%add3A_1110, %broadcast_in_dim3A_1106], %mul3A_1111 : memref<32x384xf32, #tpu.memory_space<vmem>>[vector<16xi32>, vector<16xi32>], vector<16xf32>,
      %slice3A_1112 = vector.extract_strided_slice %and3A_1052 {offsets = [9], sizes = [1], strides = [1]} : vector<16xi32> to vector<1xi32>
      %squeeze3A_1113 = vector.extract %slice3A_1112[0] : i32 from vector<1xi32>
      %broadcast_in_dim3A_1114 = vector.broadcast %squeeze3A_1113 : i32 to vector<16xi32>
      %broadcast_in_dim3A_1115 = arith.constant 1 : i32
      %broadcast_in_dim3A_1116 = vector.broadcast %broadcast_in_dim3A_1115 : i32 to vector<16xi32>
      %gather3A_1117 = tpu.vector_load_idx %arg7[%broadcast_in_dim3A_1116, %iota3A, %broadcast_in_dim3A_1114] : memref<8x32x128xf32, #tpu.memory_space<vmem>>[vector<16xi32>, vector<16xi32>, vector<16xi32>], vector<16xf32>,
      %add3A_1118 = arith.constant 16 : i32
      %add3A_1119 = vector.broadcast %add3A_1118 : i32 to vector<16xi32>
      %add3A_1120 = arith.addi %iota3A, %add3A_1119 : vector<16xi32>
      %gather3A_1121 = tpu.vector_load_idx %arg7[%broadcast_in_dim3A_1116, %add3A_1120, %broadcast_in_dim3A_1114] : memref<8x32x128xf32, #tpu.memory_space<vmem>>[vector<16xi32>, vector<16xi32>, vector<16xi32>], vector<16xf32>,
      %mul3A_1122 = arith.mulf %gather3A_1117, %gather3A_1117 : vector<16xf32>
      %mul3A_1123 = arith.mulf %gather3A_1121, %gather3A_1121 : vector<16xf32>
      %add3A_1124 = arith.addf %mul3A_1122, %mul3A_1123 : vector<16xf32>
      %reduce_sum3A_1125 = arith.constant true
      %reduce_sum3A_1126 = vector.broadcast %reduce_sum3A_1125 : i1 to vector<16xi1>
      %reduce_sum3A_1127 = tpu.scan <sum>, %add3A_1124 masked %reduce_sum3A_1126 : vector<16xf32>, vector<16xi1> -> vector<16xf32>
      %reduce_sum3A_1128 = vector.extract %reduce_sum3A_1127[15] : f32 from vector<16xf32>
      %broadcast_in_dim3A_1129 = vector.broadcast %reduce_sum3A_1128 : f32 to vector<16xf32>
      %bitcast_convert_type3A_1130 = tpu.bitcast %broadcast_in_dim3A_1129 : vector<16xf32> -> vector<16xi32>
      %shift_right_logical3A_1131 = arith.constant 1 : i32
      %shift_right_logical3A_1132 = vector.broadcast %shift_right_logical3A_1131 : i32 to vector<16xi32>
      %shift_right_logical3A_1133 = arith.shrui %bitcast_convert_type3A_1130, %shift_right_logical3A_1132 : vector<16xi32>
      %sub3A_1134 = arith.constant 1597463007 : i32
      %sub3A_1135 = vector.broadcast %sub3A_1134 : i32 to vector<16xi32>
      %sub3A_1136 = arith.subi %sub3A_1135, %shift_right_logical3A_1133 : vector<16xi32>
      %bitcast_convert_type3A_1137 = tpu.bitcast %sub3A_1136 : vector<16xi32> -> vector<16xf32>
      %mul3A_1138 = arith.constant 5.000000e-01 : f32
      %mul3A_1139 = vector.broadcast %mul3A_1138 : f32 to vector<16xf32>
      %mul3A_1140 = arith.mulf %broadcast_in_dim3A_1129, %mul3A_1139 : vector<16xf32>
      %mul3A_1141 = arith.mulf %mul3A_1140, %bitcast_convert_type3A_1137 : vector<16xf32>
      %mul3A_1142 = arith.mulf %mul3A_1141, %bitcast_convert_type3A_1137 : vector<16xf32>
      %sub3A_1143 = arith.constant 1.500000e+00 : f32
      %sub3A_1144 = vector.broadcast %sub3A_1143 : f32 to vector<16xf32>
      %sub3A_1145 = arith.subf %sub3A_1144, %mul3A_1142 : vector<16xf32>
      %mul3A_1146 = arith.mulf %bitcast_convert_type3A_1137, %sub3A_1145 : vector<16xf32>
      %mul3A_1147 = arith.mulf %mul3A_1140, %mul3A_1146 : vector<16xf32>
      %mul3A_1148 = arith.mulf %mul3A_1147, %mul3A_1146 : vector<16xf32>
      %sub3A_1149 = arith.constant 1.500000e+00 : f32
      %sub3A_1150 = vector.broadcast %sub3A_1149 : f32 to vector<16xf32>
      %sub3A_1151 = arith.subf %sub3A_1150, %mul3A_1148 : vector<16xf32>
      %mul3A_1152 = arith.mulf %mul3A_1146, %sub3A_1151 : vector<16xf32>
      %mul3A_1153 = arith.mulf %mul3A_1140, %mul3A_1152 : vector<16xf32>
      %mul3A_1154 = arith.mulf %mul3A_1153, %mul3A_1152 : vector<16xf32>
      %sub3A_1155 = arith.constant 1.500000e+00 : f32
      %sub3A_1156 = vector.broadcast %sub3A_1155 : f32 to vector<16xf32>
      %sub3A_1157 = arith.subf %sub3A_1156, %mul3A_1154 : vector<16xf32>
      %mul3A_1158 = arith.mulf %mul3A_1152, %sub3A_1157 : vector<16xf32>
      %mul3A_1159 = arith.constant 16 : i32
      %mul3A_1160 = arith.muli %add3A_167, %mul3A_1159 : i32
      %add3A_1161 = arith.constant 8 : i32
      %add3A_1162 = arith.addi %mul3A_1160, %add3A_1161 : i32
      %add3A_1163 = arith.constant 1 : i32
      %add3A_1164 = arith.addi %add3A_1162, %add3A_1163 : i32
      %broadcast_in_dim3A_1165 = vector.broadcast %add3A_1164 : i32 to vector<16xi32>
      %mul3A_1166 = arith.mulf %gather3A_1117, %mul3A_1158 : vector<16xf32>
      tpu.vector_store_idx %arg8[%iota3A, %broadcast_in_dim3A_1165], %mul3A_1166 : memref<32x384xf32, #tpu.memory_space<vmem>>[vector<16xi32>, vector<16xi32>], vector<16xf32>,
      %add3A_1167 = arith.constant 16 : i32
      %add3A_1168 = vector.broadcast %add3A_1167 : i32 to vector<16xi32>
      %add3A_1169 = arith.addi %iota3A, %add3A_1168 : vector<16xi32>
      %mul3A_1170 = arith.mulf %gather3A_1121, %mul3A_1158 : vector<16xf32>
      tpu.vector_store_idx %arg8[%add3A_1169, %broadcast_in_dim3A_1165], %mul3A_1170 : memref<32x384xf32, #tpu.memory_space<vmem>>[vector<16xi32>, vector<16xi32>], vector<16xf32>,
      %slice3A_1171 = vector.extract_strided_slice %and3A_1052 {offsets = [10], sizes = [1], strides = [1]} : vector<16xi32> to vector<1xi32>
      %squeeze3A_1172 = vector.extract %slice3A_1171[0] : i32 from vector<1xi32>
      %broadcast_in_dim3A_1173 = vector.broadcast %squeeze3A_1172 : i32 to vector<16xi32>
      %broadcast_in_dim3A_1174 = arith.constant 2 : i32
      %broadcast_in_dim3A_1175 = vector.broadcast %broadcast_in_dim3A_1174 : i32 to vector<16xi32>
      %gather3A_1176 = tpu.vector_load_idx %arg7[%broadcast_in_dim3A_1175, %iota3A, %broadcast_in_dim3A_1173] : memref<8x32x128xf32, #tpu.memory_space<vmem>>[vector<16xi32>, vector<16xi32>, vector<16xi32>], vector<16xf32>,
      %add3A_1177 = arith.constant 16 : i32
      %add3A_1178 = vector.broadcast %add3A_1177 : i32 to vector<16xi32>
      %add3A_1179 = arith.addi %iota3A, %add3A_1178 : vector<16xi32>
      %gather3A_1180 = tpu.vector_load_idx %arg7[%broadcast_in_dim3A_1175, %add3A_1179, %broadcast_in_dim3A_1173] : memref<8x32x128xf32, #tpu.memory_space<vmem>>[vector<16xi32>, vector<16xi32>, vector<16xi32>], vector<16xf32>,
      %mul3A_1181 = arith.mulf %gather3A_1176, %gather3A_1176 : vector<16xf32>
      %mul3A_1182 = arith.mulf %gather3A_1180, %gather3A_1180 : vector<16xf32>
      %add3A_1183 = arith.addf %mul3A_1181, %mul3A_1182 : vector<16xf32>
      %reduce_sum3A_1184 = arith.constant true
      %reduce_sum3A_1185 = vector.broadcast %reduce_sum3A_1184 : i1 to vector<16xi1>
      %reduce_sum3A_1186 = tpu.scan <sum>, %add3A_1183 masked %reduce_sum3A_1185 : vector<16xf32>, vector<16xi1> -> vector<16xf32>
      %reduce_sum3A_1187 = vector.extract %reduce_sum3A_1186[15] : f32 from vector<16xf32>
      %broadcast_in_dim3A_1188 = vector.broadcast %reduce_sum3A_1187 : f32 to vector<16xf32>
      %bitcast_convert_type3A_1189 = tpu.bitcast %broadcast_in_dim3A_1188 : vector<16xf32> -> vector<16xi32>
      %shift_right_logical3A_1190 = arith.constant 1 : i32
      %shift_right_logical3A_1191 = vector.broadcast %shift_right_logical3A_1190 : i32 to vector<16xi32>
      %shift_right_logical3A_1192 = arith.shrui %bitcast_convert_type3A_1189, %shift_right_logical3A_1191 : vector<16xi32>
      %sub3A_1193 = arith.constant 1597463007 : i32
      %sub3A_1194 = vector.broadcast %sub3A_1193 : i32 to vector<16xi32>
      %sub3A_1195 = arith.subi %sub3A_1194, %shift_right_logical3A_1192 : vector<16xi32>
      %bitcast_convert_type3A_1196 = tpu.bitcast %sub3A_1195 : vector<16xi32> -> vector<16xf32>
      %mul3A_1197 = arith.constant 5.000000e-01 : f32
      %mul3A_1198 = vector.broadcast %mul3A_1197 : f32 to vector<16xf32>
      %mul3A_1199 = arith.mulf %broadcast_in_dim3A_1188, %mul3A_1198 : vector<16xf32>
      %mul3A_1200 = arith.mulf %mul3A_1199, %bitcast_convert_type3A_1196 : vector<16xf32>
      %mul3A_1201 = arith.mulf %mul3A_1200, %bitcast_convert_type3A_1196 : vector<16xf32>
      %sub3A_1202 = arith.constant 1.500000e+00 : f32
      %sub3A_1203 = vector.broadcast %sub3A_1202 : f32 to vector<16xf32>
      %sub3A_1204 = arith.subf %sub3A_1203, %mul3A_1201 : vector<16xf32>
      %mul3A_1205 = arith.mulf %bitcast_convert_type3A_1196, %sub3A_1204 : vector<16xf32>
      %mul3A_1206 = arith.mulf %mul3A_1199, %mul3A_1205 : vector<16xf32>
      %mul3A_1207 = arith.mulf %mul3A_1206, %mul3A_1205 : vector<16xf32>
      %sub3A_1208 = arith.constant 1.500000e+00 : f32
      %sub3A_1209 = vector.broadcast %sub3A_1208 : f32 to vector<16xf32>
      %sub3A_1210 = arith.subf %sub3A_1209, %mul3A_1207 : vector<16xf32>
      %mul3A_1211 = arith.mulf %mul3A_1205, %sub3A_1210 : vector<16xf32>
      %mul3A_1212 = arith.mulf %mul3A_1199, %mul3A_1211 : vector<16xf32>
      %mul3A_1213 = arith.mulf %mul3A_1212, %mul3A_1211 : vector<16xf32>
      %sub3A_1214 = arith.constant 1.500000e+00 : f32
      %sub3A_1215 = vector.broadcast %sub3A_1214 : f32 to vector<16xf32>
      %sub3A_1216 = arith.subf %sub3A_1215, %mul3A_1213 : vector<16xf32>
      %mul3A_1217 = arith.mulf %mul3A_1211, %sub3A_1216 : vector<16xf32>
      %mul3A_1218 = arith.constant 16 : i32
      %mul3A_1219 = arith.muli %add3A_167, %mul3A_1218 : i32
      %add3A_1220 = arith.constant 8 : i32
      %add3A_1221 = arith.addi %mul3A_1219, %add3A_1220 : i32
      %add3A_1222 = arith.constant 2 : i32
      %add3A_1223 = arith.addi %add3A_1221, %add3A_1222 : i32
      %broadcast_in_dim3A_1224 = vector.broadcast %add3A_1223 : i32 to vector<16xi32>
      %mul3A_1225 = arith.mulf %gather3A_1176, %mul3A_1217 : vector<16xf32>
      tpu.vector_store_idx %arg8[%iota3A, %broadcast_in_dim3A_1224], %mul3A_1225 : memref<32x384xf32, #tpu.memory_space<vmem>>[vector<16xi32>, vector<16xi32>], vector<16xf32>,
      %add3A_1226 = arith.constant 16 : i32
      %add3A_1227 = vector.broadcast %add3A_1226 : i32 to vector<16xi32>
      %add3A_1228 = arith.addi %iota3A, %add3A_1227 : vector<16xi32>
      %mul3A_1229 = arith.mulf %gather3A_1180, %mul3A_1217 : vector<16xf32>
      tpu.vector_store_idx %arg8[%add3A_1228, %broadcast_in_dim3A_1224], %mul3A_1229 : memref<32x384xf32, #tpu.memory_space<vmem>>[vector<16xi32>, vector<16xi32>], vector<16xf32>,
      %slice3A_1230 = vector.extract_strided_slice %and3A_1052 {offsets = [11], sizes = [1], strides = [1]} : vector<16xi32> to vector<1xi32>
      %squeeze3A_1231 = vector.extract %slice3A_1230[0] : i32 from vector<1xi32>
      %broadcast_in_dim3A_1232 = vector.broadcast %squeeze3A_1231 : i32 to vector<16xi32>
      %broadcast_in_dim3A_1233 = arith.constant 3 : i32
      %broadcast_in_dim3A_1234 = vector.broadcast %broadcast_in_dim3A_1233 : i32 to vector<16xi32>
      %gather3A_1235 = tpu.vector_load_idx %arg7[%broadcast_in_dim3A_1234, %iota3A, %broadcast_in_dim3A_1232] : memref<8x32x128xf32, #tpu.memory_space<vmem>>[vector<16xi32>, vector<16xi32>, vector<16xi32>], vector<16xf32>,
      %add3A_1236 = arith.constant 16 : i32
      %add3A_1237 = vector.broadcast %add3A_1236 : i32 to vector<16xi32>
      %add3A_1238 = arith.addi %iota3A, %add3A_1237 : vector<16xi32>
      %gather3A_1239 = tpu.vector_load_idx %arg7[%broadcast_in_dim3A_1234, %add3A_1238, %broadcast_in_dim3A_1232] : memref<8x32x128xf32, #tpu.memory_space<vmem>>[vector<16xi32>, vector<16xi32>, vector<16xi32>], vector<16xf32>,
      %mul3A_1240 = arith.mulf %gather3A_1235, %gather3A_1235 : vector<16xf32>
      %mul3A_1241 = arith.mulf %gather3A_1239, %gather3A_1239 : vector<16xf32>
      %add3A_1242 = arith.addf %mul3A_1240, %mul3A_1241 : vector<16xf32>
      %reduce_sum3A_1243 = arith.constant true
      %reduce_sum3A_1244 = vector.broadcast %reduce_sum3A_1243 : i1 to vector<16xi1>
      %reduce_sum3A_1245 = tpu.scan <sum>, %add3A_1242 masked %reduce_sum3A_1244 : vector<16xf32>, vector<16xi1> -> vector<16xf32>
      %reduce_sum3A_1246 = vector.extract %reduce_sum3A_1245[15] : f32 from vector<16xf32>
      %broadcast_in_dim3A_1247 = vector.broadcast %reduce_sum3A_1246 : f32 to vector<16xf32>
      %bitcast_convert_type3A_1248 = tpu.bitcast %broadcast_in_dim3A_1247 : vector<16xf32> -> vector<16xi32>
      %shift_right_logical3A_1249 = arith.constant 1 : i32
      %shift_right_logical3A_1250 = vector.broadcast %shift_right_logical3A_1249 : i32 to vector<16xi32>
      %shift_right_logical3A_1251 = arith.shrui %bitcast_convert_type3A_1248, %shift_right_logical3A_1250 : vector<16xi32>
      %sub3A_1252 = arith.constant 1597463007 : i32
      %sub3A_1253 = vector.broadcast %sub3A_1252 : i32 to vector<16xi32>
      %sub3A_1254 = arith.subi %sub3A_1253, %shift_right_logical3A_1251 : vector<16xi32>
      %bitcast_convert_type3A_1255 = tpu.bitcast %sub3A_1254 : vector<16xi32> -> vector<16xf32>
      %mul3A_1256 = arith.constant 5.000000e-01 : f32
      %mul3A_1257 = vector.broadcast %mul3A_1256 : f32 to vector<16xf32>
      %mul3A_1258 = arith.mulf %broadcast_in_dim3A_1247, %mul3A_1257 : vector<16xf32>
      %mul3A_1259 = arith.mulf %mul3A_1258, %bitcast_convert_type3A_1255 : vector<16xf32>
      %mul3A_1260 = arith.mulf %mul3A_1259, %bitcast_convert_type3A_1255 : vector<16xf32>
      %sub3A_1261 = arith.constant 1.500000e+00 : f32
      %sub3A_1262 = vector.broadcast %sub3A_1261 : f32 to vector<16xf32>
      %sub3A_1263 = arith.subf %sub3A_1262, %mul3A_1260 : vector<16xf32>
      %mul3A_1264 = arith.mulf %bitcast_convert_type3A_1255, %sub3A_1263 : vector<16xf32>
      %mul3A_1265 = arith.mulf %mul3A_1258, %mul3A_1264 : vector<16xf32>
      %mul3A_1266 = arith.mulf %mul3A_1265, %mul3A_1264 : vector<16xf32>
      %sub3A_1267 = arith.constant 1.500000e+00 : f32
      %sub3A_1268 = vector.broadcast %sub3A_1267 : f32 to vector<16xf32>
      %sub3A_1269 = arith.subf %sub3A_1268, %mul3A_1266 : vector<16xf32>
      %mul3A_1270 = arith.mulf %mul3A_1264, %sub3A_1269 : vector<16xf32>
      %mul3A_1271 = arith.mulf %mul3A_1258, %mul3A_1270 : vector<16xf32>
      %mul3A_1272 = arith.mulf %mul3A_1271, %mul3A_1270 : vector<16xf32>
      %sub3A_1273 = arith.constant 1.500000e+00 : f32
      %sub3A_1274 = vector.broadcast %sub3A_1273 : f32 to vector<16xf32>
      %sub3A_1275 = arith.subf %sub3A_1274, %mul3A_1272 : vector<16xf32>
      %mul3A_1276 = arith.mulf %mul3A_1270, %sub3A_1275 : vector<16xf32>
      %mul3A_1277 = arith.constant 16 : i32
      %mul3A_1278 = arith.muli %add3A_167, %mul3A_1277 : i32
      %add3A_1279 = arith.constant 8 : i32
      %add3A_1280 = arith.addi %mul3A_1278, %add3A_1279 : i32
      %add3A_1281 = arith.constant 3 : i32
      %add3A_1282 = arith.addi %add3A_1280, %add3A_1281 : i32
      %broadcast_in_dim3A_1283 = vector.broadcast %add3A_1282 : i32 to vector<16xi32>
      %mul3A_1284 = arith.mulf %gather3A_1235, %mul3A_1276 : vector<16xf32>
      tpu.vector_store_idx %arg8[%iota3A, %broadcast_in_dim3A_1283], %mul3A_1284 : memref<32x384xf32, #tpu.memory_space<vmem>>[vector<16xi32>, vector<16xi32>], vector<16xf32>,
      %add3A_1285 = arith.constant 16 : i32
      %add3A_1286 = vector.broadcast %add3A_1285 : i32 to vector<16xi32>
      %add3A_1287 = arith.addi %iota3A, %add3A_1286 : vector<16xi32>
      %mul3A_1288 = arith.mulf %gather3A_1239, %mul3A_1276 : vector<16xf32>
      tpu.vector_store_idx %arg8[%add3A_1287, %broadcast_in_dim3A_1283], %mul3A_1288 : memref<32x384xf32, #tpu.memory_space<vmem>>[vector<16xi32>, vector<16xi32>], vector<16xf32>,
      %slice3A_1289 = vector.extract_strided_slice %and3A_1052 {offsets = [12], sizes = [1], strides = [1]} : vector<16xi32> to vector<1xi32>
      %squeeze3A_1290 = vector.extract %slice3A_1289[0] : i32 from vector<1xi32>
      %broadcast_in_dim3A_1291 = vector.broadcast %squeeze3A_1290 : i32 to vector<16xi32>
      %broadcast_in_dim3A_1292 = arith.constant 4 : i32
      %broadcast_in_dim3A_1293 = vector.broadcast %broadcast_in_dim3A_1292 : i32 to vector<16xi32>
      %gather3A_1294 = tpu.vector_load_idx %arg7[%broadcast_in_dim3A_1293, %iota3A, %broadcast_in_dim3A_1291] : memref<8x32x128xf32, #tpu.memory_space<vmem>>[vector<16xi32>, vector<16xi32>, vector<16xi32>], vector<16xf32>,
      %add3A_1295 = arith.constant 16 : i32
      %add3A_1296 = vector.broadcast %add3A_1295 : i32 to vector<16xi32>
      %add3A_1297 = arith.addi %iota3A, %add3A_1296 : vector<16xi32>
      %gather3A_1298 = tpu.vector_load_idx %arg7[%broadcast_in_dim3A_1293, %add3A_1297, %broadcast_in_dim3A_1291] : memref<8x32x128xf32, #tpu.memory_space<vmem>>[vector<16xi32>, vector<16xi32>, vector<16xi32>], vector<16xf32>,
      %mul3A_1299 = arith.mulf %gather3A_1294, %gather3A_1294 : vector<16xf32>
      %mul3A_1300 = arith.mulf %gather3A_1298, %gather3A_1298 : vector<16xf32>
      %add3A_1301 = arith.addf %mul3A_1299, %mul3A_1300 : vector<16xf32>
      %reduce_sum3A_1302 = arith.constant true
      %reduce_sum3A_1303 = vector.broadcast %reduce_sum3A_1302 : i1 to vector<16xi1>
      %reduce_sum3A_1304 = tpu.scan <sum>, %add3A_1301 masked %reduce_sum3A_1303 : vector<16xf32>, vector<16xi1> -> vector<16xf32>
      %reduce_sum3A_1305 = vector.extract %reduce_sum3A_1304[15] : f32 from vector<16xf32>
      %broadcast_in_dim3A_1306 = vector.broadcast %reduce_sum3A_1305 : f32 to vector<16xf32>
      %bitcast_convert_type3A_1307 = tpu.bitcast %broadcast_in_dim3A_1306 : vector<16xf32> -> vector<16xi32>
      %shift_right_logical3A_1308 = arith.constant 1 : i32
      %shift_right_logical3A_1309 = vector.broadcast %shift_right_logical3A_1308 : i32 to vector<16xi32>
      %shift_right_logical3A_1310 = arith.shrui %bitcast_convert_type3A_1307, %shift_right_logical3A_1309 : vector<16xi32>
      %sub3A_1311 = arith.constant 1597463007 : i32
      %sub3A_1312 = vector.broadcast %sub3A_1311 : i32 to vector<16xi32>
      %sub3A_1313 = arith.subi %sub3A_1312, %shift_right_logical3A_1310 : vector<16xi32>
      %bitcast_convert_type3A_1314 = tpu.bitcast %sub3A_1313 : vector<16xi32> -> vector<16xf32>
      %mul3A_1315 = arith.constant 5.000000e-01 : f32
      %mul3A_1316 = vector.broadcast %mul3A_1315 : f32 to vector<16xf32>
      %mul3A_1317 = arith.mulf %broadcast_in_dim3A_1306, %mul3A_1316 : vector<16xf32>
      %mul3A_1318 = arith.mulf %mul3A_1317, %bitcast_convert_type3A_1314 : vector<16xf32>
      %mul3A_1319 = arith.mulf %mul3A_1318, %bitcast_convert_type3A_1314 : vector<16xf32>
      %sub3A_1320 = arith.constant 1.500000e+00 : f32
      %sub3A_1321 = vector.broadcast %sub3A_1320 : f32 to vector<16xf32>
      %sub3A_1322 = arith.subf %sub3A_1321, %mul3A_1319 : vector<16xf32>
      %mul3A_1323 = arith.mulf %bitcast_convert_type3A_1314, %sub3A_1322 : vector<16xf32>
      %mul3A_1324 = arith.mulf %mul3A_1317, %mul3A_1323 : vector<16xf32>
      %mul3A_1325 = arith.mulf %mul3A_1324, %mul3A_1323 : vector<16xf32>
      %sub3A_1326 = arith.constant 1.500000e+00 : f32
      %sub3A_1327 = vector.broadcast %sub3A_1326 : f32 to vector<16xf32>
      %sub3A_1328 = arith.subf %sub3A_1327, %mul3A_1325 : vector<16xf32>
      %mul3A_1329 = arith.mulf %mul3A_1323, %sub3A_1328 : vector<16xf32>
      %mul3A_1330 = arith.mulf %mul3A_1317, %mul3A_1329 : vector<16xf32>
      %mul3A_1331 = arith.mulf %mul3A_1330, %mul3A_1329 : vector<16xf32>
      %sub3A_1332 = arith.constant 1.500000e+00 : f32
      %sub3A_1333 = vector.broadcast %sub3A_1332 : f32 to vector<16xf32>
      %sub3A_1334 = arith.subf %sub3A_1333, %mul3A_1331 : vector<16xf32>
      %mul3A_1335 = arith.mulf %mul3A_1329, %sub3A_1334 : vector<16xf32>
      %mul3A_1336 = arith.constant 16 : i32
      %mul3A_1337 = arith.muli %add3A_167, %mul3A_1336 : i32
      %add3A_1338 = arith.constant 8 : i32
      %add3A_1339 = arith.addi %mul3A_1337, %add3A_1338 : i32
      %add3A_1340 = arith.constant 4 : i32
      %add3A_1341 = arith.addi %add3A_1339, %add3A_1340 : i32
      %broadcast_in_dim3A_1342 = vector.broadcast %add3A_1341 : i32 to vector<16xi32>
      %mul3A_1343 = arith.mulf %gather3A_1294, %mul3A_1335 : vector<16xf32>
      tpu.vector_store_idx %arg8[%iota3A, %broadcast_in_dim3A_1342], %mul3A_1343 : memref<32x384xf32, #tpu.memory_space<vmem>>[vector<16xi32>, vector<16xi32>], vector<16xf32>,
      %add3A_1344 = arith.constant 16 : i32
      %add3A_1345 = vector.broadcast %add3A_1344 : i32 to vector<16xi32>
      %add3A_1346 = arith.addi %iota3A, %add3A_1345 : vector<16xi32>
      %mul3A_1347 = arith.mulf %gather3A_1298, %mul3A_1335 : vector<16xf32>
      tpu.vector_store_idx %arg8[%add3A_1346, %broadcast_in_dim3A_1342], %mul3A_1347 : memref<32x384xf32, #tpu.memory_space<vmem>>[vector<16xi32>, vector<16xi32>], vector<16xf32>,
      %slice3A_1348 = vector.extract_strided_slice %and3A_1052 {offsets = [13], sizes = [1], strides = [1]} : vector<16xi32> to vector<1xi32>
      %squeeze3A_1349 = vector.extract %slice3A_1348[0] : i32 from vector<1xi32>
      %broadcast_in_dim3A_1350 = vector.broadcast %squeeze3A_1349 : i32 to vector<16xi32>
      %broadcast_in_dim3A_1351 = arith.constant 5 : i32
      %broadcast_in_dim3A_1352 = vector.broadcast %broadcast_in_dim3A_1351 : i32 to vector<16xi32>
      %gather3A_1353 = tpu.vector_load_idx %arg7[%broadcast_in_dim3A_1352, %iota3A, %broadcast_in_dim3A_1350] : memref<8x32x128xf32, #tpu.memory_space<vmem>>[vector<16xi32>, vector<16xi32>, vector<16xi32>], vector<16xf32>,
      %add3A_1354 = arith.constant 16 : i32
      %add3A_1355 = vector.broadcast %add3A_1354 : i32 to vector<16xi32>
      %add3A_1356 = arith.addi %iota3A, %add3A_1355 : vector<16xi32>
      %gather3A_1357 = tpu.vector_load_idx %arg7[%broadcast_in_dim3A_1352, %add3A_1356, %broadcast_in_dim3A_1350] : memref<8x32x128xf32, #tpu.memory_space<vmem>>[vector<16xi32>, vector<16xi32>, vector<16xi32>], vector<16xf32>,
      %mul3A_1358 = arith.mulf %gather3A_1353, %gather3A_1353 : vector<16xf32>
      %mul3A_1359 = arith.mulf %gather3A_1357, %gather3A_1357 : vector<16xf32>
      %add3A_1360 = arith.addf %mul3A_1358, %mul3A_1359 : vector<16xf32>
      %reduce_sum3A_1361 = arith.constant true
      %reduce_sum3A_1362 = vector.broadcast %reduce_sum3A_1361 : i1 to vector<16xi1>
      %reduce_sum3A_1363 = tpu.scan <sum>, %add3A_1360 masked %reduce_sum3A_1362 : vector<16xf32>, vector<16xi1> -> vector<16xf32>
      %reduce_sum3A_1364 = vector.extract %reduce_sum3A_1363[15] : f32 from vector<16xf32>
      %broadcast_in_dim3A_1365 = vector.broadcast %reduce_sum3A_1364 : f32 to vector<16xf32>
      %bitcast_convert_type3A_1366 = tpu.bitcast %broadcast_in_dim3A_1365 : vector<16xf32> -> vector<16xi32>
      %shift_right_logical3A_1367 = arith.constant 1 : i32
      %shift_right_logical3A_1368 = vector.broadcast %shift_right_logical3A_1367 : i32 to vector<16xi32>
      %shift_right_logical3A_1369 = arith.shrui %bitcast_convert_type3A_1366, %shift_right_logical3A_1368 : vector<16xi32>
      %sub3A_1370 = arith.constant 1597463007 : i32
      %sub3A_1371 = vector.broadcast %sub3A_1370 : i32 to vector<16xi32>
      %sub3A_1372 = arith.subi %sub3A_1371, %shift_right_logical3A_1369 : vector<16xi32>
      %bitcast_convert_type3A_1373 = tpu.bitcast %sub3A_1372 : vector<16xi32> -> vector<16xf32>
      %mul3A_1374 = arith.constant 5.000000e-01 : f32
      %mul3A_1375 = vector.broadcast %mul3A_1374 : f32 to vector<16xf32>
      %mul3A_1376 = arith.mulf %broadcast_in_dim3A_1365, %mul3A_1375 : vector<16xf32>
      %mul3A_1377 = arith.mulf %mul3A_1376, %bitcast_convert_type3A_1373 : vector<16xf32>
      %mul3A_1378 = arith.mulf %mul3A_1377, %bitcast_convert_type3A_1373 : vector<16xf32>
      %sub3A_1379 = arith.constant 1.500000e+00 : f32
      %sub3A_1380 = vector.broadcast %sub3A_1379 : f32 to vector<16xf32>
      %sub3A_1381 = arith.subf %sub3A_1380, %mul3A_1378 : vector<16xf32>
      %mul3A_1382 = arith.mulf %bitcast_convert_type3A_1373, %sub3A_1381 : vector<16xf32>
      %mul3A_1383 = arith.mulf %mul3A_1376, %mul3A_1382 : vector<16xf32>
      %mul3A_1384 = arith.mulf %mul3A_1383, %mul3A_1382 : vector<16xf32>
      %sub3A_1385 = arith.constant 1.500000e+00 : f32
      %sub3A_1386 = vector.broadcast %sub3A_1385 : f32 to vector<16xf32>
      %sub3A_1387 = arith.subf %sub3A_1386, %mul3A_1384 : vector<16xf32>
      %mul3A_1388 = arith.mulf %mul3A_1382, %sub3A_1387 : vector<16xf32>
      %mul3A_1389 = arith.mulf %mul3A_1376, %mul3A_1388 : vector<16xf32>
      %mul3A_1390 = arith.mulf %mul3A_1389, %mul3A_1388 : vector<16xf32>
      %sub3A_1391 = arith.constant 1.500000e+00 : f32
      %sub3A_1392 = vector.broadcast %sub3A_1391 : f32 to vector<16xf32>
      %sub3A_1393 = arith.subf %sub3A_1392, %mul3A_1390 : vector<16xf32>
      %mul3A_1394 = arith.mulf %mul3A_1388, %sub3A_1393 : vector<16xf32>
      %mul3A_1395 = arith.constant 16 : i32
      %mul3A_1396 = arith.muli %add3A_167, %mul3A_1395 : i32
      %add3A_1397 = arith.constant 8 : i32
      %add3A_1398 = arith.addi %mul3A_1396, %add3A_1397 : i32
      %add3A_1399 = arith.constant 5 : i32
      %add3A_1400 = arith.addi %add3A_1398, %add3A_1399 : i32
      %broadcast_in_dim3A_1401 = vector.broadcast %add3A_1400 : i32 to vector<16xi32>
      %mul3A_1402 = arith.mulf %gather3A_1353, %mul3A_1394 : vector<16xf32>
      tpu.vector_store_idx %arg8[%iota3A, %broadcast_in_dim3A_1401], %mul3A_1402 : memref<32x384xf32, #tpu.memory_space<vmem>>[vector<16xi32>, vector<16xi32>], vector<16xf32>,
      %add3A_1403 = arith.constant 16 : i32
      %add3A_1404 = vector.broadcast %add3A_1403 : i32 to vector<16xi32>
      %add3A_1405 = arith.addi %iota3A, %add3A_1404 : vector<16xi32>
      %mul3A_1406 = arith.mulf %gather3A_1357, %mul3A_1394 : vector<16xf32>
      tpu.vector_store_idx %arg8[%add3A_1405, %broadcast_in_dim3A_1401], %mul3A_1406 : memref<32x384xf32, #tpu.memory_space<vmem>>[vector<16xi32>, vector<16xi32>], vector<16xf32>,
      %slice3A_1407 = vector.extract_strided_slice %and3A_1052 {offsets = [14], sizes = [1], strides = [1]} : vector<16xi32> to vector<1xi32>
      %squeeze3A_1408 = vector.extract %slice3A_1407[0] : i32 from vector<1xi32>
      %broadcast_in_dim3A_1409 = vector.broadcast %squeeze3A_1408 : i32 to vector<16xi32>
      %broadcast_in_dim3A_1410 = arith.constant 6 : i32
      %broadcast_in_dim3A_1411 = vector.broadcast %broadcast_in_dim3A_1410 : i32 to vector<16xi32>
      %gather3A_1412 = tpu.vector_load_idx %arg7[%broadcast_in_dim3A_1411, %iota3A, %broadcast_in_dim3A_1409] : memref<8x32x128xf32, #tpu.memory_space<vmem>>[vector<16xi32>, vector<16xi32>, vector<16xi32>], vector<16xf32>,
      %add3A_1413 = arith.constant 16 : i32
      %add3A_1414 = vector.broadcast %add3A_1413 : i32 to vector<16xi32>
      %add3A_1415 = arith.addi %iota3A, %add3A_1414 : vector<16xi32>
      %gather3A_1416 = tpu.vector_load_idx %arg7[%broadcast_in_dim3A_1411, %add3A_1415, %broadcast_in_dim3A_1409] : memref<8x32x128xf32, #tpu.memory_space<vmem>>[vector<16xi32>, vector<16xi32>, vector<16xi32>], vector<16xf32>,
      %mul3A_1417 = arith.mulf %gather3A_1412, %gather3A_1412 : vector<16xf32>
      %mul3A_1418 = arith.mulf %gather3A_1416, %gather3A_1416 : vector<16xf32>
      %add3A_1419 = arith.addf %mul3A_1417, %mul3A_1418 : vector<16xf32>
      %reduce_sum3A_1420 = arith.constant true
      %reduce_sum3A_1421 = vector.broadcast %reduce_sum3A_1420 : i1 to vector<16xi1>
      %reduce_sum3A_1422 = tpu.scan <sum>, %add3A_1419 masked %reduce_sum3A_1421 : vector<16xf32>, vector<16xi1> -> vector<16xf32>
      %reduce_sum3A_1423 = vector.extract %reduce_sum3A_1422[15] : f32 from vector<16xf32>
      %broadcast_in_dim3A_1424 = vector.broadcast %reduce_sum3A_1423 : f32 to vector<16xf32>
      %bitcast_convert_type3A_1425 = tpu.bitcast %broadcast_in_dim3A_1424 : vector<16xf32> -> vector<16xi32>
      %shift_right_logical3A_1426 = arith.constant 1 : i32
      %shift_right_logical3A_1427 = vector.broadcast %shift_right_logical3A_1426 : i32 to vector<16xi32>
      %shift_right_logical3A_1428 = arith.shrui %bitcast_convert_type3A_1425, %shift_right_logical3A_1427 : vector<16xi32>
      %sub3A_1429 = arith.constant 1597463007 : i32
      %sub3A_1430 = vector.broadcast %sub3A_1429 : i32 to vector<16xi32>
      %sub3A_1431 = arith.subi %sub3A_1430, %shift_right_logical3A_1428 : vector<16xi32>
      %bitcast_convert_type3A_1432 = tpu.bitcast %sub3A_1431 : vector<16xi32> -> vector<16xf32>
      %mul3A_1433 = arith.constant 5.000000e-01 : f32
      %mul3A_1434 = vector.broadcast %mul3A_1433 : f32 to vector<16xf32>
      %mul3A_1435 = arith.mulf %broadcast_in_dim3A_1424, %mul3A_1434 : vector<16xf32>
      %mul3A_1436 = arith.mulf %mul3A_1435, %bitcast_convert_type3A_1432 : vector<16xf32>
      %mul3A_1437 = arith.mulf %mul3A_1436, %bitcast_convert_type3A_1432 : vector<16xf32>
      %sub3A_1438 = arith.constant 1.500000e+00 : f32
      %sub3A_1439 = vector.broadcast %sub3A_1438 : f32 to vector<16xf32>
      %sub3A_1440 = arith.subf %sub3A_1439, %mul3A_1437 : vector<16xf32>
      %mul3A_1441 = arith.mulf %bitcast_convert_type3A_1432, %sub3A_1440 : vector<16xf32>
      %mul3A_1442 = arith.mulf %mul3A_1435, %mul3A_1441 : vector<16xf32>
      %mul3A_1443 = arith.mulf %mul3A_1442, %mul3A_1441 : vector<16xf32>
      %sub3A_1444 = arith.constant 1.500000e+00 : f32
      %sub3A_1445 = vector.broadcast %sub3A_1444 : f32 to vector<16xf32>
      %sub3A_1446 = arith.subf %sub3A_1445, %mul3A_1443 : vector<16xf32>
      %mul3A_1447 = arith.mulf %mul3A_1441, %sub3A_1446 : vector<16xf32>
      %mul3A_1448 = arith.mulf %mul3A_1435, %mul3A_1447 : vector<16xf32>
      %mul3A_1449 = arith.mulf %mul3A_1448, %mul3A_1447 : vector<16xf32>
      %sub3A_1450 = arith.constant 1.500000e+00 : f32
      %sub3A_1451 = vector.broadcast %sub3A_1450 : f32 to vector<16xf32>
      %sub3A_1452 = arith.subf %sub3A_1451, %mul3A_1449 : vector<16xf32>
      %mul3A_1453 = arith.mulf %mul3A_1447, %sub3A_1452 : vector<16xf32>
      %mul3A_1454 = arith.constant 16 : i32
      %mul3A_1455 = arith.muli %add3A_167, %mul3A_1454 : i32
      %add3A_1456 = arith.constant 8 : i32
      %add3A_1457 = arith.addi %mul3A_1455, %add3A_1456 : i32
      %add3A_1458 = arith.constant 6 : i32
      %add3A_1459 = arith.addi %add3A_1457, %add3A_1458 : i32
      %broadcast_in_dim3A_1460 = vector.broadcast %add3A_1459 : i32 to vector<16xi32>
      %mul3A_1461 = arith.mulf %gather3A_1412, %mul3A_1453 : vector<16xf32>
      tpu.vector_store_idx %arg8[%iota3A, %broadcast_in_dim3A_1460], %mul3A_1461 : memref<32x384xf32, #tpu.memory_space<vmem>>[vector<16xi32>, vector<16xi32>], vector<16xf32>,
      %add3A_1462 = arith.constant 16 : i32
      %add3A_1463 = vector.broadcast %add3A_1462 : i32 to vector<16xi32>
      %add3A_1464 = arith.addi %iota3A, %add3A_1463 : vector<16xi32>
      %mul3A_1465 = arith.mulf %gather3A_1416, %mul3A_1453 : vector<16xf32>
      tpu.vector_store_idx %arg8[%add3A_1464, %broadcast_in_dim3A_1460], %mul3A_1465 : memref<32x384xf32, #tpu.memory_space<vmem>>[vector<16xi32>, vector<16xi32>], vector<16xf32>,
      %slice3A_1466 = vector.extract_strided_slice %and3A_1052 {offsets = [15], sizes = [1], strides = [1]} : vector<16xi32> to vector<1xi32>
      %squeeze3A_1467 = vector.extract %slice3A_1466[0] : i32 from vector<1xi32>
      %broadcast_in_dim3A_1468 = vector.broadcast %squeeze3A_1467 : i32 to vector<16xi32>
      %broadcast_in_dim3A_1469 = arith.constant 7 : i32
      %broadcast_in_dim3A_1470 = vector.broadcast %broadcast_in_dim3A_1469 : i32 to vector<16xi32>
      %gather3A_1471 = tpu.vector_load_idx %arg7[%broadcast_in_dim3A_1470, %iota3A, %broadcast_in_dim3A_1468] : memref<8x32x128xf32, #tpu.memory_space<vmem>>[vector<16xi32>, vector<16xi32>, vector<16xi32>], vector<16xf32>,
      %add3A_1472 = arith.constant 16 : i32
      %add3A_1473 = vector.broadcast %add3A_1472 : i32 to vector<16xi32>
      %add3A_1474 = arith.addi %iota3A, %add3A_1473 : vector<16xi32>
      %gather3A_1475 = tpu.vector_load_idx %arg7[%broadcast_in_dim3A_1470, %add3A_1474, %broadcast_in_dim3A_1468] : memref<8x32x128xf32, #tpu.memory_space<vmem>>[vector<16xi32>, vector<16xi32>, vector<16xi32>], vector<16xf32>,
      %mul3A_1476 = arith.mulf %gather3A_1471, %gather3A_1471 : vector<16xf32>
      %mul3A_1477 = arith.mulf %gather3A_1475, %gather3A_1475 : vector<16xf32>
      %add3A_1478 = arith.addf %mul3A_1476, %mul3A_1477 : vector<16xf32>
      %reduce_sum3A_1479 = arith.constant true
      %reduce_sum3A_1480 = vector.broadcast %reduce_sum3A_1479 : i1 to vector<16xi1>
      %reduce_sum3A_1481 = tpu.scan <sum>, %add3A_1478 masked %reduce_sum3A_1480 : vector<16xf32>, vector<16xi1> -> vector<16xf32>
      %reduce_sum3A_1482 = vector.extract %reduce_sum3A_1481[15] : f32 from vector<16xf32>
      %broadcast_in_dim3A_1483 = vector.broadcast %reduce_sum3A_1482 : f32 to vector<16xf32>
      %bitcast_convert_type3A_1484 = tpu.bitcast %broadcast_in_dim3A_1483 : vector<16xf32> -> vector<16xi32>
      %shift_right_logical3A_1485 = arith.constant 1 : i32
      %shift_right_logical3A_1486 = vector.broadcast %shift_right_logical3A_1485 : i32 to vector<16xi32>
      %shift_right_logical3A_1487 = arith.shrui %bitcast_convert_type3A_1484, %shift_right_logical3A_1486 : vector<16xi32>
      %sub3A_1488 = arith.constant 1597463007 : i32
      %sub3A_1489 = vector.broadcast %sub3A_1488 : i32 to vector<16xi32>
      %sub3A_1490 = arith.subi %sub3A_1489, %shift_right_logical3A_1487 : vector<16xi32>
      %bitcast_convert_type3A_1491 = tpu.bitcast %sub3A_1490 : vector<16xi32> -> vector<16xf32>
      %mul3A_1492 = arith.constant 5.000000e-01 : f32
      %mul3A_1493 = vector.broadcast %mul3A_1492 : f32 to vector<16xf32>
      %mul3A_1494 = arith.mulf %broadcast_in_dim3A_1483, %mul3A_1493 : vector<16xf32>
      %mul3A_1495 = arith.mulf %mul3A_1494, %bitcast_convert_type3A_1491 : vector<16xf32>
      %mul3A_1496 = arith.mulf %mul3A_1495, %bitcast_convert_type3A_1491 : vector<16xf32>
      %sub3A_1497 = arith.constant 1.500000e+00 : f32
      %sub3A_1498 = vector.broadcast %sub3A_1497 : f32 to vector<16xf32>
      %sub3A_1499 = arith.subf %sub3A_1498, %mul3A_1496 : vector<16xf32>
      %mul3A_1500 = arith.mulf %bitcast_convert_type3A_1491, %sub3A_1499 : vector<16xf32>
      %mul3A_1501 = arith.mulf %mul3A_1494, %mul3A_1500 : vector<16xf32>
      %mul3A_1502 = arith.mulf %mul3A_1501, %mul3A_1500 : vector<16xf32>
      %sub3A_1503 = arith.constant 1.500000e+00 : f32
      %sub3A_1504 = vector.broadcast %sub3A_1503 : f32 to vector<16xf32>
      %sub3A_1505 = arith.subf %sub3A_1504, %mul3A_1502 : vector<16xf32>
      %mul3A_1506 = arith.mulf %mul3A_1500, %sub3A_1505 : vector<16xf32>
      %mul3A_1507 = arith.mulf %mul3A_1494, %mul3A_1506 : vector<16xf32>
      %mul3A_1508 = arith.mulf %mul3A_1507, %mul3A_1506 : vector<16xf32>
      %sub3A_1509 = arith.constant 1.500000e+00 : f32
      %sub3A_1510 = vector.broadcast %sub3A_1509 : f32 to vector<16xf32>
      %sub3A_1511 = arith.subf %sub3A_1510, %mul3A_1508 : vector<16xf32>
      %mul3A_1512 = arith.mulf %mul3A_1506, %sub3A_1511 : vector<16xf32>
      %mul3A_1513 = arith.constant 16 : i32
      %mul3A_1514 = arith.muli %add3A_167, %mul3A_1513 : i32
      %add3A_1515 = arith.constant 8 : i32
      %add3A_1516 = arith.addi %mul3A_1514, %add3A_1515 : i32
      %add3A_1517 = arith.constant 7 : i32
      %add3A_1518 = arith.addi %add3A_1516, %add3A_1517 : i32
      %broadcast_in_dim3A_1519 = vector.broadcast %add3A_1518 : i32 to vector<16xi32>
      %mul3A_1520 = arith.mulf %gather3A_1471, %mul3A_1512 : vector<16xf32>
      tpu.vector_store_idx %arg8[%iota3A, %broadcast_in_dim3A_1519], %mul3A_1520 : memref<32x384xf32, #tpu.memory_space<vmem>>[vector<16xi32>, vector<16xi32>], vector<16xf32>,
      %add3A_1521 = arith.constant 16 : i32
      %add3A_1522 = vector.broadcast %add3A_1521 : i32 to vector<16xi32>
      %add3A_1523 = arith.addi %iota3A, %add3A_1522 : vector<16xi32>
      %mul3A_1524 = arith.mulf %gather3A_1475, %mul3A_1512 : vector<16xf32>
      tpu.vector_store_idx %arg8[%add3A_1523, %broadcast_in_dim3A_1519], %mul3A_1524 : memref<32x384xf32, #tpu.memory_space<vmem>>[vector<16xi32>, vector<16xi32>], vector<16xf32>,
    }
    %scan3A_162 = arith.constant 24 : i32
    "tpu.region"() ({
      %run_scoped3A = tpu.sem_alloc : memref<!tpu.dma_semaphore, #tpu.memory_space<semaphore_mem>>
      %dma_start3A_163 = arith.constant 0 : i32
      %dma_start3A_164 = tpu.memref_slice %arg4[%dma_start3A_163, %mul3A_2] : memref<32x12288xf32, #tpu.memory_space<hbm>> -> memref<32x384xf32, #tpu.memory_space<hbm>>
      %dma_start3A_165 = arith.constant 0 : i32
      %dma_start3A_166 = tpu.memref_slice %arg4[%dma_start3A_165, %mul3A_2] : memref<32x12288xf32, #tpu.memory_space<hbm>> -> memref<32x384xf32, #tpu.memory_space<hbm>>
      tpu.enqueue_dma source(%arg8 : memref<32x384xf32, #tpu.memory_space<vmem>>) target(%dma_start3A_166 : memref<32x384xf32, #tpu.memory_space<hbm>>) target_semaphore(%run_scoped3A : memref<!tpu.dma_semaphore, #tpu.memory_space<semaphore_mem>>)
      %dma_wait3A = arith.constant 0 : i32
      %dma_wait3A_167 = tpu.memref_slice %arg4[%dma_wait3A, %mul3A_2] : memref<32x12288xf32, #tpu.memory_space<hbm>> -> memref<32x384xf32, #tpu.memory_space<hbm>>
      %dma_wait3A_168 = arith.constant 0 : i32
      %dma_wait3A_169 = tpu.memref_slice %arg4[%dma_wait3A_168, %mul3A_2] : memref<32x12288xf32, #tpu.memory_space<hbm>> -> memref<32x384xf32, #tpu.memory_space<hbm>>
      tpu.wait_dma2 semaphore(%run_scoped3A : memref<!tpu.dma_semaphore, #tpu.memory_space<semaphore_mem>>) src(%arg8 : memref<32x384xf32, #tpu.memory_space<vmem>>) dst(%dma_wait3A_169 : memref<32x384xf32, #tpu.memory_space<hbm>>)
      tpu.yield
    }) : () -> ()
    return
  }
}

</mosaic_0001>

<sc_bundles>
// kernel: _embed_norm_t.3.cloned.1.call-start
scs
__scs_entry_jumppad:
0x0: {  	(pc) =	sbr.rel $0x88, $3  }
0x1: {  	(tag) =	ssettag $0x0;
	lr =	simm.s32 $0x1  }
0x2: {  	[smem:$0x3F9F] =	sst lr;
	_ =	strace $0xD0000000  }
0x3: {  	_ = 	snop  }
0x4: {  	_ = 	snop  }
0x5: {  	_ = 	snop  }
0x6: {  	_ = 	snop  }
0x7: {  	_ = 	snop  }
__scs_overlays_trampoline_lowered:
0x8: {  	[smem:$0x3FAE] =	sst s0  }
0x9: {  	[smem:$0x3FAF] =	sst s1  }
0xa: {  	[smem:$0x3FB0] =	sst s2  }
0xb: {  	[smem:$0x3FB1] =	sst s3  }
0xc: {  	[smem:$0x3FB2] =	sst s4  }
0xd: {  	[smem:$0x3FB3] =	sst s5  }
0xe: {  	[smem:$0x3FB4] =	sst s6  }
0xf: {  	[smem:$0x3FB5] =	sst s7  }
0x10: {  	[smem:$0x3FB6] =	sst s8  }
0x11: {  	[smem:$0x3FB7] =	sst s9;
	s0 =	simm.s32 @!p0 $0x0  }
0x12: {  	s1 =	sld [smem:$0x3F9D];
	s0 =	simm.s32 @p0 $0x1  }
0x13: {  	[smem:$0x3FB8] =	sst s0;
	s0 =	simm.s32 @!p1 $0x0  }
0x14: {  	s2 =	sld [smem:$0x3F9C];
	s0 =	simm.s32 @p1 $0x1  }
0x15: {  	[smem:$0x3FB9] =	sst s0;
	s0 =	simm.s32 @!p2 $0x0  }
0x16: {  	s3 =	sld [smem:$0x3FDB];
	s0 =	simm.s32 @p2 $0x1  }
0x17: {  	s4 =	simm.s32 $0x1BF5;
	[smem:$0x3FBB] =	sst s0  }
0x18: {  	s0 =	sld [smem:$0x3F9E];
	_ =	swait.ge [sflag:s4], $0x0  }
0x19: {  	s7 =	sld [smem:$0x3F9F]  }
0x1a: {  	s8 =	sadd.s32 $0xFFFFE003, lr  }
0x1b: {  	s9 =	sadd.s32 $0xFFFFFEF7, lr;
	s5 =	simm.s32 $0xFFFFFFFF;
	p2 =	slt.u32 s8, $0xFFFFF086  }
0x1c: {  	p1 =	slt.u32 s9, $0xF7A;
	s5 =	simm.s32 @!p2 $0x0  }
0x1d: {  	s5 =	simm.s32 @p1 $0x1;
	p0 =	seq.s32 s7, s2  }
0x1e: {  	s7 =	smul.u32 @!p0 $0xF7A, s2;
	p2 =	seq.s32 @!p0 s5, $0x0  }
0x1f: {  	s9 =	smul.u32 $0xF7A, s1;
	s8 =	simm.s32 @!p0 $0x1BF5;
	p2 =	por !p2, p0  }
0x20: {  	[sflag:s8] =	ssyncset.s32 @!p0 $0xFFFFF086;
	s6 =	sadd.s32 @!p0 s3, s7;
	s7 =	simm.s32 @!p0 $0x108  }
0x21: {  	s3 =	sadd.s32 s3, s9;
	s6 =	sadd.s32 @!p0 $0x88, s6;
	s7 =	simm.s32 @p2 $0x1082  }
0x22: {  	[simem:s7], [sflag:s8] =	dma.local @!p0 [hbm:s6], $0xF7A  }
0x23: {  	s9 =	sor.u32 $0xD0000000, s2;
	s6 =	simm.s32 $0x108;
	_ =	swait.ge @!p0 [sflag:s8], $0x0  }
0x24: {  	s3 =	sadd.s32 $0x88, s3;
	s6 =	simm.s32 @!p1 $0x1082;
	[sflag:s4] =	ssyncset.s32 $0xFFFFF086  }
0x25: {  	[simem:s6], [sflag:s4] =	dma.local [hbm:s3], $0xF7A  }
0x26: {  	[smem:$0x3F9F] =	sst s1;
	(tag) =	ssettag s2;
	_ =	strace s9  }
0x27: {  	s1 =	sld [smem:$0x3FAF]  }
0x28: {  	s2 =	sld [smem:$0x3FB0]  }
0x29: {  	s4 =	sld [smem:$0x3FB2]  }
0x2a: {  	p0 =	seq.s32 s5, $0x0;
	s5 =	sld [smem:$0x3FB3]  }
0x2b: {  	s6 =	sld [smem:$0x3FB4]  }
0x2c: {  	s7 =	sld [smem:$0x3FB5]  }
0x2d: {  	s3 =	simm.s32 $0x108;
	s8 =	sld [smem:$0x3FB6]  }
0x2e: {  	s3 =	simm.s32 @!p0 $0x1082;
	s9 =	sld [smem:$0x3FB7]  }
0x2f: {  	lr =	sadd.s32 s0, s3;
	s0 =	sld [smem:$0x3FAE]  }
0x30: {  	s3 =	sld [smem:$0x3FB1]  }
0x31: {  	[smem:$0x3FBA] =	sst s10  }
0x32: {  	s10 =	sld [smem:$0x3FB8];
	_ =	sdelay $0x3  }
0x33: {  	p0 =	seq.s32 s10, $0x1;
	s10 =	sld [smem:$0x3FBA];
	_ =	sdelay $0x3  }
0x34: {  	[smem:$0x3FBA] =	sst s10  }
0x35: {  	s10 =	sld [smem:$0x3FB9];
	_ =	sdelay $0x3  }
0x36: {  	p1 =	seq.s32 s10, $0x1;
	s10 =	sld [smem:$0x3FBA];
	_ =	sdelay $0x3  }
0x37: {  	[smem:$0x3FBA] =	sst s10  }
0x38: {  	s10 =	sld [smem:$0x3FBB]  }
0x39: {  	_ = 	snop;
	(pc) =	sbr.ind lr, $3  }
0x3a: {  	_ = 	snop  }
0x3b: {  	_ = 	snop  }
0x3c: {  	p2 =	seq.s32 s10, $0x1;
	s10 =	sld [smem:$0x3FBA]  }
0x3d: {  	_ =	shalt  }
0x3e: {  	_ =	shalt  }
0x3f: {  	_ =	shalt  }
0x40: {  	_ =	shalt  }
0x41: {  	_ =	shalt  }
0x42: {  	_ =	shalt  }
0x43: {  	_ =	shalt  }
0x44: {  	_ =	shalt  }
0x45: {  	_ =	shalt  }
0x46: {  	_ =	shalt  }
0x47: {  	_ =	shalt  }
0x48: {  	_ =	shalt  }
0x49: {  	_ =	shalt  }
0x4a: {  	_ =	shalt  }
0x4b: {  	_ =	shalt  }
0x4c: {  	_ =	shalt  }
0x4d: {  	_ =	shalt  }
0x4e: {  	_ =	shalt  }
0x4f: {  	_ =	shalt  }
0x50: {  	_ =	shalt  }
0x51: {  	_ =	shalt  }
0x52: {  	_ =	shalt  }
0x53: {  	_ =	shalt  }
0x54: {  	_ =	shalt  }
0x55: {  	_ =	shalt  }
0x56: {  	_ =	shalt  }
0x57: {  	_ =	shalt  }
0x58: {  	_ =	shalt  }
0x59: {  	_ =	shalt  }
0x5a: {  	_ =	shalt  }
0x5b: {  	_ =	shalt  }
0x5c: {  	_ =	shalt  }
0x5d: {  	_ =	shalt  }
0x5e: {  	_ =	shalt  }
0x5f: {  	_ =	shalt  }
0x60: {  	_ =	shalt  }
0x61: {  	_ =	shalt  }
0x62: {  	_ =	shalt  }
0x63: {  	_ =	shalt  }
0x64: {  	_ =	shalt  }
0x65: {  	_ =	shalt  }
0x66: {  	_ =	shalt  }
0x67: {  	_ =	shalt  }
0x68: {  	_ =	shalt  }
0x69: {  	_ =	shalt  }
0x6a: {  	_ =	shalt  }
0x6b: {  	_ =	shalt  }
0x6c: {  	_ =	shalt  }
0x6d: {  	_ =	shalt  }
0x6e: {  	_ =	shalt  }
0x6f: {  	_ =	shalt  }
0x70: {  	_ =	shalt  }
0x71: {  	_ =	shalt  }
0x72: {  	_ =	shalt  }
0x73: {  	_ =	shalt  }
0x74: {  	_ =	shalt  }
0x75: {  	_ =	shalt  }
0x76: {  	_ =	shalt  }
0x77: {  	_ =	shalt  }
0x78: {  	_ =	shalt  }
0x79: {  	_ =	shalt  }
0x7a: {  	_ =	shalt  }
0x7b: {  	_ =	shalt  }
0x7c: {  	_ =	shalt  }
0x7d: {  	_ =	shalt  }
0x7e: {  	_ =	shalt  }
0x7f: {  	_ =	shalt  }
0x80: {  	_ =	shalt  }
0x81: {  	_ =	shalt  }
0x82: {  	_ =	shalt  }
0x83: {  	_ =	shalt  }
0x84: {  	_ =	shalt  }
0x85: {  	_ =	shalt  }
0x86: {  	_ =	shalt  }
0x87: {  	_ =	shalt  }
.Lfunc_end0:
.L_simem_size_0:
called_computation_lowered:
.L_overlay_start_0:
0x88: {  	s2 =	sld [smem:$0x3FD9]  }
0x89: {  	s3 =	sld [smem:$0x3FFE];
	_ =	sdelay $0x1  }
0x8a: {  	s1 =	srdreg.scid  }
0x8b: {  	s0 =	sand.u32 $0x1, s1  }
0x8c: {  	s18 =	sshll.u32 s0, $0xA;
	s2 =	sadd.s32 s3, s2  }
0x8d: {  	s2 =	sadd.s32 s2, s18  }
0x8e: {  	[smem:$0x3FC6] =	sst s2  }
0x8f: {  	_ = 	snop  }
0x90: {  	s2 =	sld [smem:$0x3FC9]  }
0x91: {  	s19 =	sld [smem:$0x3FC8]  }
0x92: {  	s4 =	sld [smem:$0x3FD0];
	(tm) =	ssettm $0x1  }
0x93: {  	s5 =	sld [smem:$0x3FFB];
	_ =	sdelay $0x3  }
0x94: {  	_ =	strace s5  }
0x95: {  	s5 =	sld [smem:$0x3FFC];
	_ =	sdelay $0x3  }
0x96: {  	_ =	strace s5  }
0x97: {  	s5 =	sld [smem:$0x3FFD];
	_ =	sdelay $0x3  }
0x98: {  	_ =	strace s5  }
0x99: {  	_ =	strace $0x8FFFFFFF  }
0x9a: {  	s20 =	sld [smem:$0x3FDB];
	_ =	sdelay $0x1  }
0x9b: {  	s6 =	simm.s32 $_scs_section_size  }
0x9c: {  	s7 =	simm.s32 $_size__tile_overlayer_lowered;
	s8 =	simm.s32 $_tile_overlayer_lowered  }
0x9d: {  	s23 =	simm.s32 $0x1BFF;
	s22 =	sshll.u32 s8, $0x1;
	s5 =	sadd.s32 s6, s20  }
0x9e: {  	s9 =	simm.s32 $0x0;
	s21 =	sshll.u32 s7, $0x1;
	s7 =	sadd.s32 s22, s5  }
0x9f: {  	[timem:s9], [sflag:s23] =	dma.local [hbm:s7], s21  }
0xa0: {  	_ =	swait.ge [sflag:s23], s21  }
0xa1: {  	s6 =	ssub.s32 $0x0, s21;
	[sflag:s23] =	ssyncset.done $0x0  }
0xa2: {  	[sflag:s23] =	ssyncadd.s32 s6;
	_ =	sdelay $0x1  }
0xa3: {  	s24 =	simm.s32 $0x1B8B  }
0xa4: {  	_ =	swait.ge [sflag:s24], $0x1  }
0xa5: {  	[sflag:s24] =	ssyncset.done $0x0  }
0xa6: {  	s25 =	simm.s32 $0x1B8E;
	[sflag:s24] =	ssyncadd.s32 $0xFFFFFFFF  }
0xa7: {  	s26 =	simm.s32 $execute0_lowered;
	[smem:$0x3FD2] =	sst s25  }
0xa8: {  	s6 =	sshll.u32 s26, $0x1;
	_ =	strace $0x80000046;
	[dreg:$0x1] =	wrdreg $0xFFFFFFFF  }
0xa9: {  	s28 =	simm.s32 $_size_execute0_lowered;
	s5 =	sadd.s32 s5, s6;
	[dreg:$0x0] =	wrdreg $0x0  }
0xaa: {  	s6 =	sshll.u32 s28, $0x1;
	[dreg:$0x2] =	wrdreg s5  }
0xab: {  	[dreg:$0x3] =	wrdreg s6  }
0xac: {  	[dreg:$0x4] =	wrdreg $0xC0  }
0xad: {  	_ =	task [dreg:s9], $0x5FFFF  }
0xae: {  	[dreg:$0x1] =	wrdreg $0xFFFFFFFF  }
0xaf: {  	[dreg:$0x0] =	wrdreg $0x60  }
0xb0: {  	[dreg:$0x2] =	wrdreg s2  }
0xb1: {  	[dreg:$0x3] =	wrdreg s19  }
0xb2: {  	[dreg:$0x4] =	wrdreg s4  }
0xb3: {  	[dreg:$0x5] =	wrdreg $0x9  }
0xb4: {  	_ =	task.clear_ibuf [dreg:s9], $0x6FFFF;
	_ =	strace $0x90000046  }
0xb5: {  	s29 =	simm.s32 $0x9;
	_ =	strace $0x80000048  }
0xb6: {  	_ =	swait.ge [sflag:s29], $0x1  }
0xb7: {  	[sflag:s29] =	ssyncadd.s32 $0xFFFFFFFF  }
0xb8: {  	_ =	strace $0x90000048  }
0xb9: {  	_ =	sfence  }
0xba: {  	s30 =	sld [smem:$0x0];
	_ =	sdelay $0x2  }
0xbb: {  	s31 =	sshll.u32 s1, $0xD;
	s1 =	sshrl.u32 s1, $0x2  }
0xbc: {  	s3 =	sand.u32 $0x4000, s31;
	s1 =	sadd.s32 s1, s30  }
0xbd: {  	s0 =	sor.u32 s3, s0;
	s1 =	sshll.u32 s1, $0x11  }
0xbe: {  	s0 =	sor.u32 s1, s0  }
0xbf: {  	s0 =	sadd.s32 $0x8F2B, s0  }
0xc0: {  	[sflag:s0] =	ssyncadd.remote.s32 $0x1  }
0xc1: {  	_ =	sfence.sel $0xFFFF  }
0xc2: {  	[dreg:$0x0] =	wrdreg $0xFFFFFFFF;
	(pc) =	sbr.abs _section_cstart, $3  }
0xc3: {  	[dreg:$0x1] =	wrdreg $0xFFFFFFFF  }
0xc4: {  	_ =	task.clear_ibuf [dreg:s9], $0x2FFFF;
	_ =	strace $0x9FFFFFFF  }
0xc5: {  	(tm) =	ssettm $0x7FFFFFFF  }
tec
execute0_lowered:
.L_overlay_start_1:
0x0: {  	(tag) =	ssettag $0x1  }
0x1: {  	v0 =	vlaneseq.u32  }
0x2: {  	v1 =	vimm.s32 $0xF80;
	vm0 =	vcmask $0x300;
	vm1 =	vcmask $0x704  }
0x3: {  	v2 =	vimm.s32 $0x2780;
	vm2 =	vcmask $0xB08;
	vm4 =	vcmask $0xF0C  }
0x4: {  	vm5 =	vcmask $0x1310;
	vm6 =	vcmask $0x1714;
	vm7 =	vcmask $0x1B18  }
0x5: {  	s4 =	rddreg [dreg:$0x0];
	s2 =	srdreg.scid;
	vm8 =	vcmask $0x1F1C;
	vm9 =	vcmask $0x2320;
	vm10 =	vcmask $0x2724  }
0x6: {  	s0 =	stileid.u32;
	s1 =	rddreg [dreg:$0x1];
	vm11 =	vcmask $0x2B28;
	vm12 =	vcmask $0x2F2C;
	vm13 =	vcmask $0x3330  }
0x7: {  	s6 =	rddreg [dreg:$0x2];
	s3 =	simm.s32 $0x0;
	s10 =	simm.s32 $0x180;
	vm14 =	vcmask $0x3734;
	v1 =	vsel vm0, $0x0, v1;
	v2 =	vsel vm0, $0x1800, v2  }
0x8: {  	s12 =	simm.s32 $0x9180;
	s11 =	simm.s32 $0x1180;
	s13 =	simm.s32 $0xA180;
	v0 =	vmul.u32 $0x80, v0;
	v1 =	vsel vm1, $0x80, v1;
	v2 =	vsel vm1, $0x1880, v2  }
0x9: {  	s14 =	simm.s32 $0xB180;
	s15 =	simm.s32 $0xC180;
	vm15 =	vcmask $0x3B38;
	s16 =	simm.s32 $0xD180;
	v1 =	vsel vm2, $0x100, v1;
	v2 =	vsel vm2, $0x1900, v2  }
0xa: {  	s17 =	simm.s32 $0xE180;
	s19 =	simm.s32 $0xF180;
	s18 =	simm.s32 $0x8180;
	v5 =	vor.u32 $0x1800, v0;
	v6 =	vor.u32 $0x2000, v0;
	v1 =	vsel vm4, $0x180, v1  }
0xb: {  	s20 =	simm.s32 $0x10180;
	s5 =	sand.u32 $0x1, s2;
	s2 =	rddreg [dreg:$0x3];
	v7 =	vor.u32 $0x2800, v0;
	v2 =	vsel vm4, $0x1980, v2;
	v1 =	vsel vm5, $0x200, v1  }
0xc: {  	s21 =	simm.s32 $0x2;
	s22 =	simm.s32 $0xC00;
	[smem:$0x7FF] =	sst s3;
	v8 =	vor.u32 $0x3000, v0;
	v2 =	vsel vm5, $0x1A00, v2;
	v1 =	vsel vm6, $0x280, v1  }
0xd: {  	s23 =	simm.s32 $0x18000;
	_ =	strace $0x80000047;
	[dreg:$0x4] =	wrdreg s12;
	v9 =	vor.u32 $0x3800, v0;
	v2 =	vsel vm6, $0x1A80, v2;
	v1 =	vsel vm7, $0x300, v1  }
0xe: {  	s24 =	simm.s32 $0x0;
	s31 =	sshll.u32 s0, $0x1;
	[dreg:$0x5] =	wrdreg s13;
	v10 =	vor.u32 $0x4000, v0;
	v2 =	vsel vm7, $0x1B00, v2;
	v1 =	vsel vm8, $0x380, v1  }
0xf: {  	s7 =	sor.u32 s5, s31;
	s5 =	ssub.s32 $0x2, s5;
	[dreg:$0x6] =	wrdreg s14;
	v11 =	vor.u32 $0x4800, v0;
	v2 =	vsel vm8, $0x1B80, v2;
	v1 =	vsel vm9, $0xC00, v1  }
0x10: {  	s12 =	simm.s32 $0x2180;
	s13 =	simm.s32 $0x3180;
	[dreg:$0x7] =	wrdreg s15;
	v12 =	vor.u32 $0x5000, v0;
	v2 =	vsel vm9, $0x2400, v2;
	v1 =	vsel vm10, $0xC80, v1  }
0x11: {  	s14 =	simm.s32 $0x4180;
	s15 =	simm.s32 $0x5180;
	[dreg:$0x8] =	wrdreg s16;
	v13 =	vor.u32 $0x5800, v0;
	v2 =	vsel vm10, $0x2480, v2;
	v1 =	vsel vm11, $0xD00, v1  }
0x12: {  	s16 =	simm.s32 $0x6180;
	[dreg:$0x9] =	wrdreg s17;
	s8 =	smul.u32 $0x30, s7;
	v14 =	vor.u32 $0x6000, v0;
	v2 =	vsel vm11, $0x2500, v2;
	v1 =	vsel vm12, $0xD80, v1  }
0x13: {  	s17 =	simm.s32 $0x7180;
	s7 =	smul.u32 $0x180, s7;
	s9 =	sshrl.u32 s5, $0x1;
	v15 =	vor.u32 $0x6800, v0;
	v2 =	vsel vm12, $0x2580, v2;
	v1 =	vsel vm13, $0xE00, v1  }
0x14: {  	[dreg:$0xa] =	wrdreg s19;
	s19 =	simm.s32 $0x1;
	v16 =	vor.u32 $0x7000, v0;
	s9 =	ssub.s32 s5, s9;
	v4 =	vsel vm13, $0x2600, v2;
	v3 =	vsel vm14, $0xE80, v1  }
0x15: {  	v17 =	vor.u32 $0x7800, v0;
	s4 =	sadd.s32 s4, s8;
	s5 =	sadd.s32 s6, s7;
	s6 =	smax.u32 s9, $0x1;
	v2 =	vsel vm15, $0xF00, v3;
	v3 =	vsel vm14, $0x2680, v4  }
0x16: {  	s7 =	simm.s32 $0x3;
	s8 =	simm.s32 $0x7A1400;
	s9 =	simm.s32 $0x400;
	v1 =	vor.u32 $0x800, v0;
	v4 =	vor.u32 $0x1000, v0;
	v3 =	vsel vm15, $0x2700, v3  }
.LBB2_1:
0x17: {  	[tilespmem:s3], [sflag:$0x3] =	stream.linear.gather [hbm4b:s4+s3], $0x180, $0x38;
	[tilespmem:$0x13180] =	vst v63  }
0x18: {  	_ =	swait.ge [sflag:s7], $0x180  }
0x19: {  	[sflag:s7] =	ssyncset.done $0x0  }
0x1a: {  	[sflag:s7] =	ssyncadd.s32 $0xFFFFFE80  }
0x1b: {  	v18 =	vld [tilespmem:$0x0];
	_ =	sdelay $0x4  }
0x1c: {  	(v2sf) =	vpush v18, $0x0  }
0x1d: {  	(v2sf) =	vpush v18, $0x1;
	_ =	sdelay $0x1  }
0x1e: {  	(v2sf) =	vpush v18, $0x2;
	_ =	sdelay $0x4  }
0x1f: {  	(v2sf) =	vpush v18, $0x3  }
0x20: {  	(v2sf) =	vpush v18, $0x4;
	_ =	sdelay $0x5  }
0x21: {  	s25 =	spop (v2sf);
	(v2sf) =	vpush v18, $0x5  }
0x22: {  	s31 =	spop (v2sf);
	(v2sf) =	vpush v18, $0x6  }
0x23: {  	s25 =	sand.u32 $0xFFFFF80, s25  }
0x24: {  	s25 =	sadd.s32 s1, s25;
	s26 =	spop (v2sf)  }
0x25: {  	(v2sf) =	vpush v18, $0x7;
	[tilespmem:s10], [sflag:$0x1] =	stream.strided.gather [hbm4b:s25+s9], $0x1000, s8, s9, $0x38;
	[tilespmem:$0x13180] =	vst v63  }
0x26: {  	s25 =	sand.u32 $0xFFFFF80, s31  }
0x27: {  	s25 =	sadd.s32 s1, s25  }
0x28: {  	[tilespmem:s11], [sflag:$0x1] =	stream.strided.gather [hbm4b:s25+s9], $0x1000, s8, s9, $0x38;
	[tilespmem:$0x13180] =	vst v63  }
0x29: {  	s25 =	sand.u32 $0xFFFFF80, s26;
	s26 =	spop (v2sf)  }
0x2a: {  	s25 =	sadd.s32 s1, s25;
	s28 =	sand.u32 $0xFFFFF80, s26;
	s29 =	spop (v2sf)  }
0x2b: {  	[tilespmem:s12], [sflag:$0x1] =	stream.strided.gather [hbm4b:s25+s9], $0x1000, s8, s9, $0x38;
	[tilespmem:$0x13180] =	vst v63  }
0x2c: {  	s25 =	sadd.s32 s1, s28;
	s30 =	sand.u32 $0xFFFFF80, s29  }
0x2d: {  	[tilespmem:s13], [sflag:$0x1] =	stream.strided.gather [hbm4b:s25+s9], $0x1000, s8, s9, $0x38;
	[tilespmem:$0x13180] =	vst v63  }
0x2e: {  	s25 =	sadd.s32 s1, s30  }
0x2f: {  	[tilespmem:s14], [sflag:$0x1] =	stream.strided.gather [hbm4b:s25+s9], $0x1000, s8, s9, $0x38;
	[tilespmem:$0x13180] =	vst v63  }
0x30: {  	s31 =	spop (v2sf)  }
0x31: {  	s28 =	sand.u32 $0xFFFFF80, s31;
	s29 =	spop (v2sf)  }
0x32: {  	s25 =	sadd.s32 s1, s28;
	s30 =	sand.u32 $0xFFFFF80, s29  }
0x33: {  	[tilespmem:s15], [sflag:$0x1] =	stream.strided.gather [hbm4b:s25+s9], $0x1000, s8, s9, $0x38;
	[tilespmem:$0x13180] =	vst v63  }
0x34: {  	s31 =	spop (v2sf);
	s25 =	sadd.s32 s1, s30  }
0x35: {  	[tilespmem:s16], [sflag:$0x1] =	stream.strided.gather [hbm4b:s25+s9], $0x1000, s8, s9, $0x38;
	[tilespmem:$0x13180] =	vst v63  }
0x36: {  	s25 =	sand.u32 $0xFFFFF80, s31  }
0x37: {  	s25 =	sadd.s32 s1, s25  }
0x38: {  	[tilespmem:s17], [sflag:$0x1] =	stream.strided.gather [hbm4b:s25+s9], $0x1000, s8, s9, $0x38;
	[tilespmem:$0x13180] =	vst v63  }
0x39: {  	s26 =	simm.s32 $0x0;
	s25 =	simm.s32 $0xF  }
.LBB2_2:
0x3a: {  	v18 =	vld [tilespmem:s26+$0x0];
	_ =	sdelay $0x4  }
0x3b: {  	(v2sf) =	vpush v18, $0x8;
	_ =	sdelay $0x1  }
0x3c: {  	(v2sf) =	vpush v18, $0x9;
	_ =	sdelay $0x2  }
0x3d: {  	(v2sf) =	vpush v18, $0xA;
	_ =	sdelay $0x2  }
0x3e: {  	(v2sf) =	vpush v18, $0xB;
	_ =	sdelay $0x6  }
0x3f: {  	s28 =	spop (v2sf);
	(v2sf) =	vpush v18, $0xC;
	_ =	sdelay $0x1  }
0x40: {  	s28 =	sand.u32 $0xFFFFF80, s28;
	s31 =	spop (v2sf);
	(v2sf) =	vpush v18, $0xD  }
0x41: {  	s28 =	sadd.s32 s1, s28  }
0x42: {  	[tilespmem:s18], [sflag:$0x2] =	stream.strided.gather [hbm4b:s28+s9], $0x1000, s8, s9, $0x38;
	[tilespmem:$0x13180] =	vst v63  }
0x43: {  	s30 =	spop (v2sf);
	(v2sf) =	vpush v18, $0xE;
	s28 =	sand.u32 $0xFFFFF80, s31  }
0x44: {  	s29 =	rddreg [dreg:$0x4];
	s28 =	sadd.s32 s1, s28  }
0x45: {  	[tilespmem:s29], [sflag:$0x2] =	stream.strided.gather [hbm4b:s28+s9], $0x1000, s8, s9, $0x38;
	[tilespmem:$0x13180] =	vst v63  }
0x46: {  	s28 =	sand.u32 $0xFFFFF80, s30;
	s30 =	spop (v2sf);
	(v2sf) =	vpush v18, $0xF;
	_ =	sdelay $0x1  }
0x47: {  	s31 =	rddreg [dreg:$0x5];
	s28 =	sadd.s32 s1, s28  }
0x48: {  	[tilespmem:s31], [sflag:$0x2] =	stream.strided.gather [hbm4b:s28+s9], $0x1000, s8, s9, $0x38;
	[tilespmem:$0x13180] =	vst v63  }
0x49: {  	s28 =	sand.u32 $0xFFFFF80, s30  }
0x4a: {  	s31 =	rddreg [dreg:$0x6];
	s28 =	sadd.s32 s1, s28  }
0x4b: {  	[tilespmem:s31], [sflag:$0x2] =	stream.strided.gather [hbm4b:s28+s9], $0x1000, s8, s9, $0x38;
	[tilespmem:$0x13180] =	vst v63  }
0x4c: {  	s30 =	spop (v2sf)  }
0x4d: {  	s28 =	sand.u32 $0xFFFFF80, s30  }
0x4e: {  	s31 =	rddreg [dreg:$0x7];
	s30 =	spop (v2sf);
	s28 =	sadd.s32 s1, s28  }
0x4f: {  	[tilespmem:s31], [sflag:$0x2] =	stream.strided.gather [hbm4b:s28+s9], $0x1000, s8, s9, $0x38;
	[tilespmem:$0x13180] =	vst v63  }
0x50: {  	s28 =	sand.u32 $0xFFFFF80, s30  }
0x51: {  	s31 =	rddreg [dreg:$0x8];
	s30 =	spop (v2sf);
	s28 =	sadd.s32 s1, s28  }
0x52: {  	[tilespmem:s31], [sflag:$0x2] =	stream.strided.gather [hbm4b:s28+s9], $0x1000, s8, s9, $0x38;
	[tilespmem:$0x13180] =	vst v63  }
0x53: {  	s28 =	sand.u32 $0xFFFFF80, s30  }
0x54: {  	s31 =	rddreg [dreg:$0x9];
	s30 =	spop (v2sf);
	s28 =	sadd.s32 s1, s28  }
0x55: {  	[tilespmem:s31], [sflag:$0x2] =	stream.strided.gather [hbm4b:s28+s9], $0x1000, s8, s9, $0x38;
	[tilespmem:$0x13180] =	vst v63  }
0x56: {  	s28 =	sand.u32 $0xFFFFF80, s30  }
0x57: {  	s31 =	rddreg [dreg:$0xa];
	s28 =	sadd.s32 s1, s28  }
0x58: {  	[tilespmem:s31], [sflag:$0x2] =	stream.strided.gather [hbm4b:s28+s9], $0x1000, s8, s9, $0x38;
	[tilespmem:$0x13180] =	vst v63  }
0x59: {  	_ =	swait.ge [sflag:s19], $0x1000  }
0x5a: {  	[sflag:s19] =	ssyncset.done $0x0  }
0x5b: {  	[sflag:s19] =	ssyncadd.s32 $0xFFFFF000  }
0x5c: {  	_ =	swait.ge [sflag:s19], $0x1000  }
0x5d: {  	[sflag:s19] =	ssyncset.done $0x0  }
0x5e: {  	[sflag:s19] =	ssyncadd.s32 $0xFFFFF000  }
0x5f: {  	_ =	swait.ge [sflag:s19], $0x1000  }
0x60: {  	[sflag:s19] =	ssyncset.done $0x0  }
0x61: {  	[sflag:s19] =	ssyncadd.s32 $0xFFFFF000  }
0x62: {  	_ =	swait.ge [sflag:s19], $0x1000  }
0x63: {  	[sflag:s19] =	ssyncset.done $0x0  }
0x64: {  	[sflag:s19] =	ssyncadd.s32 $0xFFFFF000  }
0x65: {  	_ =	swait.ge [sflag:s19], $0x1000  }
0x66: {  	[sflag:s19] =	ssyncset.done $0x0  }
0x67: {  	[sflag:s19] =	ssyncadd.s32 $0xFFFFF000  }
0x68: {  	_ =	swait.ge [sflag:s19], $0x1000  }
0x69: {  	[sflag:s19] =	ssyncset.done $0x0  }
0x6a: {  	[sflag:s19] =	ssyncadd.s32 $0xFFFFF000  }
0x6b: {  	_ =	swait.ge [sflag:s19], $0x1000  }
0x6c: {  	[sflag:s19] =	ssyncset.done $0x0  }
0x6d: {  	[sflag:s19] =	ssyncadd.s32 $0xFFFFF000  }
0x6e: {  	_ =	swait.ge [sflag:s19], $0x1000  }
0x6f: {  	[sflag:s19] =	ssyncset.done $0x0  }
0x70: {  	[sflag:s19] =	ssyncadd.s32 $0xFFFFF000  }
0x71: {  	v18 =	vld [tilespmem:s26+$0x0];
	_ =	sdelay $0x4  }
0x72: {  	v18 =	vand.u32 $0x7F, v18  }
0x73: {  	v19 =	vbroadcast v18, $0x0;
	_ =	sdelay $0x1  }
0x74: {  	v20 =	vor.u32 v0, v19  }
0x75: {  	v19 =	vor.u32 v1, v19;
	_ =	sdelay $0x3  }
0x76: {  	v20 =	vld.idx.msk [tilespmem:v20+s10+$0x0], $0xffff  }
0x77: {  	v19 =	vld.idx.msk [tilespmem:v19+s10+$0x0], $0xffff;
	_ =	sdelay $0x4  }
0x78: {  	v21 =	vmul.f32 v20, v20;
	v22 =	vmul.f32 v19, v19;
	_ =	sdelay $0x1  }
0x79: {  	v21 =	vadd.f32 v22, v21;
	_ =	sdelay $0x1  }
0x7a: {  	(xrf2) =	vadd.scan.msk.f32 $0xffff, v21;
	_ =	sdelay $0x9  }
0x7b: {  	v21, _, _ =	vpop (xrf2)  }
0x7c: {  	v21 =	vbroadcast v21, $0xF;
	_ =	sdelay $0x1  }
0x7d: {  	v42 =	vshrl.u32 v21, $0x1;
	v21 =	vmul.f32 $5.000000000e-01, v21  }
0x7e: {  	v22 =	vsub.s32 $0x5F3759DF, v42  }
0x7f: {  	v23 =	vmul.f32 v22, v21;
	_ =	sdelay $0x1  }
0x80: {  	v23 =	vmul.f32 v22, v23;
	_ =	sdelay $0x1  }
0x81: {  	v23 =	vsub.f32 $1.500000000e+00, v23;
	_ =	sdelay $0x1  }
0x82: {  	v22 =	vmul.f32 v22, v23;
	_ =	sdelay $0x1  }
0x83: {  	v23 =	vmul.f32 v22, v21;
	_ =	sdelay $0x1  }
0x84: {  	v23 =	vmul.f32 v23, v22;
	_ =	sdelay $0x1  }
0x85: {  	v23 =	vsub.f32 $1.500000000e+00, v23;
	_ =	sdelay $0x1  }
0x86: {  	v22 =	vmul.f32 v23, v22;
	_ =	sdelay $0x1  }
0x87: {  	s29 =	sadd.s32 $0xFFFFFFF1, s25;
	v21 =	vmul.f32 v22, v21  }
0x88: {  	v43 =	vmov s29  }
0x89: {  	v24 =	vshll.u32 v43, $0x3;
	v21 =	vmul.f32 v21, v22  }
0x8a: {  	v24 =	vand.u32 $0xC00, v24;
	v23 =	vand.u32 $0x70, v43  }
0x8b: {  	v23 =	vor.u32 v23, v24;
	v21 =	vsub.f32 $1.500000000e+00, v21  }
0x8c: {  	v25 =	vbroadcast v18, $0x1;
	v24 =	vadd.s32 v2, v23  }
0x8d: {  	v44 =	vadd.s32 v3, v23;
	v21 =	vmul.f32 v21, v22  }
0x8e: {  	v45 =	vor.u32 v4, v25  }
0x8f: {  	v25 =	vor.u32 v5, v25;
	v20 =	vmul.f32 v21, v20  }
0x90: {  	v19 =	vmul.f32 v21, v19  }
0x91: {  	[tilespmem:v24+s20+$0x0] =	vst.idx.msk $0xffff, v20  }
0x92: {  	[tilespmem:v44+s20+$0x0] =	vst.idx.msk $0xffff, v19  }
0x93: {  	v19 =	vld.idx.msk [tilespmem:v45+s10+$0x0], $0xffff  }
0x94: {  	v20 =	vld.idx.msk [tilespmem:v25+s10+$0x0], $0xffff;
	_ =	sdelay $0x4  }
0x95: {  	v46 =	vmul.f32 v19, v19;
	v47 =	vmul.f32 v20, v20;
	_ =	sdelay $0x1  }
0x96: {  	v21 =	vadd.f32 v47, v46;
	_ =	sdelay $0x1  }
0x97: {  	(xrf2) =	vadd.scan.msk.f32 $0xffff, v21;
	_ =	sdelay $0x9  }
0x98: {  	v21, _, _ =	vpop (xrf2)  }
0x99: {  	v21 =	vbroadcast v21, $0xF;
	_ =	sdelay $0x1  }
0x9a: {  	v48 =	vshrl.u32 v21, $0x1;
	v21 =	vmul.f32 $5.000000000e-01, v21  }
0x9b: {  	v22 =	vsub.s32 $0x5F3759DF, v48  }
0x9c: {  	v49 =	vmul.f32 v22, v21;
	_ =	sdelay $0x1  }
0x9d: {  	v23 =	vmul.f32 v22, v49;
	_ =	sdelay $0x1  }
0x9e: {  	v23 =	vsub.f32 $1.500000000e+00, v23;
	_ =	sdelay $0x1  }
0x9f: {  	v22 =	vmul.f32 v22, v23;
	_ =	sdelay $0x1  }
0xa0: {  	v23 =	vmul.f32 v22, v21;
	_ =	sdelay $0x1  }
0xa1: {  	v23 =	vmul.f32 v23, v22;
	_ =	sdelay $0x1  }
0xa2: {  	v23 =	vsub.f32 $1.500000000e+00, v23;
	_ =	sdelay $0x1  }
0xa3: {  	v22 =	vmul.f32 v23, v22;
	_ =	sdelay $0x1  }
0xa4: {  	s30 =	sadd.s32 $0xFFFFFFF2, s25;
	v21 =	vmul.f32 v22, v21  }
0xa5: {  	v50 =	vmov s30  }
0xa6: {  	v51 =	vshll.u32 v50, $0x3;
	v21 =	vmul.f32 v21, v22  }
0xa7: {  	v24 =	vand.u32 $0xC00, v51;
	v23 =	vand.u32 $0x71, v50  }
0xa8: {  	v23 =	vor.u32 v23, v24;
	v21 =	vsub.f32 $1.500000000e+00, v21  }
0xa9: {  	v52 =	vbroadcast v18, $0x2;
	v24 =	vadd.s32 v2, v23  }
0xaa: {  	v53 =	vadd.s32 v3, v23;
	v21 =	vmul.f32 v21, v22  }
0xab: {  	v54 =	vor.u32 v6, v52  }
0xac: {  	v25 =	vor.u32 v7, v52;
	v19 =	vmul.f32 v21, v19  }
0xad: {  	v20 =	vmul.f32 v21, v20  }
0xae: {  	[tilespmem:v24+s20+$0x0] =	vst.idx.msk $0xffff, v19  }
0xaf: {  	[tilespmem:v53+s20+$0x0] =	vst.idx.msk $0xffff, v20  }
0xb0: {  	v19 =	vld.idx.msk [tilespmem:v54+s10+$0x0], $0xffff  }
0xb1: {  	v20 =	vld.idx.msk [tilespmem:v25+s10+$0x0], $0xffff;
	_ =	sdelay $0x4  }
0xb2: {  	v55 =	vmul.f32 v19, v19;
	v56 =	vmul.f32 v20, v20;
	_ =	sdelay $0x1  }
0xb3: {  	v21 =	vadd.f32 v56, v55;
	_ =	sdelay $0x1  }
0xb4: {  	(xrf2) =	vadd.scan.msk.f32 $0xffff, v21;
	_ =	sdelay $0x9  }
0xb5: {  	v21, _, _ =	vpop (xrf2)  }
0xb6: {  	v21 =	vbroadcast v21, $0xF;
	_ =	sdelay $0x1  }
0xb7: {  	v57 =	vshrl.u32 v21, $0x1;
	v21 =	vmul.f32 $5.000000000e-01, v21  }
0xb8: {  	v22 =	vsub.s32 $0x5F3759DF, v57  }
0xb9: {  	v58 =	vmul.f32 v22, v21;
	_ =	sdelay $0x1  }
0xba: {  	v23 =	vmul.f32 v22, v58;
	_ =	sdelay $0x1  }
0xbb: {  	v23 =	vsub.f32 $1.500000000e+00, v23;
	_ =	sdelay $0x1  }
0xbc: {  	v22 =	vmul.f32 v22, v23;
	_ =	sdelay $0x1  }
0xbd: {  	v23 =	vmul.f32 v22, v21;
	_ =	sdelay $0x1  }
0xbe: {  	v23 =	vmul.f32 v23, v22;
	_ =	sdelay $0x1  }
0xbf: {  	v23 =	vsub.f32 $1.500000000e+00, v23;
	_ =	sdelay $0x1  }
0xc0: {  	v22 =	vmul.f32 v23, v22;
	_ =	sdelay $0x1  }
0xc1: {  	s31 =	sadd.s32 $0xFFFFFFF3, s25;
	v21 =	vmul.f32 v22, v21  }
0xc2: {  	v59 =	vmov s31  }
0xc3: {  	v60 =	vshll.u32 v59, $0x3;
	v21 =	vmul.f32 v21, v22  }
0xc4: {  	v24 =	vand.u32 $0xC00, v60;
	v23 =	vand.u32 $0x72, v59  }
0xc5: {  	v23 =	vor.u32 v23, v24;
	v21 =	vsub.f32 $1.500000000e+00, v21  }
0xc6: {  	v61 =	vbroadcast v18, $0x3;
	v24 =	vadd.s32 v2, v23  }
0xc7: {  	v62 =	vadd.s32 v3, v23;
	v21 =	vmul.f32 v21, v22  }
0xc8: {  	v63 =	vor.u32 v8, v61  }
0xc9: {  	v25 =	vor.u32 v9, v61;
	v19 =	vmul.f32 v21, v19  }
0xca: {  	v20 =	vmul.f32 v21, v20  }
0xcb: {  	[tilespmem:v24+s20+$0x0] =	vst.idx.msk $0xffff, v19  }
0xcc: {  	[tilespmem:v62+s20+$0x0] =	vst.idx.msk $0xffff, v20  }
0xcd: {  	v19 =	vld.idx.msk [tilespmem:v63+s10+$0x0], $0xffff  }
0xce: {  	v20 =	vld.idx.msk [tilespmem:v25+s10+$0x0], $0xffff;
	_ =	sdelay $0x4  }
0xcf: {  	v28 =	vmul.f32 v19, v19;
	v29 =	vmul.f32 v20, v20;
	_ =	sdelay $0x1  }
0xd0: {  	v21 =	vadd.f32 v29, v28;
	_ =	sdelay $0x1  }
0xd1: {  	(xrf2) =	vadd.scan.msk.f32 $0xffff, v21;
	_ =	sdelay $0x9  }
0xd2: {  	v21, _, _ =	vpop (xrf2)  }
0xd3: {  	v21 =	vbroadcast v21, $0xF;
	_ =	sdelay $0x1  }
0xd4: {  	v30 =	vshrl.u32 v21, $0x1;
	v21 =	vmul.f32 $5.000000000e-01, v21  }
0xd5: {  	v22 =	vsub.s32 $0x5F3759DF, v30  }
0xd6: {  	v31 =	vmul.f32 v22, v21;
	_ =	sdelay $0x1  }
0xd7: {  	v23 =	vmul.f32 v22, v31;
	_ =	sdelay $0x1  }
0xd8: {  	v23 =	vsub.f32 $1.500000000e+00, v23;
	_ =	sdelay $0x1  }
0xd9: {  	v22 =	vmul.f32 v22, v23;
	_ =	sdelay $0x1  }
0xda: {  	v23 =	vmul.f32 v22, v21;
	_ =	sdelay $0x1  }
0xdb: {  	v23 =	vmul.f32 v23, v22;
	_ =	sdelay $0x1  }
0xdc: {  	v23 =	vsub.f32 $1.500000000e+00, v23;
	_ =	sdelay $0x1  }
0xdd: {  	v22 =	vmul.f32 v23, v22;
	_ =	sdelay $0x1  }
0xde: {  	s29 =	sadd.s32 $0xFFFFFFF4, s25;
	v21 =	vmul.f32 v22, v21  }
0xdf: {  	v32 =	vmov s29  }
0xe0: {  	v33 =	vshll.u32 v32, $0x3;
	v21 =	vmul.f32 v21, v22  }
0xe1: {  	v24 =	vand.u32 $0xC00, v33;
	v23 =	vand.u32 $0x73, v32  }
0xe2: {  	v23 =	vor.u32 v23, v24;
	v21 =	vsub.f32 $1.500000000e+00, v21  }
0xe3: {  	v34 =	vbroadcast v18, $0x4;
	v24 =	vadd.s32 v2, v23  }
0xe4: {  	v35 =	vadd.s32 v3, v23;
	v21 =	vmul.f32 v21, v22  }
0xe5: {  	v36 =	vor.u32 v10, v34  }
0xe6: {  	v25 =	vor.u32 v11, v34;
	v19 =	vmul.f32 v21, v19  }
0xe7: {  	v20 =	vmul.f32 v21, v20  }
0xe8: {  	[tilespmem:v24+s20+$0x0] =	vst.idx.msk $0xffff, v19  }
0xe9: {  	[tilespmem:v35+s20+$0x0] =	vst.idx.msk $0xffff, v20  }
0xea: {  	v19 =	vld.idx.msk [tilespmem:v36+s10+$0x0], $0xffff  }
0xeb: {  	v20 =	vld.idx.msk [tilespmem:v25+s10+$0x0], $0xffff;
	_ =	sdelay $0x4  }
0xec: {  	v37 =	vmul.f32 v19, v19;
	v38 =	vmul.f32 v20, v20;
	_ =	sdelay $0x1  }
0xed: {  	v21 =	vadd.f32 v38, v37;
	_ =	sdelay $0x1  }
0xee: {  	(xrf2) =	vadd.scan.msk.f32 $0xffff, v21;
	_ =	sdelay $0x9  }
0xef: {  	v21, _, _ =	vpop (xrf2)  }
0xf0: {  	v21 =	vbroadcast v21, $0xF;
	_ =	sdelay $0x1  }
0xf1: {  	v39 =	vshrl.u32 v21, $0x1;
	v21 =	vmul.f32 $5.000000000e-01, v21  }
0xf2: {  	v22 =	vsub.s32 $0x5F3759DF, v39  }
0xf3: {  	v40 =	vmul.f32 v22, v21;
	_ =	sdelay $0x1  }
0xf4: {  	v23 =	vmul.f32 v22, v40;
	_ =	sdelay $0x1  }
0xf5: {  	v23 =	vsub.f32 $1.500000000e+00, v23;
	_ =	sdelay $0x1  }
0xf6: {  	v22 =	vmul.f32 v22, v23;
	_ =	sdelay $0x1  }
0xf7: {  	v23 =	vmul.f32 v22, v21;
	_ =	sdelay $0x1  }
0xf8: {  	v23 =	vmul.f32 v23, v22;
	_ =	sdelay $0x1  }
0xf9: {  	v23 =	vsub.f32 $1.500000000e+00, v23;
	_ =	sdelay $0x1  }
0xfa: {  	v22 =	vmul.f32 v23, v22;
	_ =	sdelay $0x1  }
0xfb: {  	s30 =	sadd.s32 $0xFFFFFFF5, s25;
	v21 =	vmul.f32 v22, v21  }
0xfc: {  	v41 =	vmov s30  }
0xfd: {  	v42 =	vshll.u32 v41, $0x3;
	v21 =	vmul.f32 v21, v22  }
0xfe: {  	v24 =	vand.u32 $0xC00, v42;
	v23 =	vand.u32 $0x74, v41  }
0xff: {  	v23 =	vor.u32 v23, v24;
	v21 =	vsub.f32 $1.500000000e+00, v21  }
0x100: {  	v43 =	vbroadcast v18, $0x5;
	v24 =	vadd.s32 v2, v23  }
0x101: {  	v44 =	vadd.s32 v3, v23;
	v21 =	vmul.f32 v21, v22  }
0x102: {  	v45 =	vor.u32 v12, v43  }
0x103: {  	v25 =	vor.u32 v13, v43;
	v19 =	vmul.f32 v21, v19  }
0x104: {  	v20 =	vmul.f32 v21, v20  }
0x105: {  	[tilespmem:v24+s20+$0x0] =	vst.idx.msk $0xffff, v19  }
0x106: {  	[tilespmem:v44+s20+$0x0] =	vst.idx.msk $0xffff, v20  }
0x107: {  	v19 =	vld.idx.msk [tilespmem:v45+s10+$0x0], $0xffff  }
0x108: {  	v20 =	vld.idx.msk [tilespmem:v25+s10+$0x0], $0xffff;
	_ =	sdelay $0x4  }
0x109: {  	v46 =	vmul.f32 v19, v19;
	v47 =	vmul.f32 v20, v20;
	_ =	sdelay $0x1  }
0x10a: {  	v21 =	vadd.f32 v47, v46;
	_ =	sdelay $0x1  }
0x10b: {  	(xrf2) =	vadd.scan.msk.f32 $0xffff, v21;
	_ =	sdelay $0x9  }
0x10c: {  	v21, _, _ =	vpop (xrf2)  }
0x10d: {  	v21 =	vbroadcast v21, $0xF;
	_ =	sdelay $0x1  }
0x10e: {  	v48 =	vshrl.u32 v21, $0x1;
	v21 =	vmul.f32 $5.000000000e-01, v21  }
0x10f: {  	v22 =	vsub.s32 $0x5F3759DF, v48  }
0x110: {  	v49 =	vmul.f32 v22, v21;
	_ =	sdelay $0x1  }
0x111: {  	v23 =	vmul.f32 v22, v49;
	_ =	sdelay $0x1  }
0x112: {  	v23 =	vsub.f32 $1.500000000e+00, v23;
	_ =	sdelay $0x1  }
0x113: {  	v22 =	vmul.f32 v22, v23;
	_ =	sdelay $0x1  }
0x114: {  	v23 =	vmul.f32 v22, v21;
	_ =	sdelay $0x1  }
0x115: {  	v23 =	vmul.f32 v23, v22;
	_ =	sdelay $0x1  }
0x116: {  	v23 =	vsub.f32 $1.500000000e+00, v23;
	_ =	sdelay $0x1  }
0x117: {  	v22 =	vmul.f32 v23, v22;
	_ =	sdelay $0x1  }
0x118: {  	s31 =	sadd.s32 $0xFFFFFFF6, s25;
	v21 =	vmul.f32 v22, v21  }
0x119: {  	v50 =	vmov s31  }
0x11a: {  	v51 =	vshll.u32 v50, $0x3;
	v21 =	vmul.f32 v21, v22  }
0x11b: {  	v24 =	vand.u32 $0xC00, v51;
	v23 =	vand.u32 $0x75, v50  }
0x11c: {  	v23 =	vor.u32 v23, v24;
	v21 =	vsub.f32 $1.500000000e+00, v21  }
0x11d: {  	v52 =	vbroadcast v18, $0x6;
	v24 =	vadd.s32 v2, v23  }
0x11e: {  	v53 =	vadd.s32 v3, v23;
	v21 =	vmul.f32 v21, v22  }
0x11f: {  	v54 =	vor.u32 v14, v52  }
0x120: {  	v25 =	vor.u32 v15, v52;
	v19 =	vmul.f32 v21, v19  }
0x121: {  	v20 =	vmul.f32 v21, v20  }
0x122: {  	[tilespmem:v24+s20+$0x0] =	vst.idx.msk $0xffff, v19  }
0x123: {  	[tilespmem:v53+s20+$0x0] =	vst.idx.msk $0xffff, v20  }
0x124: {  	v19 =	vld.idx.msk [tilespmem:v54+s10+$0x0], $0xffff  }
0x125: {  	v20 =	vld.idx.msk [tilespmem:v25+s10+$0x0], $0xffff;
	_ =	sdelay $0x4  }
0x126: {  	v55 =	vmul.f32 v19, v19;
	v56 =	vmul.f32 v20, v20;
	_ =	sdelay $0x1  }
0x127: {  	v21 =	vadd.f32 v56, v55;
	_ =	sdelay $0x1  }
0x128: {  	(xrf2) =	vadd.scan.msk.f32 $0xffff, v21;
	_ =	sdelay $0x9  }
0x129: {  	v21, _, _ =	vpop (xrf2)  }
0x12a: {  	v21 =	vbroadcast v21, $0xF;
	_ =	sdelay $0x1  }
0x12b: {  	v57 =	vshrl.u32 v21, $0x1;
	v21 =	vmul.f32 $5.000000000e-01, v21  }
0x12c: {  	v22 =	vsub.s32 $0x5F3759DF, v57  }
0x12d: {  	v58 =	vmul.f32 v22, v21;
	_ =	sdelay $0x1  }
0x12e: {  	v23 =	vmul.f32 v22, v58;
	_ =	sdelay $0x1  }
0x12f: {  	v23 =	vsub.f32 $1.500000000e+00, v23;
	_ =	sdelay $0x1  }
0x130: {  	v22 =	vmul.f32 v22, v23;
	_ =	sdelay $0x1  }
0x131: {  	v23 =	vmul.f32 v22, v21;
	_ =	sdelay $0x1  }
0x132: {  	v23 =	vmul.f32 v23, v22;
	_ =	sdelay $0x1  }
0x133: {  	v23 =	vsub.f32 $1.500000000e+00, v23;
	_ =	sdelay $0x1  }
0x134: {  	v22 =	vmul.f32 v23, v22;
	_ =	sdelay $0x1  }
0x135: {  	s29 =	sadd.s32 $0xFFFFFFF7, s25;
	v21 =	vmul.f32 v22, v21  }
0x136: {  	v59 =	vmov s29  }
0x137: {  	v60 =	vshll.u32 v59, $0x3;
	v21 =	vmul.f32 v21, v22  }
0x138: {  	v24 =	vand.u32 $0xC00, v60;
	v23 =	vand.u32 $0x76, v59  }
0x139: {  	v23 =	vor.u32 v23, v24;
	v21 =	vsub.f32 $1.500000000e+00, v21  }
0x13a: {  	v18 =	vbroadcast v18, $0x7;
	v24 =	vadd.s32 v2, v23  }
0x13b: {  	v61 =	vadd.s32 v3, v23;
	v21 =	vmul.f32 v21, v22  }
0x13c: {  	v62 =	vor.u32 v16, v18  }
0x13d: {  	v18 =	vor.u32 v17, v18;
	v19 =	vmul.f32 v21, v19  }
0x13e: {  	v20 =	vmul.f32 v21, v20  }
0x13f: {  	[tilespmem:v24+s20+$0x0] =	vst.idx.msk $0xffff, v19  }
0x140: {  	[tilespmem:v61+s20+$0x0] =	vst.idx.msk $0xffff, v20  }
0x141: {  	v19 =	vld.idx.msk [tilespmem:v62+s10+$0x0], $0xffff  }
0x142: {  	v18 =	vld.idx.msk [tilespmem:v18+s10+$0x0], $0xffff;
	_ =	sdelay $0x4  }
0x143: {  	v63 =	vmul.f32 v19, v19;
	v24 =	vmul.f32 v18, v18;
	_ =	sdelay $0x1  }
0x144: {  	v20 =	vadd.f32 v24, v63;
	_ =	sdelay $0x1  }
0x145: {  	(xrf2) =	vadd.scan.msk.f32 $0xffff, v20;
	_ =	sdelay $0x9  }
0x146: {  	v20, _, _ =	vpop (xrf2)  }
0x147: {  	v20 =	vbroadcast v20, $0xF;
	_ =	sdelay $0x1  }
0x148: {  	v25 =	vshrl.u32 v20, $0x1;
	v20 =	vmul.f32 $5.000000000e-01, v20  }
0x149: {  	v21 =	vsub.s32 $0x5F3759DF, v25  }
0x14a: {  	v26 =	vmul.f32 v21, v20;
	_ =	sdelay $0x1  }
0x14b: {  	v22 =	vmul.f32 v21, v26;
	_ =	sdelay $0x1  }
0x14c: {  	v22 =	vsub.f32 $1.500000000e+00, v22;
	_ =	sdelay $0x1  }
0x14d: {  	v21 =	vmul.f32 v21, v22;
	_ =	sdelay $0x1  }
0x14e: {  	v22 =	vmul.f32 v21, v20;
	_ =	sdelay $0x1  }
0x14f: {  	v22 =	vmul.f32 v22, v21;
	_ =	sdelay $0x1  }
0x150: {  	v22 =	vsub.f32 $1.500000000e+00, v22;
	_ =	sdelay $0x1  }
0x151: {  	v21 =	vmul.f32 v22, v21;
	_ =	sdelay $0x1  }
0x152: {  	s30 =	sadd.s32 $0xFFFFFFF8, s25;
	v20 =	vmul.f32 v21, v20  }
0x153: {  	v27 =	vmov s30  }
0x154: {  	v28 =	vshll.u32 v27, $0x3;
	v20 =	vmul.f32 v20, v21  }
0x155: {  	v23 =	vand.u32 $0xC00, v28;
	v22 =	vand.u32 $0x77, v27  }
0x156: {  	v22 =	vor.u32 v22, v23;
	v20 =	vsub.f32 $1.500000000e+00, v20  }
0x157: {  	v23 =	vadd.s32 v2, v22  }
0x158: {  	v29 =	vadd.s32 v3, v22;
	v20 =	vmul.f32 v20, v21;
	_ =	sdelay $0x1  }
0x159: {  	v19 =	vmul.f32 v20, v19  }
0x15a: {  	v18 =	vmul.f32 v20, v18  }
0x15b: {  	[tilespmem:v23+s20+$0x0] =	vst.idx.msk $0xffff, v19  }
0x15c: {  	p0 =	seq.s32 s25, $0x17F;
	[tilespmem:v29+s20+$0x0] =	vst.idx.msk $0xffff, v18  }
0x15d: {  	v18 =	vld @!p0 [tilespmem:s26+$0x10];
	_ =	sdelay $0x4  }
0x15e: {  	(v2sf) =	vpush @!p0 v18, $0x0;
	_ =	sdelay $0x3  }
0x15f: {  	(v2sf) =	vpush @!p0 v18, $0x1;
	_ =	sdelay $0x3  }
0x160: {  	(v2sf) =	vpush @!p0 v18, $0x2;
	_ =	sdelay $0x3  }
0x161: {  	(v2sf) =	vpush @!p0 v18, $0x3;
	_ =	sdelay $0x2  }
0x162: {  	s28 =	spop @!p0 (v2sf)  }
0x163: {  	s30 =	simm.s32 @!p0 $0x7A1400;
	(v2sf) =	vpush @!p0 v18, $0x4;
	s28 =	sand.u32 @!p0 $0xFFFFF80, s28  }
0x164: {  	s31 =	simm.s32 @!p0 $0x180;
	s29 =	simm.s32 @!p0 $0x400;
	s28 =	sadd.s32 @!p0 s1, s28  }
0x165: {  	[tilespmem:s31], [sflag:$0x1] =	stream.strided.gather @!p0 [hbm4b:s28+s29], $0x1000, s30, s29, $0x38;
	[tilespmem:$0x13180] =	vst v63  }
0x166: {  	s28 =	spop @!p0 (v2sf)  }
0x167: {  	(v2sf) =	vpush @!p0 v18, $0x5;
	s28 =	sand.u32 @!p0 $0xFFFFF80, s28  }
0x168: {  	s31 =	simm.s32 @!p0 $0x1180;
	s28 =	sadd.s32 @!p0 s1, s28  }
0x169: {  	[tilespmem:s31], [sflag:$0x1] =	stream.strided.gather @!p0 [hbm4b:s28+s29], $0x1000, s30, s29, $0x38;
	[tilespmem:$0x13180] =	vst v63  }
0x16a: {  	s28 =	spop @!p0 (v2sf)  }
0x16b: {  	(v2sf) =	vpush @!p0 v18, $0x6;
	s28 =	sand.u32 @!p0 $0xFFFFF80, s28  }
0x16c: {  	s31 =	simm.s32 @!p0 $0x2180;
	s28 =	sadd.s32 @!p0 s1, s28  }
0x16d: {  	[tilespmem:s31], [sflag:$0x1] =	stream.strided.gather @!p0 [hbm4b:s28+s29], $0x1000, s30, s29, $0x38;
	[tilespmem:$0x13180] =	vst v63  }
0x16e: {  	s28 =	spop @!p0 (v2sf)  }
0x16f: {  	(v2sf) =	vpush @!p0 v18, $0x7;
	s28 =	sand.u32 @!p0 $0xFFFFF80, s28  }
0x170: {  	s31 =	simm.s32 @!p0 $0x3180;
	s28 =	sadd.s32 @!p0 s1, s28  }
0x171: {  	[tilespmem:s31], [sflag:$0x1] =	stream.strided.gather @!p0 [hbm4b:s28+s29], $0x1000, s30, s29, $0x38;
	[tilespmem:$0x13180] =	vst v63  }
0x172: {  	s28 =	spop @!p0 (v2sf)  }
0x173: {  	s28 =	sand.u32 @!p0 $0xFFFFF80, s28  }
0x174: {  	s31 =	simm.s32 @!p0 $0x4180;
	s28 =	sadd.s32 @!p0 s1, s28  }
0x175: {  	[tilespmem:s31], [sflag:$0x1] =	stream.strided.gather @!p0 [hbm4b:s28+s29], $0x1000, s30, s29, $0x38;
	[tilespmem:$0x13180] =	vst v63  }
0x176: {  	s28 =	spop @!p0 (v2sf)  }
0x177: {  	s28 =	sand.u32 @!p0 $0xFFFFF80, s28  }
0x178: {  	s31 =	simm.s32 @!p0 $0x5180;
	s28 =	sadd.s32 @!p0 s1, s28  }
0x179: {  	[tilespmem:s31], [sflag:$0x1] =	stream.strided.gather @!p0 [hbm4b:s28+s29], $0x1000, s30, s29, $0x38;
	[tilespmem:$0x13180] =	vst v63  }
0x17a: {  	s28 =	spop @!p0 (v2sf)  }
0x17b: {  	s28 =	sand.u32 @!p0 $0xFFFFF80, s28  }
0x17c: {  	s31 =	simm.s32 @!p0 $0x6180;
	s28 =	sadd.s32 @!p0 s1, s28  }
0x17d: {  	[tilespmem:s31], [sflag:$0x1] =	stream.strided.gather @!p0 [hbm4b:s28+s29], $0x1000, s30, s29, $0x38;
	[tilespmem:$0x13180] =	vst v63  }
0x17e: {  	s28 =	spop @!p0 (v2sf)  }
0x17f: {  	s28 =	sand.u32 @!p0 $0xFFFFF80, s28  }
0x180: {  	s31 =	simm.s32 @!p0 $0x7180;
	s28 =	sadd.s32 @!p0 s1, s28  }
0x181: {  	[tilespmem:s31], [sflag:$0x1] =	stream.strided.gather @!p0 [hbm4b:s28+s29], $0x1000, s30, s29, $0x38;
	[tilespmem:$0x13180] =	vst v63  }
0x182: {  	_ =	swait.ge [sflag:s21], $0x1000  }
0x183: {  	[sflag:s21] =	ssyncset.done $0x0  }
0x184: {  	[sflag:s21] =	ssyncadd.s32 $0xFFFFF000  }
0x185: {  	_ =	swait.ge [sflag:s21], $0x1000  }
0x186: {  	[sflag:s21] =	ssyncset.done $0x0  }
0x187: {  	[sflag:s21] =	ssyncadd.s32 $0xFFFFF000  }
0x188: {  	_ =	swait.ge [sflag:s21], $0x1000  }
0x189: {  	[sflag:s21] =	ssyncset.done $0x0  }
0x18a: {  	[sflag:s21] =	ssyncadd.s32 $0xFFFFF000  }
0x18b: {  	_ =	swait.ge [sflag:s21], $0x1000  }
0x18c: {  	[sflag:s21] =	ssyncset.done $0x0  }
0x18d: {  	[sflag:s21] =	ssyncadd.s32 $0xFFFFF000  }
0x18e: {  	_ =	swait.ge [sflag:s21], $0x1000  }
0x18f: {  	[sflag:s21] =	ssyncset.done $0x0  }
0x190: {  	[sflag:s21] =	ssyncadd.s32 $0xFFFFF000  }
0x191: {  	_ =	swait.ge [sflag:s21], $0x1000  }
0x192: {  	[sflag:s21] =	ssyncset.done $0x0  }
0x193: {  	[sflag:s21] =	ssyncadd.s32 $0xFFFFF000  }
0x194: {  	_ =	swait.ge [sflag:s21], $0x1000  }
0x195: {  	[sflag:s21] =	ssyncset.done $0x0  }
0x196: {  	[sflag:s21] =	ssyncadd.s32 $0xFFFFF000  }
0x197: {  	_ =	swait.ge [sflag:s21], $0x1000  }
0x198: {  	[sflag:s21] =	ssyncset.done $0x0  }
0x199: {  	[sflag:s21] =	ssyncadd.s32 $0xFFFFF000  }
0x19a: {  	v18 =	vld [tilespmem:s26+$0x0];
	_ =	sdelay $0x4  }
0x19b: {  	v18 =	vand.u32 $0x7F, v18  }
0x19c: {  	v19 =	vbroadcast v18, $0x8;
	_ =	sdelay $0x1  }
0x19d: {  	v30 =	vor.u32 v0, v19  }
0x19e: {  	v19 =	vor.u32 v1, v19;
	_ =	sdelay $0x3  }
0x19f: {  	v20 =	vld.idx.msk [tilespmem:v30+s18+$0x0], $0xffff  }
0x1a0: {  	v19 =	vld.idx.msk [tilespmem:v19+s18+$0x0], $0xffff;
	_ =	sdelay $0x4  }
0x1a1: {  	v31 =	vmul.f32 v20, v20;
	v32 =	vmul.f32 v19, v19;
	_ =	sdelay $0x1  }
0x1a2: {  	v21 =	vadd.f32 v32, v31;
	_ =	sdelay $0x1  }
0x1a3: {  	(xrf2) =	vadd.scan.msk.f32 $0xffff, v21;
	_ =	sdelay $0x9  }
0x1a4: {  	v21, _, _ =	vpop (xrf2)  }
0x1a5: {  	v21 =	vbroadcast v21, $0xF;
	_ =	sdelay $0x1  }
0x1a6: {  	v33 =	vshrl.u32 v21, $0x1;
	v21 =	vmul.f32 $5.000000000e-01, v21  }
0x1a7: {  	v22 =	vsub.s32 $0x5F3759DF, v33  }
0x1a8: {  	v34 =	vmul.f32 v22, v21;
	_ =	sdelay $0x1  }
0x1a9: {  	v23 =	vmul.f32 v22, v34;
	_ =	sdelay $0x1  }
0x1aa: {  	v23 =	vsub.f32 $1.500000000e+00, v23;
	_ =	sdelay $0x1  }
0x1ab: {  	v22 =	vmul.f32 v22, v23;
	_ =	sdelay $0x1  }
0x1ac: {  	v23 =	vmul.f32 v22, v21;
	_ =	sdelay $0x1  }
0x1ad: {  	v23 =	vmul.f32 v23, v22;
	_ =	sdelay $0x1  }
0x1ae: {  	v23 =	vsub.f32 $1.500000000e+00, v23;
	_ =	sdelay $0x1  }
0x1af: {  	v22 =	vmul.f32 v23, v22;
	_ =	sdelay $0x1  }
0x1b0: {  	s31 =	sadd.s32 $0xFFFFFFF9, s25;
	v21 =	vmul.f32 v22, v21  }
0x1b1: {  	v35 =	vmov s31  }
0x1b2: {  	v36 =	vshll.u32 v35, $0x3;
	v21 =	vmul.f32 v21, v22  }
0x1b3: {  	v24 =	vand.u32 $0xC00, v36;
	v23 =	vand.u32 $0x78, v35  }
0x1b4: {  	v23 =	vor.u32 v23, v24;
	v21 =	vsub.f32 $1.500000000e+00, v21  }
0x1b5: {  	v37 =	vbroadcast v18, $0x9;
	v24 =	vadd.s32 v2, v23  }
0x1b6: {  	v38 =	vadd.s32 v3, v23;
	v21 =	vmul.f32 v21, v22  }
0x1b7: {  	v39 =	vor.u32 v4, v37  }
0x1b8: {  	v25 =	vor.u32 v5, v37;
	v20 =	vmul.f32 v21, v20  }
0x1b9: {  	v19 =	vmul.f32 v21, v19  }
0x1ba: {  	[tilespmem:v24+s20+$0x0] =	vst.idx.msk $0xffff, v20  }
0x1bb: {  	[tilespmem:v38+s20+$0x0] =	vst.idx.msk $0xffff, v19  }
0x1bc: {  	v19 =	vld.idx.msk [tilespmem:v39+s18+$0x0], $0xffff  }
0x1bd: {  	v20 =	vld.idx.msk [tilespmem:v25+s18+$0x0], $0xffff;
	_ =	sdelay $0x4  }
0x1be: {  	v40 =	vmul.f32 v19, v19;
	v41 =	vmul.f32 v20, v20;
	_ =	sdelay $0x1  }
0x1bf: {  	v21 =	vadd.f32 v41, v40;
	_ =	sdelay $0x1  }
0x1c0: {  	(xrf2) =	vadd.scan.msk.f32 $0xffff, v21;
	_ =	sdelay $0x9  }
0x1c1: {  	v21, _, _ =	vpop (xrf2)  }
0x1c2: {  	v21 =	vbroadcast v21, $0xF;
	_ =	sdelay $0x1  }
0x1c3: {  	v42 =	vshrl.u32 v21, $0x1;
	v21 =	vmul.f32 $5.000000000e-01, v21  }
0x1c4: {  	v22 =	vsub.s32 $0x5F3759DF, v42  }
0x1c5: {  	v43 =	vmul.f32 v22, v21;
	_ =	sdelay $0x1  }
0x1c6: {  	v23 =	vmul.f32 v22, v43;
	_ =	sdelay $0x1  }
0x1c7: {  	v23 =	vsub.f32 $1.500000000e+00, v23;
	_ =	sdelay $0x1  }
0x1c8: {  	v22 =	vmul.f32 v22, v23;
	_ =	sdelay $0x1  }
0x1c9: {  	v23 =	vmul.f32 v22, v21;
	_ =	sdelay $0x1  }
0x1ca: {  	v23 =	vmul.f32 v23, v22;
	_ =	sdelay $0x1  }
0x1cb: {  	v23 =	vsub.f32 $1.500000000e+00, v23;
	_ =	sdelay $0x1  }
0x1cc: {  	v22 =	vmul.f32 v23, v22;
	_ =	sdelay $0x1  }
0x1cd: {  	s29 =	sadd.s32 $0xFFFFFFFA, s25;
	v21 =	vmul.f32 v22, v21  }
0x1ce: {  	v44 =	vmov s29  }
0x1cf: {  	v45 =	vshll.u32 v44, $0x3;
	v21 =	vmul.f32 v21, v22  }
0x1d0: {  	v24 =	vand.u32 $0xC00, v45;
	v23 =	vand.u32 $0x79, v44  }
0x1d1: {  	v23 =	vor.u32 v23, v24;
	v21 =	vsub.f32 $1.500000000e+00, v21  }
0x1d2: {  	v46 =	vbroadcast v18, $0xA;
	v24 =	vadd.s32 v2, v23  }
0x1d3: {  	v47 =	vadd.s32 v3, v23;
	v21 =	vmul.f32 v21, v22  }
0x1d4: {  	v48 =	vor.u32 v6, v46  }
0x1d5: {  	v25 =	vor.u32 v7, v46;
	v19 =	vmul.f32 v21, v19  }
0x1d6: {  	v20 =	vmul.f32 v21, v20  }
0x1d7: {  	[tilespmem:v24+s20+$0x0] =	vst.idx.msk $0xffff, v19  }
0x1d8: {  	[tilespmem:v47+s20+$0x0] =	vst.idx.msk $0xffff, v20  }
0x1d9: {  	v19 =	vld.idx.msk [tilespmem:v48+s18+$0x0], $0xffff  }
0x1da: {  	v20 =	vld.idx.msk [tilespmem:v25+s18+$0x0], $0xffff;
	_ =	sdelay $0x4  }
0x1db: {  	v49 =	vmul.f32 v19, v19;
	v50 =	vmul.f32 v20, v20;
	_ =	sdelay $0x1  }
0x1dc: {  	v21 =	vadd.f32 v50, v49;
	_ =	sdelay $0x1  }
0x1dd: {  	(xrf2) =	vadd.scan.msk.f32 $0xffff, v21;
	_ =	sdelay $0x9  }
0x1de: {  	v21, _, _ =	vpop (xrf2)  }
0x1df: {  	v21 =	vbroadcast v21, $0xF;
	_ =	sdelay $0x1  }
0x1e0: {  	v51 =	vshrl.u32 v21, $0x1;
	v21 =	vmul.f32 $5.000000000e-01, v21  }
0x1e1: {  	v22 =	vsub.s32 $0x5F3759DF, v51  }
0x1e2: {  	v52 =	vmul.f32 v22, v21;
	_ =	sdelay $0x1  }
0x1e3: {  	v23 =	vmul.f32 v22, v52;
	_ =	sdelay $0x1  }
0x1e4: {  	v23 =	vsub.f32 $1.500000000e+00, v23;
	_ =	sdelay $0x1  }
0x1e5: {  	v22 =	vmul.f32 v22, v23;
	_ =	sdelay $0x1  }
0x1e6: {  	v23 =	vmul.f32 v22, v21;
	_ =	sdelay $0x1  }
0x1e7: {  	v23 =	vmul.f32 v23, v22;
	_ =	sdelay $0x1  }
0x1e8: {  	v23 =	vsub.f32 $1.500000000e+00, v23;
	_ =	sdelay $0x1  }
0x1e9: {  	v22 =	vmul.f32 v23, v22;
	_ =	sdelay $0x1  }
0x1ea: {  	s30 =	sadd.s32 $0xFFFFFFFB, s25;
	v21 =	vmul.f32 v22, v21  }
0x1eb: {  	v53 =	vmov s30  }
0x1ec: {  	v54 =	vshll.u32 v53, $0x3;
	v21 =	vmul.f32 v21, v22  }
0x1ed: {  	v24 =	vand.u32 $0xC00, v54;
	v23 =	vand.u32 $0x7A, v53  }
0x1ee: {  	v23 =	vor.u32 v23, v24;
	v21 =	vsub.f32 $1.500000000e+00, v21  }
0x1ef: {  	v55 =	vbroadcast v18, $0xB;
	v24 =	vadd.s32 v2, v23  }
0x1f0: {  	v56 =	vadd.s32 v3, v23;
	v21 =	vmul.f32 v21, v22  }
0x1f1: {  	v57 =	vor.u32 v8, v55  }
0x1f2: {  	v25 =	vor.u32 v9, v55;
	v19 =	vmul.f32 v21, v19  }
0x1f3: {  	v20 =	vmul.f32 v21, v20  }
0x1f4: {  	[tilespmem:v24+s20+$0x0] =	vst.idx.msk $0xffff, v19  }
0x1f5: {  	[tilespmem:v56+s20+$0x0] =	vst.idx.msk $0xffff, v20  }
0x1f6: {  	v19 =	vld.idx.msk [tilespmem:v57+s18+$0x0], $0xffff  }
0x1f7: {  	v20 =	vld.idx.msk [tilespmem:v25+s18+$0x0], $0xffff;
	_ =	sdelay $0x4  }
0x1f8: {  	v58 =	vmul.f32 v19, v19;
	v59 =	vmul.f32 v20, v20;
	_ =	sdelay $0x1  }
0x1f9: {  	v21 =	vadd.f32 v59, v58;
	_ =	sdelay $0x1  }
0x1fa: {  	(xrf2) =	vadd.scan.msk.f32 $0xffff, v21;
	_ =	sdelay $0x9  }
0x1fb: {  	v21, _, _ =	vpop (xrf2)  }
0x1fc: {  	v21 =	vbroadcast v21, $0xF;
	_ =	sdelay $0x1  }
0x1fd: {  	v60 =	vshrl.u32 v21, $0x1;
	v21 =	vmul.f32 $5.000000000e-01, v21  }
0x1fe: {  	v22 =	vsub.s32 $0x5F3759DF, v60  }
0x1ff: {  	v61 =	vmul.f32 v22, v21;
	_ =	sdelay $0x1  }
0x200: {  	v23 =	vmul.f32 v22, v61;
	_ =	sdelay $0x1  }
0x201: {  	v23 =	vsub.f32 $1.500000000e+00, v23;
	_ =	sdelay $0x1  }
0x202: {  	v22 =	vmul.f32 v22, v23;
	_ =	sdelay $0x1  }
0x203: {  	v23 =	vmul.f32 v22, v21;
	_ =	sdelay $0x1  }
0x204: {  	v23 =	vmul.f32 v23, v22;
	_ =	sdelay $0x1  }
0x205: {  	v23 =	vsub.f32 $1.500000000e+00, v23;
	_ =	sdelay $0x1  }
0x206: {  	v22 =	vmul.f32 v23, v22;
	_ =	sdelay $0x1  }
0x207: {  	s31 =	sadd.s32 $0xFFFFFFFC, s25;
	v21 =	vmul.f32 v22, v21  }
0x208: {  	v62 =	vmov s31  }
0x209: {  	v63 =	vshll.u32 v62, $0x3;
	v21 =	vmul.f32 v21, v22  }
0x20a: {  	v24 =	vand.u32 $0xC00, v63;
	v23 =	vand.u32 $0x7B, v62  }
0x20b: {  	v23 =	vor.u32 v23, v24;
	v21 =	vsub.f32 $1.500000000e+00, v21  }
0x20c: {  	v28 =	vbroadcast v18, $0xC;
	v24 =	vadd.s32 v2, v23  }
0x20d: {  	v29 =	vadd.s32 v3, v23;
	v21 =	vmul.f32 v21, v22  }
0x20e: {  	v30 =	vor.u32 v10, v28  }
0x20f: {  	v25 =	vor.u32 v11, v28;
	v19 =	vmul.f32 v21, v19  }
0x210: {  	v20 =	vmul.f32 v21, v20  }
0x211: {  	[tilespmem:v24+s20+$0x0] =	vst.idx.msk $0xffff, v19  }
0x212: {  	[tilespmem:v29+s20+$0x0] =	vst.idx.msk $0xffff, v20  }
0x213: {  	v19 =	vld.idx.msk [tilespmem:v30+s18+$0x0], $0xffff  }
0x214: {  	v20 =	vld.idx.msk [tilespmem:v25+s18+$0x0], $0xffff;
	_ =	sdelay $0x4  }
0x215: {  	v31 =	vmul.f32 v19, v19;
	v32 =	vmul.f32 v20, v20;
	_ =	sdelay $0x1  }
0x216: {  	v21 =	vadd.f32 v32, v31;
	_ =	sdelay $0x1  }
0x217: {  	(xrf2) =	vadd.scan.msk.f32 $0xffff, v21;
	_ =	sdelay $0x9  }
0x218: {  	v21, _, _ =	vpop (xrf2)  }
0x219: {  	v21 =	vbroadcast v21, $0xF;
	_ =	sdelay $0x1  }
0x21a: {  	v33 =	vshrl.u32 v21, $0x1;
	v21 =	vmul.f32 $5.000000000e-01, v21  }
0x21b: {  	v22 =	vsub.s32 $0x5F3759DF, v33  }
0x21c: {  	v34 =	vmul.f32 v22, v21;
	_ =	sdelay $0x1  }
0x21d: {  	v23 =	vmul.f32 v22, v34;
	_ =	sdelay $0x1  }
0x21e: {  	v23 =	vsub.f32 $1.500000000e+00, v23;
	_ =	sdelay $0x1  }
0x21f: {  	v22 =	vmul.f32 v22, v23;
	_ =	sdelay $0x1  }
0x220: {  	v23 =	vmul.f32 v22, v21;
	_ =	sdelay $0x1  }
0x221: {  	v23 =	vmul.f32 v23, v22;
	_ =	sdelay $0x1  }
0x222: {  	v23 =	vsub.f32 $1.500000000e+00, v23;
	_ =	sdelay $0x1  }
0x223: {  	v22 =	vmul.f32 v23, v22;
	_ =	sdelay $0x1  }
0x224: {  	s29 =	sadd.s32 $0xFFFFFFFD, s25;
	v21 =	vmul.f32 v22, v21  }
0x225: {  	v35 =	vmov s29  }
0x226: {  	v36 =	vshll.u32 v35, $0x3;
	v21 =	vmul.f32 v21, v22  }
0x227: {  	v24 =	vand.u32 $0xC00, v36;
	v23 =	vand.u32 $0x7C, v35  }
0x228: {  	v23 =	vor.u32 v23, v24;
	v21 =	vsub.f32 $1.500000000e+00, v21  }
0x229: {  	v37 =	vbroadcast v18, $0xD;
	v24 =	vadd.s32 v2, v23  }
0x22a: {  	v38 =	vadd.s32 v3, v23;
	v21 =	vmul.f32 v21, v22  }
0x22b: {  	v39 =	vor.u32 v12, v37  }
0x22c: {  	v25 =	vor.u32 v13, v37;
	v19 =	vmul.f32 v21, v19  }
0x22d: {  	v20 =	vmul.f32 v21, v20  }
0x22e: {  	[tilespmem:v24+s20+$0x0] =	vst.idx.msk $0xffff, v19  }
0x22f: {  	[tilespmem:v38+s20+$0x0] =	vst.idx.msk $0xffff, v20  }
0x230: {  	v19 =	vld.idx.msk [tilespmem:v39+s18+$0x0], $0xffff  }
0x231: {  	v20 =	vld.idx.msk [tilespmem:v25+s18+$0x0], $0xffff;
	_ =	sdelay $0x4  }
0x232: {  	v40 =	vmul.f32 v19, v19;
	v41 =	vmul.f32 v20, v20;
	_ =	sdelay $0x1  }
0x233: {  	v21 =	vadd.f32 v41, v40;
	_ =	sdelay $0x1  }
0x234: {  	(xrf2) =	vadd.scan.msk.f32 $0xffff, v21;
	_ =	sdelay $0x9  }
0x235: {  	v21, _, _ =	vpop (xrf2)  }
0x236: {  	v21 =	vbroadcast v21, $0xF;
	_ =	sdelay $0x1  }
0x237: {  	v42 =	vshrl.u32 v21, $0x1;
	v21 =	vmul.f32 $5.000000000e-01, v21  }
0x238: {  	v22 =	vsub.s32 $0x5F3759DF, v42  }
0x239: {  	v43 =	vmul.f32 v22, v21;
	_ =	sdelay $0x1  }
0x23a: {  	v23 =	vmul.f32 v22, v43;
	_ =	sdelay $0x1  }
0x23b: {  	v23 =	vsub.f32 $1.500000000e+00, v23;
	_ =	sdelay $0x1  }
0x23c: {  	v22 =	vmul.f32 v22, v23;
	_ =	sdelay $0x1  }
0x23d: {  	v23 =	vmul.f32 v22, v21;
	_ =	sdelay $0x1  }
0x23e: {  	v23 =	vmul.f32 v23, v22;
	_ =	sdelay $0x1  }
0x23f: {  	v23 =	vsub.f32 $1.500000000e+00, v23;
	_ =	sdelay $0x1  }
0x240: {  	v22 =	vmul.f32 v23, v22;
	_ =	sdelay $0x1  }
0x241: {  	s30 =	sadd.s32 $0xFFFFFFFE, s25;
	v21 =	vmul.f32 v22, v21  }
0x242: {  	v44 =	vmov s30  }
0x243: {  	v45 =	vshll.u32 v44, $0x3;
	v21 =	vmul.f32 v21, v22  }
0x244: {  	v24 =	vand.u32 $0xC00, v45;
	v23 =	vand.u32 $0x7D, v44  }
0x245: {  	v23 =	vor.u32 v23, v24;
	v21 =	vsub.f32 $1.500000000e+00, v21  }
0x246: {  	v46 =	vbroadcast v18, $0xE;
	v24 =	vadd.s32 v2, v23  }
0x247: {  	v47 =	vadd.s32 v3, v23;
	v21 =	vmul.f32 v21, v22  }
0x248: {  	v48 =	vor.u32 v14, v46  }
0x249: {  	v25 =	vor.u32 v15, v46;
	v19 =	vmul.f32 v21, v19  }
0x24a: {  	v20 =	vmul.f32 v21, v20  }
0x24b: {  	[tilespmem:v24+s20+$0x0] =	vst.idx.msk $0xffff, v19  }
0x24c: {  	[tilespmem:v47+s20+$0x0] =	vst.idx.msk $0xffff, v20  }
0x24d: {  	v19 =	vld.idx.msk [tilespmem:v48+s18+$0x0], $0xffff  }
0x24e: {  	v20 =	vld.idx.msk [tilespmem:v25+s18+$0x0], $0xffff;
	_ =	sdelay $0x4  }
0x24f: {  	v49 =	vmul.f32 v19, v19;
	v50 =	vmul.f32 v20, v20;
	_ =	sdelay $0x1  }
0x250: {  	v21 =	vadd.f32 v50, v49;
	_ =	sdelay $0x1  }
0x251: {  	(xrf2) =	vadd.scan.msk.f32 $0xffff, v21;
	_ =	sdelay $0x9  }
0x252: {  	v21, _, _ =	vpop (xrf2)  }
0x253: {  	v21 =	vbroadcast v21, $0xF;
	_ =	sdelay $0x1  }
0x254: {  	v51 =	vshrl.u32 v21, $0x1;
	v21 =	vmul.f32 $5.000000000e-01, v21  }
0x255: {  	v22 =	vsub.s32 $0x5F3759DF, v51  }
0x256: {  	v52 =	vmul.f32 v22, v21;
	_ =	sdelay $0x1  }
0x257: {  	v23 =	vmul.f32 v22, v52;
	_ =	sdelay $0x1  }
0x258: {  	v23 =	vsub.f32 $1.500000000e+00, v23;
	_ =	sdelay $0x1  }
0x259: {  	v22 =	vmul.f32 v22, v23;
	_ =	sdelay $0x1  }
0x25a: {  	v23 =	vmul.f32 v22, v21;
	_ =	sdelay $0x1  }
0x25b: {  	v23 =	vmul.f32 v23, v22;
	_ =	sdelay $0x1  }
0x25c: {  	v23 =	vsub.f32 $1.500000000e+00, v23;
	_ =	sdelay $0x1  }
0x25d: {  	v22 =	vmul.f32 v23, v22;
	_ =	sdelay $0x1  }
0x25e: {  	s31 =	sadd.s32 $0xFFFFFFFF, s25;
	v21 =	vmul.f32 v22, v21  }
0x25f: {  	v53 =	vmov s31  }
0x260: {  	v54 =	vshll.u32 v53, $0x3;
	v21 =	vmul.f32 v21, v22  }
0x261: {  	v24 =	vand.u32 $0xC00, v54;
	v23 =	vand.u32 $0x7E, v53  }
0x262: {  	v23 =	vor.u32 v23, v24;
	v21 =	vsub.f32 $1.500000000e+00, v21  }
0x263: {  	v18 =	vbroadcast v18, $0xF;
	v24 =	vadd.s32 v2, v23  }
0x264: {  	v55 =	vadd.s32 v3, v23;
	v21 =	vmul.f32 v21, v22  }
0x265: {  	v56 =	vor.u32 v16, v18  }
0x266: {  	v18 =	vor.u32 v17, v18;
	v19 =	vmul.f32 v21, v19  }
0x267: {  	v20 =	vmul.f32 v21, v20  }
0x268: {  	[tilespmem:v24+s20+$0x0] =	vst.idx.msk $0xffff, v19  }
0x269: {  	[tilespmem:v55+s20+$0x0] =	vst.idx.msk $0xffff, v20  }
0x26a: {  	v19 =	vld.idx.msk [tilespmem:v56+s18+$0x0], $0xffff  }
0x26b: {  	v18 =	vld.idx.msk [tilespmem:v18+s18+$0x0], $0xffff;
	_ =	sdelay $0x4  }
0x26c: {  	v57 =	vmul.f32 v19, v19;
	v58 =	vmul.f32 v18, v18;
	_ =	sdelay $0x1  }
0x26d: {  	v20 =	vadd.f32 v58, v57;
	_ =	sdelay $0x1  }
0x26e: {  	(xrf2) =	vadd.scan.msk.f32 $0xffff, v20;
	_ =	sdelay $0x9  }
0x26f: {  	v20, _, _ =	vpop (xrf2)  }
0x270: {  	v20 =	vbroadcast v20, $0xF;
	_ =	sdelay $0x1  }
0x271: {  	v59 =	vshrl.u32 v20, $0x1;
	v20 =	vmul.f32 $5.000000000e-01, v20  }
0x272: {  	v21 =	vsub.s32 $0x5F3759DF, v59  }
0x273: {  	v60 =	vmul.f32 v21, v20;
	_ =	sdelay $0x1  }
0x274: {  	v22 =	vmul.f32 v21, v60;
	_ =	sdelay $0x1  }
0x275: {  	v22 =	vsub.f32 $1.500000000e+00, v22;
	_ =	sdelay $0x1  }
0x276: {  	v21 =	vmul.f32 v21, v22;
	_ =	sdelay $0x1  }
0x277: {  	v22 =	vmul.f32 v21, v20;
	_ =	sdelay $0x1  }
0x278: {  	v22 =	vmul.f32 v22, v21;
	_ =	sdelay $0x1  }
0x279: {  	v22 =	vsub.f32 $1.500000000e+00, v22;
	_ =	sdelay $0x1  }
0x27a: {  	v21 =	vmul.f32 v22, v21;
	_ =	sdelay $0x1  }
0x27b: {  	v20 =	vmul.f32 v21, v20  }
0x27c: {  	v61 =	vmov s25  }
0x27d: {  	v62 =	vshll.u32 v61, $0x3;
	v20 =	vmul.f32 v20, v21  }
0x27e: {  	v23 =	vand.u32 $0xC00, v62;
	v22 =	vand.u32 $0x7F, v61  }
0x27f: {  	v22 =	vor.u32 v22, v23;
	v20 =	vsub.f32 $1.500000000e+00, v20  }
0x280: {  	s25 =	sadd.s32 $0x10, s25;
	v23 =	vadd.s32 v2, v22  }
0x281: {  	p0 =	sne.s32 s25, $0x18F;
	v63 =	vadd.s32 v3, v22;
	v20 =	vmul.f32 v20, v21  }
.Ltmp0:
0x282: {  	_ = 	snop;
	(pc) =	sbr.rel @p0 .LBB2_2-.Ltmp0, $4  }
0x283: {  	v19 =	vmul.f32 v20, v19  }
0x284: {  	v18 =	vmul.f32 v20, v18  }
0x285: {  	[tilespmem:v23+s20+$0x0] =	vst.idx.msk $0xffff, v19  }
0x286: {  	s26 =	sadd.s32 $0x10, s26;
	[tilespmem:v63+s20+$0x0] =	vst.idx.msk $0xffff, v18  }
0x287: {  	s24 =	sadd.s32 $0x1, s24  }
0x288: {  	p0 =	sne.s32 s24, s6  }
.Ltmp1:
0x289: {  	_ = 	snop;
	(pc) =	sbr.rel @p0 .LBB2_1-.Ltmp1, $4  }
0x28a: {  	[hbm4b:s5+s22] =	stream.strided.scatter [tilespmem:s20], [sflag:$0x3], $0x3000, s23, s22, $0x38;
	[tilespmem:$0x13180] =	vst v63  }
0x28b: {  	_ =	swait.ge [sflag:s7], $0x3000  }
0x28c: {  	[sflag:s7] =	ssyncset.done $0x0  }
0x28d: {  	[sflag:s7] =	ssyncadd.s32 $0xFFFFD000  }
0x28e: {  	_ =	sfence.sel $0x180000  }
0x28f: {  	[bflag:$0x0] =	sbarrier.arrive $0xFFFF  }
0x290: {  	p0 =	sne.s32 s0, $0x0;
	_ =	strace $0x90000047  }
0x291: {  	s0 =	sadd.s32 @!p0 $0x100000, s2;
	[bflag:$0x2] =	sbarrier.arrive $0xFFFF  }
0x292: {  	[sflag:s0] =	ssyncadd.tile.s32 @!p0 $0x1;
	_ =	shalt  }
.Lfunc_end2:
_tile_overlayer_lowered:
.L_overlay_start_2:
0x293: {  	(tag) =	ssettag $0x2  }
0x294: {  	s0 =	rddreg [dreg:$0x0];
	s2 =	stileid.u32  }
0x295: {  	s1 =	rddreg [dreg:$0x1];
	p0 =	sne.s32 s2, $0x0  }
0x296: {  	s3 =	rddreg [dreg:$0x2];
	[bflag:$0x3] =	sbarrier.arrive $0xFFFF;
	s2 =	simm.s32 @!p0 $0x1C03  }
0x297: {  	[timem:s3], [sflag:s2] =	dma.local @!p0 [hbm:s0], s1  }
0x298: {  	s0 =	simm.s32 @!p0 $0x3  }
0x299: {  	_ =	swait.ge @!p0 [sflag:s0], s1  }
0x29a: {  	s1 =	ssub.s32 @!p0 $0x0, s1;
	[sflag:s0] =	ssyncset.done @!p0 $0x0  }
0x29b: {  	[sflag:s0] =	ssyncadd.s32 @!p0 s1  }
0x29c: {  	[bflag:$0x3] =	sbarrier.arrive $0xFFFF  }
0x29d: {  	_ =	shalt  }

</sc_bundles>
